<compile_context>
chip_gen: v7x
topology: tpu7x:2x2x1
jax: 0.10.2.dev20260603
libtpu: 0.0.44.dev20260713+nightly
codegen_flags: <defaults>
</compile_context>

<pallas_src>
import functools

import jax
import jax.numpy as jnp
from jax import lax
from jax.experimental import pallas as pl
from jax.experimental.pallas import tpu as pltpu
from jax.experimental.pallas import tpu_sc as plsc

NC = 2
NS = 16
CHUNK = 128
ZBLK = 128
NW = NC * NS
ROW_ALIGN = NS * ZBLK
EDGE_ALIGN = NW * CHUNK


def _ceil_to(x, m):
    return (x + m - 1) // m * m


def _sc_edge_pass(y2d, gidx, lidx, n_acc, C):
    E_pad = gidx.shape[0]
    nch = E_pad // NW // CHUNK
    stripe = n_acc // NS
    nzb = stripe // ZBLK
    mesh = plsc.VectorSubcoreMesh(core_axis_name="c", subcore_axis_name="s")

    def body(y_hbm, g_hbm, l_hbm, out_hbm, gv, lv, rows, zbuf, acc, sem):
        c = lax.axis_index("c")
        s = lax.axis_index("s")
        w = c * NS + s

        def zrow(i, carry):
            for j in range(C // 16):
                zbuf[i, pl.ds(j * 16, 16)] = jnp.zeros((16,), jnp.float32)
            return carry

        lax.fori_loop(0, ZBLK, zrow, 0)

        def zcp(i, carry):
            pltpu.sync_copy(zbuf, acc.at[pl.ds(s * stripe + i * ZBLK, ZBLK)])
            return carry

        lax.fori_loop(0, nzb, zcp, 0)
        plsc.subcore_barrier()

        def chunk(i, carry):
            base = (w * nch + i) * CHUNK
            pltpu.sync_copy(g_hbm.at[pl.ds(base, CHUNK)], gv)
            pltpu.sync_copy(l_hbm.at[pl.ds(base, CHUNK)], lv)
            pltpu.async_copy(y_hbm.at[gv], rows, sem).wait()
            pltpu.sync_copy(rows, acc.at[lv], add=True)
            return carry

        lax.fori_loop(0, nch, chunk, 0)
        plsc.subcore_barrier()
        pltpu.sync_copy(acc.at[pl.ds(s * stripe, stripe)],
                        out_hbm.at[c, pl.ds(s * stripe, stripe)])

    f = pl.kernel(
        body,
        out_type=jax.ShapeDtypeStruct((NC, n_acc, C), jnp.float32),
        mesh=mesh,
        scratch_types=[
            pltpu.VMEM((CHUNK,), jnp.int32),
            pltpu.VMEM((CHUNK,), jnp.int32),
            pltpu.VMEM((CHUNK, C), jnp.float32),
            pltpu.VMEM((ZBLK, C), jnp.float32),
            pltpu.VMEM_SHARED((n_acc, C), jnp.float32),
            pltpu.SemaphoreType.DMA,
        ],
        compiler_params=pltpu.CompilerParams(use_tc_tiling_on_sc=False),
    )
    return f(y2d, gidx, lidx)


def _edge_prep(ein, eout, cnt, row_mul, k_mul, k_off, dummy):
    E = ein.shape[0]
    kidx = jnp.repeat(jnp.arange(27, dtype=jnp.int32), cnt,
                      total_repeat_length=E)
    gidx = ein.astype(jnp.int32) * row_mul + kidx * k_mul + k_off
    E_pad = _ceil_to(E, EDGE_ALIGN)
    pad = E_pad - E
    gidx = jnp.concatenate([gidx, jnp.zeros((pad,), jnp.int32)])
    lidx = jnp.concatenate([eout.astype(jnp.int32),
                            jnp.full((pad,), dummy, jnp.int32)])
    return gidx, lidx


def _stats(parts, n_out, blk=512):
    n_acc = parts[0].shape[1]
    cs = [p.shape[2] for p in parts]
    C = sum(cs)

    def body(*refs):
        o_ref = refs[-1]
        i = pl.program_id(0)
        xs = [r[0] + r[1] for r in refs[:-1]]
        x = xs[0] if len(xs) == 1 else jnp.concatenate(xs, axis=1)
        rows = lax.broadcasted_iota(jnp.int32, (blk, C), 0) + i * blk
        x = jnp.where(rows < n_out, x, 0.0)
        s1 = jnp.sum(x, axis=0, keepdims=True)
        s2 = jnp.sum(x * x, axis=0, keepdims=True)
        upd = jnp.concatenate([s1, s2, jnp.zeros((6, C), x.dtype)], axis=0)

        @pl.when(i == 0)
        def _init():
            o_ref[...] = upd

        @pl.when(i > 0)
        def _accum():
            o_ref[...] += upd

    return pl.pallas_call(
        body,
        grid=(n_acc // blk,),
        in_specs=[pl.BlockSpec((2, blk, c), lambda i: (0, i, 0)) for c in cs],
        out_specs=pl.BlockSpec((8, C), lambda i: (0, 0)),
        out_shape=jax.ShapeDtypeStruct((8, C), jnp.float32),
    )(*parts)


def _mm(wa, parts=None, stats=None, g=None, b=None, n=None, raw_x=None,
        skip=None, ws=None, want_act=False, blk=256):
    kdim, odim = wa.shape
    has_bn = parts is not None
    has_skip = skip is not None
    if has_bn:
        n_acc = parts[0].shape[1]
        cs = [p.shape[2] for p in parts]
        C = sum(cs)
    else:
        n_acc = raw_x.shape[0]
        C = raw_x.shape[1]

    def body(*refs):
        refs = list(refs)
        if want_act:
            act_ref = refs.pop()
        y_ref = refs.pop()
        it = iter(refs)
        if has_bn:
            p_refs = [next(it) for _ in parts]
            st_ref = next(it)
            g_ref = next(it)
            b_ref = next(it)
            xs = [r[0] + r[1] for r in p_refs]
            x = xs[0] if len(xs) == 1 else jnp.concatenate(xs, axis=1)
            m = st_ref[0:1, :] * (1.0 / n)
            var = st_ref[1:2, :] * (1.0 / n) - m * m
            inv = lax.rsqrt(var + 1e-5) * g_ref[...]
            a = jnp.maximum((x - m) * inv + b_ref[...], 0.0)
        else:
            a = next(it)[...]
        wa_ref = next(it)
        y = jnp.dot(a, wa_ref[...], preferred_element_type=jnp.float32)
        if has_skip:
            sk_ref = next(it)
            ws_ref = next(it)
            y = y + jnp.dot(sk_ref[...], ws_ref[...],
                            preferred_element_type=jnp.float32)
        y_ref[...] = y
        if want_act:
            act_ref[...] = a

    in_specs = []
    args = []
    if has_bn:
        for p, c in zip(parts, cs):
            in_specs.append(pl.BlockSpec((2, blk, c), lambda i: (0, i, 0)))
            args.append(p)
        in_specs.append(pl.BlockSpec((8, C), lambda i: (0, 0)))
        args.append(stats)
        in_specs.append(pl.BlockSpec((1, C), lambda i: (0, 0)))
        args.append(g.reshape(1, C))
        in_specs.append(pl.BlockSpec((1, C), lambda i: (0, 0)))
        args.append(b.reshape(1, C))
    else:
        in_specs.append(pl.BlockSpec((blk, C), lambda i: (i, 0)))
        args.append(raw_x)
    in_specs.append(pl.BlockSpec((kdim, odim), lambda i: (0, 0)))
    args.append(wa)
    if has_skip:
        cskip = skip.shape[1]
        in_specs.append(pl.BlockSpec((blk, cskip), lambda i: (i, 0)))
        args.append(skip)
        in_specs.append(pl.BlockSpec((cskip, odim), lambda i: (0, 0)))
        args.append(ws)

    out_specs = [pl.BlockSpec((blk, odim), lambda i: (i, 0))]
    out_shape = [jax.ShapeDtypeStruct((n_acc, odim), jnp.float32)]
    if want_act:
        out_specs.append(pl.BlockSpec((blk, C), lambda i: (i, 0)))
        out_shape.append(jax.ShapeDtypeStruct((n_acc, C), jnp.float32))

    res = pl.pallas_call(
        body,
        grid=(n_acc // blk,),
        in_specs=in_specs,
        out_specs=out_specs,
        out_shape=out_shape,
    )(*args)
    return res if want_act else res[0]


def _final_add(p, blk=512):
    n_acc, C = p.shape[1], p.shape[2]

    def body(p_ref, o_ref):
        o_ref[...] = p_ref[0] + p_ref[1]

    return pl.pallas_call(
        body,
        grid=(n_acc // blk,),
        in_specs=[pl.BlockSpec((2, blk, C), lambda i: (0, i, 0))],
        out_specs=pl.BlockSpec((blk, C), lambda i: (i, 0)),
        out_shape=jax.ShapeDtypeStruct((n_acc, C), jnp.float32),
    )(p)


def _flat_w(W):
    return W.transpose(1, 0, 2).reshape(W.shape[1], 27 * W.shape[2])


def kernel(feats, W0, g0, b0, W1, g1, b1, W2, g2, b2, W2t, g2t, b2t,
           W1t, g1t, b1t, W0t, ein0, eout0, cnt0, ein1, eout1, cnt1,
           ein2, eout2, cnt2, coords1, coords2):
    n0 = feats.shape[0]
    n1 = coords1.shape[0]
    n2 = coords2.shape[0]
    na0 = _ceil_to(n0 + 1, ROW_ALIGN)
    na1 = _ceil_to(n1 + 1, ROW_ALIGN)
    na2 = _ceil_to(n2 + 1, ROW_ALIGN)

    feats_p = jnp.pad(feats, ((0, na0 - n0), (0, 0)))
    Y0 = _mm(_flat_w(W0), raw_x=feats_p)
    gi, li = _edge_prep(ein0, eout0, cnt0, 27, 1, 0, n0)
    P0 = _sc_edge_pass(Y0.reshape(na0 * 27, 16), gi, li, na0, 16)

    st0 = _stats([P0], n0)
    Y1, act1 = _mm(_flat_w(W1), parts=[P0], stats=st0, g=g0, b=b0, n=n0,
                   want_act=True)
    gi, li = _edge_prep(ein1, eout1, cnt1, 27, 1, 0, n1)
    P1 = _sc_edge_pass(Y1.reshape(na0 * 27, 32), gi, li, na1, 32)

    st1 = _stats([P1], n1)
    Y2, act2 = _mm(_flat_w(W2), parts=[P1], stats=st1, g=g1, b=b1, n=n1,
                   want_act=True)
    gi, li = _edge_prep(ein2, eout2, cnt2, 27, 1, 0, n2)
    P2 = _sc_edge_pass(Y2.reshape(na1 * 27, 64), gi, li, na2, 64)

    st2 = _stats([P2], n2)
    Y3 = _mm(_flat_w(W2t), parts=[P2], stats=st2, g=g2, b=b2, n=n2)
    gi, li = _edge_prep(eout2, ein2, cnt2, 27, 1, 0, n1)
    P3 = _sc_edge_pass(Y3.reshape(na2 * 27, 32), gi, li, na1, 32)

    st3 = _stats([P3], n1)
    W1tf = _flat_w(W1t)
    Y4 = _mm(W1tf[:32], parts=[P3], stats=st3, g=g2t, b=b2t, n=n1,
             skip=act2, ws=W1tf[32:])
    y4r = Y4.reshape(na1 * 54, 16)
    halves = []
    for h in (0, 1):
        gi, li = _edge_prep(eout1, ein1, cnt1, 54, 2, h, n0)
        halves.append(_sc_edge_pass(y4r, gi, li, na0, 16))

    st4 = _stats(halves, n0)
    W0tp = jnp.pad(W0t, ((0, 0), (0, 0), (0, 14)))
    W0tf = _flat_w(W0tp)
    Y5 = _mm(W0tf[:32], parts=halves, stats=st4, g=g1t, b=b1t, n=n0,
             skip=act1, ws=W0tf[32:])
    gi, li = _edge_prep(ein0, eout0, cnt0, 27, 1, 0, n0)
    P5 = _sc_edge_pass(Y5.reshape(na0 * 27, 16), gi, li, na0, 16)
    out = _final_add(P5)
    return out[:n0, :2]

# --- scband reference (transcript-rebuilt; emitter-appended) ---
"""Pipeline reference for scband-unet3-lmcd-6451040878763 (READ-ONLY COPY).

The authoritative reference and input builder live on the scoring server;
editing this copy changes nothing except your own understanding.
"""

import jax, jax.numpy as jnp
import numpy as np


def _hash(c):
    c = c.astype(np.int64) + 1
    return (c[:, 0] * 70 + c[:, 1]) * 70 + c[:, 2]


def _kernel_map(in_coords, out_coords, stride):
    keys = _hash(in_coords)
    order = np.argsort(keys)
    skeys = keys[order]
    offs = np.array([[dx, dy, dz] for dx in (-1, 0, 1) for dy in (-1, 0, 1) for dz in (-1, 0, 1)], dtype=np.int64)
    ein, eout, counts = [], [], []
    for k in range(27):
        tgt = out_coords.astype(np.int64) * stride + offs[k]
        tk = _hash(tgt)
        pos = np.searchsorted(skeys, tk)
        pos_c = np.clip(pos, 0, len(skeys) - 1)
        m = skeys[pos_c] == tk
        ein.append(order[pos_c[m]])
        eout.append(np.nonzero(m)[0])
        counts.append(int(m.sum()))
    return (np.concatenate(ein).astype(np.int32), np.concatenate(eout).astype(np.int32), np.array(counts, dtype=np.int32))


def setup_inputs(seed: int = 0):
    rng = np.random.RandomState(0)
    raw = rng.randint(0, 64, size=(100000, 3))
    coords0 = np.unique(raw, axis=0)
    c1 = np.unique(coords0 // 2, axis=0)
    c2 = np.unique(c1 // 2, axis=0)
    ein0, eout0, cnt0 = _kernel_map(coords0, coords0, 1)
    ein1, eout1, cnt1 = _kernel_map(coords0, c1, 2)
    ein2, eout2, cnt2 = _kernel_map(c1, c2, 2)
    n0 = coords0.shape[0]
    key = jax.random.key(seed)
    ks = jax.random.split(key, 8)
    feats = jax.random.normal(ks[0], (n0, 8), jnp.float32)
    def w(k, shape):
        return jax.random.normal(k, shape, jnp.float32) * 0.05
    d = {
        'feats': feats,
        'W0': w(ks[1], (27, 8, 16)), 'g0': jnp.ones((16,), jnp.float32), 'b0': jnp.zeros((16,), jnp.float32),
        'W1': w(ks[2], (27, 16, 32)), 'g1': jnp.ones((32,), jnp.float32), 'b1': jnp.zeros((32,), jnp.float32),
        'W2': w(ks[3], (27, 32, 64)), 'g2': jnp.ones((64,), jnp.float32), 'b2': jnp.zeros((64,), jnp.float32),
        'W2t': w(ks[4], (27, 64, 32)), 'g2t': jnp.ones((32,), jnp.float32), 'b2t': jnp.zeros((32,), jnp.float32),
        'W1t': w(ks[5], (27, 64, 32)), 'g1t': jnp.ones((32,), jnp.float32), 'b1t': jnp.zeros((32,), jnp.float32),
        'W0t': w(ks[6], (27, 48, 2)),
        'ein0': jnp.asarray(ein0), 'eout0': jnp.asarray(eout0), 'cnt0': jnp.asarray(cnt0),
        'ein1': jnp.asarray(ein1), 'eout1': jnp.asarray(eout1), 'cnt1': jnp.asarray(cnt1),
        'ein2': jnp.asarray(ein2), 'eout2': jnp.asarray(eout2), 'cnt2': jnp.asarray(cnt2),
        'coords1': jnp.asarray(c1.astype(np.int32)), 'coords2': jnp.asarray(c2.astype(np.int32)),
    }
    return d


def _sconv(x, ein, eout, cnt, W, nout):
    E = ein.shape[0]
    kidx = jnp.searchsorted(jnp.cumsum(cnt), jnp.arange(E), side='right')
    xg = x[ein]
    out = jnp.zeros((nout, W.shape[2]), x.dtype)
    for k in range(W.shape[0]):
        contrib = jnp.where((kidx == k)[:, None], xg @ W[k], jnp.zeros((), x.dtype))
        out = out.at[eout].add(contrib)
    return out


def _bn_relu(x, g, b):
    m = x.mean(0)
    v = x.var(0)
    return jax.nn.relu((x - m) / jnp.sqrt(v + 1e-5) * g + b)


def reference(feats, W0, g0, b0, W1, g1, b1, W2, g2, b2, W2t, g2t, b2t, W1t, g1t, b1t, W0t, ein0, eout0, cnt0, ein1, eout1, cnt1, ein2, eout2, cnt2, coords1, coords2):
    n0 = feats.shape[0]
    n1 = coords1.shape[0]
    n2 = coords2.shape[0]
    out_s1 = _bn_relu(_sconv(feats, ein0, eout0, cnt0, W0, n0), g0, b0)
    out_s2 = _bn_relu(_sconv(out_s1, ein1, eout1, cnt1, W1, n1), g1, b1)
    out_s4 = _bn_relu(_sconv(out_s2, ein2, eout2, cnt2, W2, n2), g2, b2)
    # transposed conv: reverse the stride-2 kernel map (coarse -> fine)
    out = _bn_relu(_sconv(out_s4, eout2, ein2, cnt2, W2t, n1), g2t, b2t)
    out = jnp.concatenate([out, out_s2], axis=1)  # skip connection 0
    out = _bn_relu(_sconv(out, eout1, ein1, cnt1, W1t, n0), g1t, b1t)
    out = jnp.concatenate([out, out_s1], axis=1)  # skip connection 1
    return _sconv(out, ein0, eout0, cnt0, W0t, n0)

if __name__ == "__main__":
    import jax
    _d = setup_inputs()
    print(jax.jit(kernel)(*tuple(_d.values())))

</pallas_src>

<mosaic_0001>
#map = affine_map<(d0, d1) -> (0, 0)>
#map1 = affine_map<(d0, d1) -> (0)>
#map2 = affine_map<(d0, d1) -> (0, 0, 0)>
module attributes {stable_mosaic.version = 14 : i64} {
  func.func @body(%arg0: i32, %arg1: i32, %arg2: memref<884736x64xf32, #tpu.memory_space<hbm>>, %arg3: memref<102400xi32, #tpu.memory_space<hbm>>, %arg4: memref<102400xi32, #tpu.memory_space<hbm>>, %arg5: memref<2x6144x64xf32, #tpu.memory_space<hbm>>, %arg6: memref<128xi32, #tpu.memory_space<vmem>>, %arg7: memref<128xi32, #tpu.memory_space<vmem>>, %arg8: memref<128x64xf32, #tpu.memory_space<vmem>>, %arg9: memref<128x64xf32, #tpu.memory_space<vmem>>, %arg10: memref<6144x64xf32, #tpu.memory_space<vmem_shared>>, %arg11: memref<!tpu.dma_semaphore, #tpu.memory_space<semaphore_mem>>) attributes {dimension_semantics = [#tpu.dimension_semantics<core_parallel>, #tpu.dimension_semantics<subcore_parallel>], iteration_bounds = array<i64: 2, 16>, scalar_prefetch = 0 : i64, scratch_operands = 6 : i64, tpu.core_type = #tpu.core_type<sc_vector_subcore>, window_params = [{transform_indices = #map}, {transform_indices = #map1}, {transform_indices = #map1}, {transform_indices = #map2}]} {
    %mul3A = arith.constant 16 : i32
    %mul3A_0 = arith.muli %arg0, %mul3A : i32
    %add3A = arith.addi %mul3A_0, %arg1 : i32
    %scan3A = arith.constant 0 : i32
    %scan3A_1 = arith.constant 0 : i32
    %scan3A_2 = arith.constant 128 : i32
    %scan3A_3 = arith.addi %scan3A_1, %scan3A_2 : i32
    %scan3A_4 = arith.constant 1 : i32
    scf.for %scan3A_23 = %scan3A_1 to %scan3A_3 step %scan3A_4  : i32 {
      %broadcast_in_dim3A = arith.constant 0.000000e+00 : f32
      %broadcast_in_dim3A_24 = vector.broadcast %broadcast_in_dim3A : f32 to vector<16xf32>
      %swap3A = arith.index_cast %scan3A_23 : i32 to index
      %swap3A_25 = arith.constant 0 : index
      %swap3A_26 = tpu.vector_load %arg9[%swap3A, %swap3A_25] {strides = array<i32>} : memref<128x64xf32, #tpu.memory_space<vmem>>, vector<1x16xf32>,
      %swap3A_27 = vector.shape_cast %swap3A_26 : vector<1x16xf32> to vector<16xf32>
      %swap3A_28 = vector.shape_cast %broadcast_in_dim3A_24 : vector<16xf32> to vector<1x16xf32>
      tpu.vector_store %arg9[%swap3A, %swap3A_25], %swap3A_28 {strides = array<i32>} : memref<128x64xf32, #tpu.memory_space<vmem>>, vector<1x16xf32>,
      %broadcast_in_dim3A_29 = arith.constant 0.000000e+00 : f32
      %broadcast_in_dim3A_30 = vector.broadcast %broadcast_in_dim3A_29 : f32 to vector<16xf32>
      %swap3A_31 = arith.index_cast %scan3A_23 : i32 to index
      %swap3A_32 = arith.constant 16 : index
      %swap3A_33 = tpu.vector_load %arg9[%swap3A_31, %swap3A_32] {strides = array<i32>} : memref<128x64xf32, #tpu.memory_space<vmem>>, vector<1x16xf32>,
      %swap3A_34 = vector.shape_cast %swap3A_33 : vector<1x16xf32> to vector<16xf32>
      %swap3A_35 = vector.shape_cast %broadcast_in_dim3A_30 : vector<16xf32> to vector<1x16xf32>
      tpu.vector_store %arg9[%swap3A_31, %swap3A_32], %swap3A_35 {strides = array<i32>} : memref<128x64xf32, #tpu.memory_space<vmem>>, vector<1x16xf32>,
      %broadcast_in_dim3A_36 = arith.constant 0.000000e+00 : f32
      %broadcast_in_dim3A_37 = vector.broadcast %broadcast_in_dim3A_36 : f32 to vector<16xf32>
      %swap3A_38 = arith.index_cast %scan3A_23 : i32 to index
      %swap3A_39 = arith.constant 32 : index
      %swap3A_40 = tpu.vector_load %arg9[%swap3A_38, %swap3A_39] {strides = array<i32>} : memref<128x64xf32, #tpu.memory_space<vmem>>, vector<1x16xf32>,
      %swap3A_41 = vector.shape_cast %swap3A_40 : vector<1x16xf32> to vector<16xf32>
      %swap3A_42 = vector.shape_cast %broadcast_in_dim3A_37 : vector<16xf32> to vector<1x16xf32>
      tpu.vector_store %arg9[%swap3A_38, %swap3A_39], %swap3A_42 {strides = array<i32>} : memref<128x64xf32, #tpu.memory_space<vmem>>, vector<1x16xf32>,
      %broadcast_in_dim3A_43 = arith.constant 0.000000e+00 : f32
      %broadcast_in_dim3A_44 = vector.broadcast %broadcast_in_dim3A_43 : f32 to vector<16xf32>
      %swap3A_45 = arith.index_cast %scan3A_23 : i32 to index
      %swap3A_46 = arith.constant 48 : index
      %swap3A_47 = tpu.vector_load %arg9[%swap3A_45, %swap3A_46] {strides = array<i32>} : memref<128x64xf32, #tpu.memory_space<vmem>>, vector<1x16xf32>,
      %swap3A_48 = vector.shape_cast %swap3A_47 : vector<1x16xf32> to vector<16xf32>
      %swap3A_49 = vector.shape_cast %broadcast_in_dim3A_44 : vector<16xf32> to vector<1x16xf32>
      tpu.vector_store %arg9[%swap3A_45, %swap3A_46], %swap3A_49 {strides = array<i32>} : memref<128x64xf32, #tpu.memory_space<vmem>>, vector<1x16xf32>,
    }
    %scan3A_5 = arith.constant 128 : i32
    %scan3A_6 = arith.constant 0 : i32
    %scan3A_7 = arith.constant 0 : i32
    %scan3A_8 = arith.constant 3 : i32
    %scan3A_9 = arith.addi %scan3A_7, %scan3A_8 : i32
    %scan3A_10 = arith.constant 1 : i32
    scf.for %scan3A_23 = %scan3A_7 to %scan3A_9 step %scan3A_10  : i32 {
      %mul3A_24 = arith.constant 384 : i32
      %mul3A_25 = arith.muli %arg1, %mul3A_24 : i32
      %mul3A_26 = arith.constant 128 : i32
      %mul3A_27 = arith.muli %scan3A_23, %mul3A_26 : i32
      %add3A_28 = arith.addi %mul3A_25, %mul3A_27 : i32
      "tpu.region"() ({
        %run_scoped3A = tpu.sem_alloc : memref<!tpu.dma_semaphore, #tpu.memory_space<semaphore_mem>>
        %dma_start3A = arith.constant 0 : i32
        %dma_start3A_29 = tpu.memref_slice %arg10[%add3A_28, %dma_start3A] : memref<6144x64xf32, #tpu.memory_space<vmem_shared>> -> memref<128x64xf32, #tpu.memory_space<vmem_shared>>
        %dma_start3A_30 = arith.constant 0 : i32
        %dma_start3A_31 = tpu.memref_slice %arg10[%add3A_28, %dma_start3A_30] : memref<6144x64xf32, #tpu.memory_space<vmem_shared>> -> memref<128x64xf32, #tpu.memory_space<vmem_shared>>
        tpu.enqueue_dma source(%arg9 : memref<128x64xf32, #tpu.memory_space<vmem>>) target(%dma_start3A_31 : memref<128x64xf32, #tpu.memory_space<vmem_shared>>) target_semaphore(%run_scoped3A : memref<!tpu.dma_semaphore, #tpu.memory_space<semaphore_mem>>)
        %dma_wait3A = arith.constant 0 : i32
        %dma_wait3A_32 = tpu.memref_slice %arg10[%add3A_28, %dma_wait3A] : memref<6144x64xf32, #tpu.memory_space<vmem_shared>> -> memref<128x64xf32, #tpu.memory_space<vmem_shared>>
        %dma_wait3A_33 = arith.constant 0 : i32
        %dma_wait3A_34 = tpu.memref_slice %arg10[%add3A_28, %dma_wait3A_33] : memref<6144x64xf32, #tpu.memory_space<vmem_shared>> -> memref<128x64xf32, #tpu.memory_space<vmem_shared>>
        tpu.wait_dma2 semaphore(%run_scoped3A : memref<!tpu.dma_semaphore, #tpu.memory_space<semaphore_mem>>) src(%arg9 : memref<128x64xf32, #tpu.memory_space<vmem>>) dst(%dma_wait3A_34 : memref<128x64xf32, #tpu.memory_space<vmem_shared>>)
        tpu.yield
      }) : () -> ()
    }
    %scan3A_11 = arith.constant 3 : i32
    %barrier3A = arith.constant 0 : index
    tpu.barrier barrier_id(%barrier3A)
    %scan3A_12 = arith.constant 0 : i32
    %scan3A_13 = arith.constant 0 : i32
    %scan3A_14 = arith.constant 25 : i32
    %scan3A_15 = arith.addi %scan3A_13, %scan3A_14 : i32
    %scan3A_16 = arith.constant 1 : i32
    scf.for %scan3A_23 = %scan3A_13 to %scan3A_15 step %scan3A_16  : i32 {
      %mul3A_24 = arith.constant 25 : i32
      %mul3A_25 = arith.muli %add3A, %mul3A_24 : i32
      %add3A_26 = arith.addi %mul3A_25, %scan3A_23 : i32
      %mul3A_27 = arith.constant 128 : i32
      %mul3A_28 = arith.muli %add3A_26, %mul3A_27 : i32
      "tpu.region"() ({
        %run_scoped3A = tpu.sem_alloc : memref<!tpu.dma_semaphore, #tpu.memory_space<semaphore_mem>>
        %dma_start3A_33 = tpu.memref_slice %arg3[%mul3A_28] : memref<102400xi32, #tpu.memory_space<hbm>> -> memref<128xi32, #tpu.memory_space<hbm>>
        %dma_start3A_34 = tpu.memref_slice %arg3[%mul3A_28] : memref<102400xi32, #tpu.memory_space<hbm>> -> memref<128xi32, #tpu.memory_space<hbm>>
        tpu.enqueue_dma source(%dma_start3A_34 : memref<128xi32, #tpu.memory_space<hbm>>) target(%arg6 : memref<128xi32, #tpu.memory_space<vmem>>) target_semaphore(%run_scoped3A : memref<!tpu.dma_semaphore, #tpu.memory_space<semaphore_mem>>)
        %dma_wait3A_35 = tpu.memref_slice %arg3[%mul3A_28] : memref<102400xi32, #tpu.memory_space<hbm>> -> memref<128xi32, #tpu.memory_space<hbm>>
        %dma_wait3A_36 = tpu.memref_slice %arg3[%mul3A_28] : memref<102400xi32, #tpu.memory_space<hbm>> -> memref<128xi32, #tpu.memory_space<hbm>>
        tpu.wait_dma2 semaphore(%run_scoped3A : memref<!tpu.dma_semaphore, #tpu.memory_space<semaphore_mem>>) src(%dma_wait3A_36 : memref<128xi32, #tpu.memory_space<hbm>>) dst(%arg6 : memref<128xi32, #tpu.memory_space<vmem>>)
        tpu.yield
      }) : () -> ()
      "tpu.region"() ({
        %run_scoped3A = tpu.sem_alloc : memref<!tpu.dma_semaphore, #tpu.memory_space<semaphore_mem>>
        %dma_start3A_33 = tpu.memref_slice %arg4[%mul3A_28] : memref<102400xi32, #tpu.memory_space<hbm>> -> memref<128xi32, #tpu.memory_space<hbm>>
        %dma_start3A_34 = tpu.memref_slice %arg4[%mul3A_28] : memref<102400xi32, #tpu.memory_space<hbm>> -> memref<128xi32, #tpu.memory_space<hbm>>
        tpu.enqueue_dma source(%dma_start3A_34 : memref<128xi32, #tpu.memory_space<hbm>>) target(%arg7 : memref<128xi32, #tpu.memory_space<vmem>>) target_semaphore(%run_scoped3A : memref<!tpu.dma_semaphore, #tpu.memory_space<semaphore_mem>>)
        %dma_wait3A_35 = tpu.memref_slice %arg4[%mul3A_28] : memref<102400xi32, #tpu.memory_space<hbm>> -> memref<128xi32, #tpu.memory_space<hbm>>
        %dma_wait3A_36 = tpu.memref_slice %arg4[%mul3A_28] : memref<102400xi32, #tpu.memory_space<hbm>> -> memref<128xi32, #tpu.memory_space<hbm>>
        tpu.wait_dma2 semaphore(%run_scoped3A : memref<!tpu.dma_semaphore, #tpu.memory_space<semaphore_mem>>) src(%dma_wait3A_36 : memref<128xi32, #tpu.memory_space<hbm>>) dst(%arg7 : memref<128xi32, #tpu.memory_space<vmem>>)
        tpu.yield
      }) : () -> ()
      %dma_start3A = arith.constant 0 : i32
      %dma_start3A_29 = arith.constant 0 : i32
      %dma_start3A_30 = tpu.memref_slice %arg2[%dma_start3A, %dma_start3A_29] : memref<884736x64xf32, #tpu.memory_space<hbm>> -> memref<884736x64xf32, #tpu.memory_space<hbm>>
      tpu.enqueue_indirect_dma source(%dma_start3A_30 : memref<884736x64xf32, #tpu.memory_space<hbm>>) target(%arg8 : memref<128x64xf32, #tpu.memory_space<vmem>>) offsets(%arg6 : memref<128xi32, #tpu.memory_space<vmem>>) semaphore(%arg11 : memref<!tpu.dma_semaphore, #tpu.memory_space<semaphore_mem>>)
      %dma_wait3A = arith.constant 0 : i32
      %dma_wait3A_31 = arith.constant 0 : i32
      %dma_wait3A_32 = tpu.memref_slice %arg2[%dma_wait3A, %dma_wait3A_31] : memref<884736x64xf32, #tpu.memory_space<hbm>> -> memref<884736x64xf32, #tpu.memory_space<hbm>>
      tpu.wait_indirect_dma semaphore(%arg11 : memref<!tpu.dma_semaphore, #tpu.memory_space<semaphore_mem>>) src(%dma_wait3A_32 : memref<884736x64xf32, #tpu.memory_space<hbm>>) dst(%arg8 : memref<128x64xf32, #tpu.memory_space<vmem>>)
      "tpu.region"() ({
        %run_scoped3A = tpu.sem_alloc : memref<!tpu.dma_semaphore, #tpu.memory_space<semaphore_mem>>
        %dma_start3A_33 = arith.constant 0 : i32
        %dma_start3A_34 = arith.constant 0 : i32
        %dma_start3A_35 = tpu.memref_slice %arg10[%dma_start3A_33, %dma_start3A_34] : memref<6144x64xf32, #tpu.memory_space<vmem_shared>> -> memref<6144x64xf32, #tpu.memory_space<vmem_shared>>
        tpu.enqueue_indirect_dma source(%arg8 : memref<128x64xf32, #tpu.memory_space<vmem>>) target(%dma_start3A_35 : memref<6144x64xf32, #tpu.memory_space<vmem_shared>>) offsets(%arg7 : memref<128xi32, #tpu.memory_space<vmem>>) semaphore(%run_scoped3A : memref<!tpu.dma_semaphore, #tpu.memory_space<semaphore_mem>>) {add = true}
        %dma_wait3A_36 = arith.constant 0 : i32
        %dma_wait3A_37 = arith.constant 0 : i32
        %dma_wait3A_38 = tpu.memref_slice %arg10[%dma_wait3A_36, %dma_wait3A_37] : memref<6144x64xf32, #tpu.memory_space<vmem_shared>> -> memref<6144x64xf32, #tpu.memory_space<vmem_shared>>
        tpu.wait_indirect_dma semaphore(%run_scoped3A : memref<!tpu.dma_semaphore, #tpu.memory_space<semaphore_mem>>) src(%arg8 : memref<128x64xf32, #tpu.memory_space<vmem>>) dst(%dma_wait3A_38 : memref<6144x64xf32, #tpu.memory_space<vmem_shared>>)
        tpu.yield
      }) : () -> ()
    }
    %scan3A_17 = arith.constant 25 : i32
    %barrier3A_18 = arith.constant 0 : index
    tpu.barrier barrier_id(%barrier3A_18)
    %mul3A_19 = arith.constant 384 : i32
    %mul3A_20 = arith.muli %arg1, %mul3A_19 : i32
    %mul3A_21 = arith.constant 384 : i32
    %mul3A_22 = arith.muli %arg1, %mul3A_21 : i32
    "tpu.region"() ({
      %run_scoped3A = tpu.sem_alloc : memref<!tpu.dma_semaphore, #tpu.memory_space<semaphore_mem>>
      %dma_start3A = arith.constant 0 : i32
      %dma_start3A_23 = tpu.memref_slice %arg5[%arg0, %mul3A_22, %dma_start3A] : memref<2x6144x64xf32, #tpu.memory_space<hbm>> -> memref<1x384x64xf32, #tpu.memory_space<hbm>>
      %dma_start3A_24 = tpu.memref_squeeze %dma_start3A_23 : memref<1x384x64xf32, #tpu.memory_space<hbm>> -> memref<384x64xf32, #tpu.memory_space<hbm>>
      %dma_start3A_25 = arith.constant 0 : i32
      %dma_start3A_26 = tpu.memref_slice %arg10[%mul3A_20, %dma_start3A_25] : memref<6144x64xf32, #tpu.memory_space<vmem_shared>> -> memref<384x64xf32, #tpu.memory_space<vmem_shared>>
      tpu.enqueue_dma source(%dma_start3A_26 : memref<384x64xf32, #tpu.memory_space<vmem_shared>>) target(%dma_start3A_24 : memref<384x64xf32, #tpu.memory_space<hbm>>) target_semaphore(%run_scoped3A : memref<!tpu.dma_semaphore, #tpu.memory_space<semaphore_mem>>)
      %dma_wait3A = arith.constant 0 : i32
      %dma_wait3A_27 = tpu.memref_slice %arg5[%arg0, %mul3A_22, %dma_wait3A] : memref<2x6144x64xf32, #tpu.memory_space<hbm>> -> memref<1x384x64xf32, #tpu.memory_space<hbm>>
      %dma_wait3A_28 = tpu.memref_squeeze %dma_wait3A_27 : memref<1x384x64xf32, #tpu.memory_space<hbm>> -> memref<384x64xf32, #tpu.memory_space<hbm>>
      %dma_wait3A_29 = arith.constant 0 : i32
      %dma_wait3A_30 = tpu.memref_slice %arg10[%mul3A_20, %dma_wait3A_29] : memref<6144x64xf32, #tpu.memory_space<vmem_shared>> -> memref<384x64xf32, #tpu.memory_space<vmem_shared>>
      tpu.wait_dma2 semaphore(%run_scoped3A : memref<!tpu.dma_semaphore, #tpu.memory_space<semaphore_mem>>) src(%dma_wait3A_30 : memref<384x64xf32, #tpu.memory_space<vmem_shared>>) dst(%dma_wait3A_28 : memref<384x64xf32, #tpu.memory_space<hbm>>)
      tpu.yield
    }) : () -> ()
    return
  }
}

#map = affine_map<(d0, d1) -> (0, 0)>
#map1 = affine_map<(d0, d1) -> (0)>
#map2 = affine_map<(d0, d1) -> (0, 0, 0)>
module attributes {stable_mosaic.version = 14 : i64} {
  func.func @body(%arg0: i32, %arg1: i32, %arg2: memref<165888x32xf32, #tpu.memory_space<hbm>>, %arg3: memref<102400xi32, #tpu.memory_space<hbm>>, %arg4: memref<102400xi32, #tpu.memory_space<hbm>>, %arg5: memref<2x32768x32xf32, #tpu.memory_space<hbm>>, %arg6: memref<128xi32, #tpu.memory_space<vmem>>, %arg7: memref<128xi32, #tpu.memory_space<vmem>>, %arg8: memref<128x32xf32, #tpu.memory_space<vmem>>, %arg9: memref<128x32xf32, #tpu.memory_space<vmem>>, %arg10: memref<32768x32xf32, #tpu.memory_space<vmem_shared>>, %arg11: memref<!tpu.dma_semaphore, #tpu.memory_space<semaphore_mem>>) attributes {dimension_semantics = [#tpu.dimension_semantics<core_parallel>, #tpu.dimension_semantics<subcore_parallel>], iteration_bounds = array<i64: 2, 16>, scalar_prefetch = 0 : i64, scratch_operands = 6 : i64, tpu.core_type = #tpu.core_type<sc_vector_subcore>, window_params = [{transform_indices = #map}, {transform_indices = #map1}, {transform_indices = #map1}, {transform_indices = #map2}]} {
    %mul3A = arith.constant 16 : i32
    %mul3A_0 = arith.muli %arg0, %mul3A : i32
    %add3A = arith.addi %mul3A_0, %arg1 : i32
    %scan3A = arith.constant 0 : i32
    %scan3A_1 = arith.constant 0 : i32
    %scan3A_2 = arith.constant 128 : i32
    %scan3A_3 = arith.addi %scan3A_1, %scan3A_2 : i32
    %scan3A_4 = arith.constant 1 : i32
    scf.for %scan3A_23 = %scan3A_1 to %scan3A_3 step %scan3A_4  : i32 {
      %broadcast_in_dim3A = arith.constant 0.000000e+00 : f32
      %broadcast_in_dim3A_24 = vector.broadcast %broadcast_in_dim3A : f32 to vector<16xf32>
      %swap3A = arith.index_cast %scan3A_23 : i32 to index
      %swap3A_25 = arith.constant 0 : index
      %swap3A_26 = tpu.vector_load %arg9[%swap3A, %swap3A_25] {strides = array<i32>} : memref<128x32xf32, #tpu.memory_space<vmem>>, vector<1x16xf32>,
      %swap3A_27 = vector.shape_cast %swap3A_26 : vector<1x16xf32> to vector<16xf32>
      %swap3A_28 = vector.shape_cast %broadcast_in_dim3A_24 : vector<16xf32> to vector<1x16xf32>
      tpu.vector_store %arg9[%swap3A, %swap3A_25], %swap3A_28 {strides = array<i32>} : memref<128x32xf32, #tpu.memory_space<vmem>>, vector<1x16xf32>,
      %broadcast_in_dim3A_29 = arith.constant 0.000000e+00 : f32
      %broadcast_in_dim3A_30 = vector.broadcast %broadcast_in_dim3A_29 : f32 to vector<16xf32>
      %swap3A_31 = arith.index_cast %scan3A_23 : i32 to index
      %swap3A_32 = arith.constant 16 : index
      %swap3A_33 = tpu.vector_load %arg9[%swap3A_31, %swap3A_32] {strides = array<i32>} : memref<128x32xf32, #tpu.memory_space<vmem>>, vector<1x16xf32>,
      %swap3A_34 = vector.shape_cast %swap3A_33 : vector<1x16xf32> to vector<16xf32>
      %swap3A_35 = vector.shape_cast %broadcast_in_dim3A_30 : vector<16xf32> to vector<1x16xf32>
      tpu.vector_store %arg9[%swap3A_31, %swap3A_32], %swap3A_35 {strides = array<i32>} : memref<128x32xf32, #tpu.memory_space<vmem>>, vector<1x16xf32>,
    }
    %scan3A_5 = arith.constant 128 : i32
    %scan3A_6 = arith.constant 0 : i32
    %scan3A_7 = arith.constant 0 : i32
    %scan3A_8 = arith.constant 16 : i32
    %scan3A_9 = arith.addi %scan3A_7, %scan3A_8 : i32
    %scan3A_10 = arith.constant 1 : i32
    scf.for %scan3A_23 = %scan3A_7 to %scan3A_9 step %scan3A_10  : i32 {
      %mul3A_24 = arith.constant 2048 : i32
      %mul3A_25 = arith.muli %arg1, %mul3A_24 : i32
      %mul3A_26 = arith.constant 128 : i32
      %mul3A_27 = arith.muli %scan3A_23, %mul3A_26 : i32
      %add3A_28 = arith.addi %mul3A_25, %mul3A_27 : i32
      "tpu.region"() ({
        %run_scoped3A = tpu.sem_alloc : memref<!tpu.dma_semaphore, #tpu.memory_space<semaphore_mem>>
        %dma_start3A = arith.constant 0 : i32
        %dma_start3A_29 = tpu.memref_slice %arg10[%add3A_28, %dma_start3A] : memref<32768x32xf32, #tpu.memory_space<vmem_shared>> -> memref<128x32xf32, #tpu.memory_space<vmem_shared>>
        %dma_start3A_30 = arith.constant 0 : i32
        %dma_start3A_31 = tpu.memref_slice %arg10[%add3A_28, %dma_start3A_30] : memref<32768x32xf32, #tpu.memory_space<vmem_shared>> -> memref<128x32xf32, #tpu.memory_space<vmem_shared>>
        tpu.enqueue_dma source(%arg9 : memref<128x32xf32, #tpu.memory_space<vmem>>) target(%dma_start3A_31 : memref<128x32xf32, #tpu.memory_space<vmem_shared>>) target_semaphore(%run_scoped3A : memref<!tpu.dma_semaphore, #tpu.memory_space<semaphore_mem>>)
        %dma_wait3A = arith.constant 0 : i32
        %dma_wait3A_32 = tpu.memref_slice %arg10[%add3A_28, %dma_wait3A] : memref<32768x32xf32, #tpu.memory_space<vmem_shared>> -> memref<128x32xf32, #tpu.memory_space<vmem_shared>>
        %dma_wait3A_33 = arith.constant 0 : i32
        %dma_wait3A_34 = tpu.memref_slice %arg10[%add3A_28, %dma_wait3A_33] : memref<32768x32xf32, #tpu.memory_space<vmem_shared>> -> memref<128x32xf32, #tpu.memory_space<vmem_shared>>
        tpu.wait_dma2 semaphore(%run_scoped3A : memref<!tpu.dma_semaphore, #tpu.memory_space<semaphore_mem>>) src(%arg9 : memref<128x32xf32, #tpu.memory_space<vmem>>) dst(%dma_wait3A_34 : memref<128x32xf32, #tpu.memory_space<vmem_shared>>)
        tpu.yield
      }) : () -> ()
    }
    %scan3A_11 = arith.constant 16 : i32
    %barrier3A = arith.constant 0 : index
    tpu.barrier barrier_id(%barrier3A)
    %scan3A_12 = arith.constant 0 : i32
    %scan3A_13 = arith.constant 0 : i32
    %scan3A_14 = arith.constant 25 : i32
    %scan3A_15 = arith.addi %scan3A_13, %scan3A_14 : i32
    %scan3A_16 = arith.constant 1 : i32
    scf.for %scan3A_23 = %scan3A_13 to %scan3A_15 step %scan3A_16  : i32 {
      %mul3A_24 = arith.constant 25 : i32
      %mul3A_25 = arith.muli %add3A, %mul3A_24 : i32
      %add3A_26 = arith.addi %mul3A_25, %scan3A_23 : i32
      %mul3A_27 = arith.constant 128 : i32
      %mul3A_28 = arith.muli %add3A_26, %mul3A_27 : i32
      "tpu.region"() ({
        %run_scoped3A = tpu.sem_alloc : memref<!tpu.dma_semaphore, #tpu.memory_space<semaphore_mem>>
        %dma_start3A_33 = tpu.memref_slice %arg3[%mul3A_28] : memref<102400xi32, #tpu.memory_space<hbm>> -> memref<128xi32, #tpu.memory_space<hbm>>
        %dma_start3A_34 = tpu.memref_slice %arg3[%mul3A_28] : memref<102400xi32, #tpu.memory_space<hbm>> -> memref<128xi32, #tpu.memory_space<hbm>>
        tpu.enqueue_dma source(%dma_start3A_34 : memref<128xi32, #tpu.memory_space<hbm>>) target(%arg6 : memref<128xi32, #tpu.memory_space<vmem>>) target_semaphore(%run_scoped3A : memref<!tpu.dma_semaphore, #tpu.memory_space<semaphore_mem>>)
        %dma_wait3A_35 = tpu.memref_slice %arg3[%mul3A_28] : memref<102400xi32, #tpu.memory_space<hbm>> -> memref<128xi32, #tpu.memory_space<hbm>>
        %dma_wait3A_36 = tpu.memref_slice %arg3[%mul3A_28] : memref<102400xi32, #tpu.memory_space<hbm>> -> memref<128xi32, #tpu.memory_space<hbm>>
        tpu.wait_dma2 semaphore(%run_scoped3A : memref<!tpu.dma_semaphore, #tpu.memory_space<semaphore_mem>>) src(%dma_wait3A_36 : memref<128xi32, #tpu.memory_space<hbm>>) dst(%arg6 : memref<128xi32, #tpu.memory_space<vmem>>)
        tpu.yield
      }) : () -> ()
      "tpu.region"() ({
        %run_scoped3A = tpu.sem_alloc : memref<!tpu.dma_semaphore, #tpu.memory_space<semaphore_mem>>
        %dma_start3A_33 = tpu.memref_slice %arg4[%mul3A_28] : memref<102400xi32, #tpu.memory_space<hbm>> -> memref<128xi32, #tpu.memory_space<hbm>>
        %dma_start3A_34 = tpu.memref_slice %arg4[%mul3A_28] : memref<102400xi32, #tpu.memory_space<hbm>> -> memref<128xi32, #tpu.memory_space<hbm>>
        tpu.enqueue_dma source(%dma_start3A_34 : memref<128xi32, #tpu.memory_space<hbm>>) target(%arg7 : memref<128xi32, #tpu.memory_space<vmem>>) target_semaphore(%run_scoped3A : memref<!tpu.dma_semaphore, #tpu.memory_space<semaphore_mem>>)
        %dma_wait3A_35 = tpu.memref_slice %arg4[%mul3A_28] : memref<102400xi32, #tpu.memory_space<hbm>> -> memref<128xi32, #tpu.memory_space<hbm>>
        %dma_wait3A_36 = tpu.memref_slice %arg4[%mul3A_28] : memref<102400xi32, #tpu.memory_space<hbm>> -> memref<128xi32, #tpu.memory_space<hbm>>
        tpu.wait_dma2 semaphore(%run_scoped3A : memref<!tpu.dma_semaphore, #tpu.memory_space<semaphore_mem>>) src(%dma_wait3A_36 : memref<128xi32, #tpu.memory_space<hbm>>) dst(%arg7 : memref<128xi32, #tpu.memory_space<vmem>>)
        tpu.yield
      }) : () -> ()
      %dma_start3A = arith.constant 0 : i32
      %dma_start3A_29 = arith.constant 0 : i32
      %dma_start3A_30 = tpu.memref_slice %arg2[%dma_start3A, %dma_start3A_29] : memref<165888x32xf32, #tpu.memory_space<hbm>> -> memref<165888x32xf32, #tpu.memory_space<hbm>>
      tpu.enqueue_indirect_dma source(%dma_start3A_30 : memref<165888x32xf32, #tpu.memory_space<hbm>>) target(%arg8 : memref<128x32xf32, #tpu.memory_space<vmem>>) offsets(%arg6 : memref<128xi32, #tpu.memory_space<vmem>>) semaphore(%arg11 : memref<!tpu.dma_semaphore, #tpu.memory_space<semaphore_mem>>)
      %dma_wait3A = arith.constant 0 : i32
      %dma_wait3A_31 = arith.constant 0 : i32
      %dma_wait3A_32 = tpu.memref_slice %arg2[%dma_wait3A, %dma_wait3A_31] : memref<165888x32xf32, #tpu.memory_space<hbm>> -> memref<165888x32xf32, #tpu.memory_space<hbm>>
      tpu.wait_indirect_dma semaphore(%arg11 : memref<!tpu.dma_semaphore, #tpu.memory_space<semaphore_mem>>) src(%dma_wait3A_32 : memref<165888x32xf32, #tpu.memory_space<hbm>>) dst(%arg8 : memref<128x32xf32, #tpu.memory_space<vmem>>)
      "tpu.region"() ({
        %run_scoped3A = tpu.sem_alloc : memref<!tpu.dma_semaphore, #tpu.memory_space<semaphore_mem>>
        %dma_start3A_33 = arith.constant 0 : i32
        %dma_start3A_34 = arith.constant 0 : i32
        %dma_start3A_35 = tpu.memref_slice %arg10[%dma_start3A_33, %dma_start3A_34] : memref<32768x32xf32, #tpu.memory_space<vmem_shared>> -> memref<32768x32xf32, #tpu.memory_space<vmem_shared>>
        tpu.enqueue_indirect_dma source(%arg8 : memref<128x32xf32, #tpu.memory_space<vmem>>) target(%dma_start3A_35 : memref<32768x32xf32, #tpu.memory_space<vmem_shared>>) offsets(%arg7 : memref<128xi32, #tpu.memory_space<vmem>>) semaphore(%run_scoped3A : memref<!tpu.dma_semaphore, #tpu.memory_space<semaphore_mem>>) {add = true}
        %dma_wait3A_36 = arith.constant 0 : i32
        %dma_wait3A_37 = arith.constant 0 : i32
        %dma_wait3A_38 = tpu.memref_slice %arg10[%dma_wait3A_36, %dma_wait3A_37] : memref<32768x32xf32, #tpu.memory_space<vmem_shared>> -> memref<32768x32xf32, #tpu.memory_space<vmem_shared>>
        tpu.wait_indirect_dma semaphore(%run_scoped3A : memref<!tpu.dma_semaphore, #tpu.memory_space<semaphore_mem>>) src(%arg8 : memref<128x32xf32, #tpu.memory_space<vmem>>) dst(%dma_wait3A_38 : memref<32768x32xf32, #tpu.memory_space<vmem_shared>>)
        tpu.yield
      }) : () -> ()
    }
    %scan3A_17 = arith.constant 25 : i32
    %barrier3A_18 = arith.constant 0 : index
    tpu.barrier barrier_id(%barrier3A_18)
    %mul3A_19 = arith.constant 2048 : i32
    %mul3A_20 = arith.muli %arg1, %mul3A_19 : i32
    %mul3A_21 = arith.constant 2048 : i32
    %mul3A_22 = arith.muli %arg1, %mul3A_21 : i32
    "tpu.region"() ({
      %run_scoped3A = tpu.sem_alloc : memref<!tpu.dma_semaphore, #tpu.memory_space<semaphore_mem>>
      %dma_start3A = arith.constant 0 : i32
      %dma_start3A_23 = tpu.memref_slice %arg5[%arg0, %mul3A_22, %dma_start3A] : memref<2x32768x32xf32, #tpu.memory_space<hbm>> -> memref<1x2048x32xf32, #tpu.memory_space<hbm>>
      %dma_start3A_24 = tpu.memref_squeeze %dma_start3A_23 : memref<1x2048x32xf32, #tpu.memory_space<hbm>> -> memref<2048x32xf32, #tpu.memory_space<hbm>>
      %dma_start3A_25 = arith.constant 0 : i32
      %dma_start3A_26 = tpu.memref_slice %arg10[%mul3A_20, %dma_start3A_25] : memref<32768x32xf32, #tpu.memory_space<vmem_shared>> -> memref<2048x32xf32, #tpu.memory_space<vmem_shared>>
      tpu.enqueue_dma source(%dma_start3A_26 : memref<2048x32xf32, #tpu.memory_space<vmem_shared>>) target(%dma_start3A_24 : memref<2048x32xf32, #tpu.memory_space<hbm>>) target_semaphore(%run_scoped3A : memref<!tpu.dma_semaphore, #tpu.memory_space<semaphore_mem>>)
      %dma_wait3A = arith.constant 0 : i32
      %dma_wait3A_27 = tpu.memref_slice %arg5[%arg0, %mul3A_22, %dma_wait3A] : memref<2x32768x32xf32, #tpu.memory_space<hbm>> -> memref<1x2048x32xf32, #tpu.memory_space<hbm>>
      %dma_wait3A_28 = tpu.memref_squeeze %dma_wait3A_27 : memref<1x2048x32xf32, #tpu.memory_space<hbm>> -> memref<2048x32xf32, #tpu.memory_space<hbm>>
      %dma_wait3A_29 = arith.constant 0 : i32
      %dma_wait3A_30 = tpu.memref_slice %arg10[%mul3A_20, %dma_wait3A_29] : memref<32768x32xf32, #tpu.memory_space<vmem_shared>> -> memref<2048x32xf32, #tpu.memory_space<vmem_shared>>
      tpu.wait_dma2 semaphore(%run_scoped3A : memref<!tpu.dma_semaphore, #tpu.memory_space<semaphore_mem>>) src(%dma_wait3A_30 : memref<2048x32xf32, #tpu.memory_space<vmem_shared>>) dst(%dma_wait3A_28 : memref<2048x32xf32, #tpu.memory_space<hbm>>)
      tpu.yield
    }) : () -> ()
    return
  }
}

#map = affine_map<(d0, d1) -> (0, 0)>
#map1 = affine_map<(d0, d1) -> (0)>
#map2 = affine_map<(d0, d1) -> (0, 0, 0)>
module attributes {stable_mosaic.version = 14 : i64} {
  func.func @body(%arg0: i32, %arg1: i32, %arg2: memref<2267136x16xf32, #tpu.memory_space<hbm>>, %arg3: memref<749568xi32, #tpu.memory_space<hbm>>, %arg4: memref<749568xi32, #tpu.memory_space<hbm>>, %arg5: memref<2x83968x16xf32, #tpu.memory_space<hbm>>, %arg6: memref<128xi32, #tpu.memory_space<vmem>>, %arg7: memref<128xi32, #tpu.memory_space<vmem>>, %arg8: memref<128x16xf32, #tpu.memory_space<vmem>>, %arg9: memref<128x16xf32, #tpu.memory_space<vmem>>, %arg10: memref<83968x16xf32, #tpu.memory_space<vmem_shared>>, %arg11: memref<!tpu.dma_semaphore, #tpu.memory_space<semaphore_mem>>) attributes {dimension_semantics = [#tpu.dimension_semantics<core_parallel>, #tpu.dimension_semantics<subcore_parallel>], iteration_bounds = array<i64: 2, 16>, scalar_prefetch = 0 : i64, scratch_operands = 6 : i64, tpu.core_type = #tpu.core_type<sc_vector_subcore>, window_params = [{transform_indices = #map}, {transform_indices = #map1}, {transform_indices = #map1}, {transform_indices = #map2}]} {
    %mul3A = arith.constant 16 : i32
    %mul3A_0 = arith.muli %arg0, %mul3A : i32
    %add3A = arith.addi %mul3A_0, %arg1 : i32
    %scan3A = arith.constant 0 : i32
    %scan3A_1 = arith.constant 0 : i32
    %scan3A_2 = arith.constant 128 : i32
    %scan3A_3 = arith.addi %scan3A_1, %scan3A_2 : i32
    %scan3A_4 = arith.constant 1 : i32
    scf.for %scan3A_23 = %scan3A_1 to %scan3A_3 step %scan3A_4  : i32 {
      %broadcast_in_dim3A = arith.constant 0.000000e+00 : f32
      %broadcast_in_dim3A_24 = vector.broadcast %broadcast_in_dim3A : f32 to vector<16xf32>
      %swap3A = arith.index_cast %scan3A_23 : i32 to index
      %swap3A_25 = arith.constant 0 : index
      %swap3A_26 = tpu.vector_load %arg9[%swap3A, %swap3A_25] {strides = array<i32>} : memref<128x16xf32, #tpu.memory_space<vmem>>, vector<1x16xf32>,
      %swap3A_27 = vector.shape_cast %swap3A_26 : vector<1x16xf32> to vector<16xf32>
      %swap3A_28 = vector.shape_cast %broadcast_in_dim3A_24 : vector<16xf32> to vector<1x16xf32>
      tpu.vector_store %arg9[%swap3A, %swap3A_25], %swap3A_28 {strides = array<i32>} : memref<128x16xf32, #tpu.memory_space<vmem>>, vector<1x16xf32>,
    }
    %scan3A_5 = arith.constant 128 : i32
    %scan3A_6 = arith.constant 0 : i32
    %scan3A_7 = arith.constant 0 : i32
    %scan3A_8 = arith.constant 41 : i32
    %scan3A_9 = arith.addi %scan3A_7, %scan3A_8 : i32
    %scan3A_10 = arith.constant 1 : i32
    scf.for %scan3A_23 = %scan3A_7 to %scan3A_9 step %scan3A_10  : i32 {
      %mul3A_24 = arith.constant 5248 : i32
      %mul3A_25 = arith.muli %arg1, %mul3A_24 : i32
      %mul3A_26 = arith.constant 128 : i32
      %mul3A_27 = arith.muli %scan3A_23, %mul3A_26 : i32
      %add3A_28 = arith.addi %mul3A_25, %mul3A_27 : i32
      "tpu.region"() ({
        %run_scoped3A = tpu.sem_alloc : memref<!tpu.dma_semaphore, #tpu.memory_space<semaphore_mem>>
        %dma_start3A = arith.constant 0 : i32
        %dma_start3A_29 = tpu.memref_slice %arg10[%add3A_28, %dma_start3A] : memref<83968x16xf32, #tpu.memory_space<vmem_shared>> -> memref<128x16xf32, #tpu.memory_space<vmem_shared>>
        %dma_start3A_30 = arith.constant 0 : i32
        %dma_start3A_31 = tpu.memref_slice %arg10[%add3A_28, %dma_start3A_30] : memref<83968x16xf32, #tpu.memory_space<vmem_shared>> -> memref<128x16xf32, #tpu.memory_space<vmem_shared>>
        tpu.enqueue_dma source(%arg9 : memref<128x16xf32, #tpu.memory_space<vmem>>) target(%dma_start3A_31 : memref<128x16xf32, #tpu.memory_space<vmem_shared>>) target_semaphore(%run_scoped3A : memref<!tpu.dma_semaphore, #tpu.memory_space<semaphore_mem>>)
        %dma_wait3A = arith.constant 0 : i32
        %dma_wait3A_32 = tpu.memref_slice %arg10[%add3A_28, %dma_wait3A] : memref<83968x16xf32, #tpu.memory_space<vmem_shared>> -> memref<128x16xf32, #tpu.memory_space<vmem_shared>>
        %dma_wait3A_33 = arith.constant 0 : i32
        %dma_wait3A_34 = tpu.memref_slice %arg10[%add3A_28, %dma_wait3A_33] : memref<83968x16xf32, #tpu.memory_space<vmem_shared>> -> memref<128x16xf32, #tpu.memory_space<vmem_shared>>
        tpu.wait_dma2 semaphore(%run_scoped3A : memref<!tpu.dma_semaphore, #tpu.memory_space<semaphore_mem>>) src(%arg9 : memref<128x16xf32, #tpu.memory_space<vmem>>) dst(%dma_wait3A_34 : memref<128x16xf32, #tpu.memory_space<vmem_shared>>)
        tpu.yield
      }) : () -> ()
    }
    %scan3A_11 = arith.constant 41 : i32
    %barrier3A = arith.constant 0 : index
    tpu.barrier barrier_id(%barrier3A)
    %scan3A_12 = arith.constant 0 : i32
    %scan3A_13 = arith.constant 0 : i32
    %scan3A_14 = arith.constant 183 : i32
    %scan3A_15 = arith.addi %scan3A_13, %scan3A_14 : i32
    %scan3A_16 = arith.constant 1 : i32
    scf.for %scan3A_23 = %scan3A_13 to %scan3A_15 step %scan3A_16  : i32 {
      %mul3A_24 = arith.constant 183 : i32
      %mul3A_25 = arith.muli %add3A, %mul3A_24 : i32
      %add3A_26 = arith.addi %mul3A_25, %scan3A_23 : i32
      %mul3A_27 = arith.constant 128 : i32
      %mul3A_28 = arith.muli %add3A_26, %mul3A_27 : i32
      "tpu.region"() ({
        %run_scoped3A = tpu.sem_alloc : memref<!tpu.dma_semaphore, #tpu.memory_space<semaphore_mem>>
        %dma_start3A_33 = tpu.memref_slice %arg3[%mul3A_28] : memref<749568xi32, #tpu.memory_space<hbm>> -> memref<128xi32, #tpu.memory_space<hbm>>
        %dma_start3A_34 = tpu.memref_slice %arg3[%mul3A_28] : memref<749568xi32, #tpu.memory_space<hbm>> -> memref<128xi32, #tpu.memory_space<hbm>>
        tpu.enqueue_dma source(%dma_start3A_34 : memref<128xi32, #tpu.memory_space<hbm>>) target(%arg6 : memref<128xi32, #tpu.memory_space<vmem>>) target_semaphore(%run_scoped3A : memref<!tpu.dma_semaphore, #tpu.memory_space<semaphore_mem>>)
        %dma_wait3A_35 = tpu.memref_slice %arg3[%mul3A_28] : memref<749568xi32, #tpu.memory_space<hbm>> -> memref<128xi32, #tpu.memory_space<hbm>>
        %dma_wait3A_36 = tpu.memref_slice %arg3[%mul3A_28] : memref<749568xi32, #tpu.memory_space<hbm>> -> memref<128xi32, #tpu.memory_space<hbm>>
        tpu.wait_dma2 semaphore(%run_scoped3A : memref<!tpu.dma_semaphore, #tpu.memory_space<semaphore_mem>>) src(%dma_wait3A_36 : memref<128xi32, #tpu.memory_space<hbm>>) dst(%arg6 : memref<128xi32, #tpu.memory_space<vmem>>)
        tpu.yield
      }) : () -> ()
      "tpu.region"() ({
        %run_scoped3A = tpu.sem_alloc : memref<!tpu.dma_semaphore, #tpu.memory_space<semaphore_mem>>
        %dma_start3A_33 = tpu.memref_slice %arg4[%mul3A_28] : memref<749568xi32, #tpu.memory_space<hbm>> -> memref<128xi32, #tpu.memory_space<hbm>>
        %dma_start3A_34 = tpu.memref_slice %arg4[%mul3A_28] : memref<749568xi32, #tpu.memory_space<hbm>> -> memref<128xi32, #tpu.memory_space<hbm>>
        tpu.enqueue_dma source(%dma_start3A_34 : memref<128xi32, #tpu.memory_space<hbm>>) target(%arg7 : memref<128xi32, #tpu.memory_space<vmem>>) target_semaphore(%run_scoped3A : memref<!tpu.dma_semaphore, #tpu.memory_space<semaphore_mem>>)
        %dma_wait3A_35 = tpu.memref_slice %arg4[%mul3A_28] : memref<749568xi32, #tpu.memory_space<hbm>> -> memref<128xi32, #tpu.memory_space<hbm>>
        %dma_wait3A_36 = tpu.memref_slice %arg4[%mul3A_28] : memref<749568xi32, #tpu.memory_space<hbm>> -> memref<128xi32, #tpu.memory_space<hbm>>
        tpu.wait_dma2 semaphore(%run_scoped3A : memref<!tpu.dma_semaphore, #tpu.memory_space<semaphore_mem>>) src(%dma_wait3A_36 : memref<128xi32, #tpu.memory_space<hbm>>) dst(%arg7 : memref<128xi32, #tpu.memory_space<vmem>>)
        tpu.yield
      }) : () -> ()
      %dma_start3A = arith.constant 0 : i32
      %dma_start3A_29 = arith.constant 0 : i32
      %dma_start3A_30 = tpu.memref_slice %arg2[%dma_start3A, %dma_start3A_29] : memref<2267136x16xf32, #tpu.memory_space<hbm>> -> memref<2267136x16xf32, #tpu.memory_space<hbm>>
      tpu.enqueue_indirect_dma source(%dma_start3A_30 : memref<2267136x16xf32, #tpu.memory_space<hbm>>) target(%arg8 : memref<128x16xf32, #tpu.memory_space<vmem>>) offsets(%arg6 : memref<128xi32, #tpu.memory_space<vmem>>) semaphore(%arg11 : memref<!tpu.dma_semaphore, #tpu.memory_space<semaphore_mem>>)
      %dma_wait3A = arith.constant 0 : i32
      %dma_wait3A_31 = arith.constant 0 : i32
      %dma_wait3A_32 = tpu.memref_slice %arg2[%dma_wait3A, %dma_wait3A_31] : memref<2267136x16xf32, #tpu.memory_space<hbm>> -> memref<2267136x16xf32, #tpu.memory_space<hbm>>
      tpu.wait_indirect_dma semaphore(%arg11 : memref<!tpu.dma_semaphore, #tpu.memory_space<semaphore_mem>>) src(%dma_wait3A_32 : memref<2267136x16xf32, #tpu.memory_space<hbm>>) dst(%arg8 : memref<128x16xf32, #tpu.memory_space<vmem>>)
      "tpu.region"() ({
        %run_scoped3A = tpu.sem_alloc : memref<!tpu.dma_semaphore, #tpu.memory_space<semaphore_mem>>
        %dma_start3A_33 = arith.constant 0 : i32
        %dma_start3A_34 = arith.constant 0 : i32
        %dma_start3A_35 = tpu.memref_slice %arg10[%dma_start3A_33, %dma_start3A_34] : memref<83968x16xf32, #tpu.memory_space<vmem_shared>> -> memref<83968x16xf32, #tpu.memory_space<vmem_shared>>
        tpu.enqueue_indirect_dma source(%arg8 : memref<128x16xf32, #tpu.memory_space<vmem>>) target(%dma_start3A_35 : memref<83968x16xf32, #tpu.memory_space<vmem_shared>>) offsets(%arg7 : memref<128xi32, #tpu.memory_space<vmem>>) semaphore(%run_scoped3A : memref<!tpu.dma_semaphore, #tpu.memory_space<semaphore_mem>>) {add = true}
        %dma_wait3A_36 = arith.constant 0 : i32
        %dma_wait3A_37 = arith.constant 0 : i32
        %dma_wait3A_38 = tpu.memref_slice %arg10[%dma_wait3A_36, %dma_wait3A_37] : memref<83968x16xf32, #tpu.memory_space<vmem_shared>> -> memref<83968x16xf32, #tpu.memory_space<vmem_shared>>
        tpu.wait_indirect_dma semaphore(%run_scoped3A : memref<!tpu.dma_semaphore, #tpu.memory_space<semaphore_mem>>) src(%arg8 : memref<128x16xf32, #tpu.memory_space<vmem>>) dst(%dma_wait3A_38 : memref<83968x16xf32, #tpu.memory_space<vmem_shared>>)
        tpu.yield
      }) : () -> ()
    }
    %scan3A_17 = arith.constant 183 : i32
    %barrier3A_18 = arith.constant 0 : index
    tpu.barrier barrier_id(%barrier3A_18)
    %mul3A_19 = arith.constant 5248 : i32
    %mul3A_20 = arith.muli %arg1, %mul3A_19 : i32
    %mul3A_21 = arith.constant 5248 : i32
    %mul3A_22 = arith.muli %arg1, %mul3A_21 : i32
    "tpu.region"() ({
      %run_scoped3A = tpu.sem_alloc : memref<!tpu.dma_semaphore, #tpu.memory_space<semaphore_mem>>
      %dma_start3A = arith.constant 0 : i32
      %dma_start3A_23 = tpu.memref_slice %arg5[%arg0, %mul3A_22, %dma_start3A] : memref<2x83968x16xf32, #tpu.memory_space<hbm>> -> memref<1x5248x16xf32, #tpu.memory_space<hbm>>
      %dma_start3A_24 = tpu.memref_squeeze %dma_start3A_23 : memref<1x5248x16xf32, #tpu.memory_space<hbm>> -> memref<5248x16xf32, #tpu.memory_space<hbm>>
      %dma_start3A_25 = arith.constant 0 : i32
      %dma_start3A_26 = tpu.memref_slice %arg10[%mul3A_20, %dma_start3A_25] : memref<83968x16xf32, #tpu.memory_space<vmem_shared>> -> memref<5248x16xf32, #tpu.memory_space<vmem_shared>>
      tpu.enqueue_dma source(%dma_start3A_26 : memref<5248x16xf32, #tpu.memory_space<vmem_shared>>) target(%dma_start3A_24 : memref<5248x16xf32, #tpu.memory_space<hbm>>) target_semaphore(%run_scoped3A : memref<!tpu.dma_semaphore, #tpu.memory_space<semaphore_mem>>)
      %dma_wait3A = arith.constant 0 : i32
      %dma_wait3A_27 = tpu.memref_slice %arg5[%arg0, %mul3A_22, %dma_wait3A] : memref<2x83968x16xf32, #tpu.memory_space<hbm>> -> memref<1x5248x16xf32, #tpu.memory_space<hbm>>
      %dma_wait3A_28 = tpu.memref_squeeze %dma_wait3A_27 : memref<1x5248x16xf32, #tpu.memory_space<hbm>> -> memref<5248x16xf32, #tpu.memory_space<hbm>>
      %dma_wait3A_29 = arith.constant 0 : i32
      %dma_wait3A_30 = tpu.memref_slice %arg10[%mul3A_20, %dma_wait3A_29] : memref<83968x16xf32, #tpu.memory_space<vmem_shared>> -> memref<5248x16xf32, #tpu.memory_space<vmem_shared>>
      tpu.wait_dma2 semaphore(%run_scoped3A : memref<!tpu.dma_semaphore, #tpu.memory_space<semaphore_mem>>) src(%dma_wait3A_30 : memref<5248x16xf32, #tpu.memory_space<vmem_shared>>) dst(%dma_wait3A_28 : memref<5248x16xf32, #tpu.memory_space<hbm>>)
      tpu.yield
    }) : () -> ()
    return
  }
}

#map = affine_map<(d0, d1) -> (0, 0)>
#map1 = affine_map<(d0, d1) -> (0)>
#map2 = affine_map<(d0, d1) -> (0, 0, 0)>
module attributes {stable_mosaic.version = 14 : i64} {
  func.func @body(%arg0: i32, %arg1: i32, %arg2: memref<2267136x32xf32, #tpu.memory_space<hbm>>, %arg3: memref<266240xi32, #tpu.memory_space<hbm>>, %arg4: memref<266240xi32, #tpu.memory_space<hbm>>, %arg5: memref<2x32768x32xf32, #tpu.memory_space<hbm>>, %arg6: memref<128xi32, #tpu.memory_space<vmem>>, %arg7: memref<128xi32, #tpu.memory_space<vmem>>, %arg8: memref<128x32xf32, #tpu.memory_space<vmem>>, %arg9: memref<128x32xf32, #tpu.memory_space<vmem>>, %arg10: memref<32768x32xf32, #tpu.memory_space<vmem_shared>>, %arg11: memref<!tpu.dma_semaphore, #tpu.memory_space<semaphore_mem>>) attributes {dimension_semantics = [#tpu.dimension_semantics<core_parallel>, #tpu.dimension_semantics<subcore_parallel>], iteration_bounds = array<i64: 2, 16>, scalar_prefetch = 0 : i64, scratch_operands = 6 : i64, tpu.core_type = #tpu.core_type<sc_vector_subcore>, window_params = [{transform_indices = #map}, {transform_indices = #map1}, {transform_indices = #map1}, {transform_indices = #map2}]} {
    %mul3A = arith.constant 16 : i32
    %mul3A_0 = arith.muli %arg0, %mul3A : i32
    %add3A = arith.addi %mul3A_0, %arg1 : i32
    %scan3A = arith.constant 0 : i32
    %scan3A_1 = arith.constant 0 : i32
    %scan3A_2 = arith.constant 128 : i32
    %scan3A_3 = arith.addi %scan3A_1, %scan3A_2 : i32
    %scan3A_4 = arith.constant 1 : i32
    scf.for %scan3A_23 = %scan3A_1 to %scan3A_3 step %scan3A_4  : i32 {
      %broadcast_in_dim3A = arith.constant 0.000000e+00 : f32
      %broadcast_in_dim3A_24 = vector.broadcast %broadcast_in_dim3A : f32 to vector<16xf32>
      %swap3A = arith.index_cast %scan3A_23 : i32 to index
      %swap3A_25 = arith.constant 0 : index
      %swap3A_26 = tpu.vector_load %arg9[%swap3A, %swap3A_25] {strides = array<i32>} : memref<128x32xf32, #tpu.memory_space<vmem>>, vector<1x16xf32>,
      %swap3A_27 = vector.shape_cast %swap3A_26 : vector<1x16xf32> to vector<16xf32>
      %swap3A_28 = vector.shape_cast %broadcast_in_dim3A_24 : vector<16xf32> to vector<1x16xf32>
      tpu.vector_store %arg9[%swap3A, %swap3A_25], %swap3A_28 {strides = array<i32>} : memref<128x32xf32, #tpu.memory_space<vmem>>, vector<1x16xf32>,
      %broadcast_in_dim3A_29 = arith.constant 0.000000e+00 : f32
      %broadcast_in_dim3A_30 = vector.broadcast %broadcast_in_dim3A_29 : f32 to vector<16xf32>
      %swap3A_31 = arith.index_cast %scan3A_23 : i32 to index
      %swap3A_32 = arith.constant 16 : index
      %swap3A_33 = tpu.vector_load %arg9[%swap3A_31, %swap3A_32] {strides = array<i32>} : memref<128x32xf32, #tpu.memory_space<vmem>>, vector<1x16xf32>,
      %swap3A_34 = vector.shape_cast %swap3A_33 : vector<1x16xf32> to vector<16xf32>
      %swap3A_35 = vector.shape_cast %broadcast_in_dim3A_30 : vector<16xf32> to vector<1x16xf32>
      tpu.vector_store %arg9[%swap3A_31, %swap3A_32], %swap3A_35 {strides = array<i32>} : memref<128x32xf32, #tpu.memory_space<vmem>>, vector<1x16xf32>,
    }
    %scan3A_5 = arith.constant 128 : i32
    %scan3A_6 = arith.constant 0 : i32
    %scan3A_7 = arith.constant 0 : i32
    %scan3A_8 = arith.constant 16 : i32
    %scan3A_9 = arith.addi %scan3A_7, %scan3A_8 : i32
    %scan3A_10 = arith.constant 1 : i32
    scf.for %scan3A_23 = %scan3A_7 to %scan3A_9 step %scan3A_10  : i32 {
      %mul3A_24 = arith.constant 2048 : i32
      %mul3A_25 = arith.muli %arg1, %mul3A_24 : i32
      %mul3A_26 = arith.constant 128 : i32
      %mul3A_27 = arith.muli %scan3A_23, %mul3A_26 : i32
      %add3A_28 = arith.addi %mul3A_25, %mul3A_27 : i32
      "tpu.region"() ({
        %run_scoped3A = tpu.sem_alloc : memref<!tpu.dma_semaphore, #tpu.memory_space<semaphore_mem>>
        %dma_start3A = arith.constant 0 : i32
        %dma_start3A_29 = tpu.memref_slice %arg10[%add3A_28, %dma_start3A] : memref<32768x32xf32, #tpu.memory_space<vmem_shared>> -> memref<128x32xf32, #tpu.memory_space<vmem_shared>>
        %dma_start3A_30 = arith.constant 0 : i32
        %dma_start3A_31 = tpu.memref_slice %arg10[%add3A_28, %dma_start3A_30] : memref<32768x32xf32, #tpu.memory_space<vmem_shared>> -> memref<128x32xf32, #tpu.memory_space<vmem_shared>>
        tpu.enqueue_dma source(%arg9 : memref<128x32xf32, #tpu.memory_space<vmem>>) target(%dma_start3A_31 : memref<128x32xf32, #tpu.memory_space<vmem_shared>>) target_semaphore(%run_scoped3A : memref<!tpu.dma_semaphore, #tpu.memory_space<semaphore_mem>>)
        %dma_wait3A = arith.constant 0 : i32
        %dma_wait3A_32 = tpu.memref_slice %arg10[%add3A_28, %dma_wait3A] : memref<32768x32xf32, #tpu.memory_space<vmem_shared>> -> memref<128x32xf32, #tpu.memory_space<vmem_shared>>
        %dma_wait3A_33 = arith.constant 0 : i32
        %dma_wait3A_34 = tpu.memref_slice %arg10[%add3A_28, %dma_wait3A_33] : memref<32768x32xf32, #tpu.memory_space<vmem_shared>> -> memref<128x32xf32, #tpu.memory_space<vmem_shared>>
        tpu.wait_dma2 semaphore(%run_scoped3A : memref<!tpu.dma_semaphore, #tpu.memory_space<semaphore_mem>>) src(%arg9 : memref<128x32xf32, #tpu.memory_space<vmem>>) dst(%dma_wait3A_34 : memref<128x32xf32, #tpu.memory_space<vmem_shared>>)
        tpu.yield
      }) : () -> ()
    }
    %scan3A_11 = arith.constant 16 : i32
    %barrier3A = arith.constant 0 : index
    tpu.barrier barrier_id(%barrier3A)
    %scan3A_12 = arith.constant 0 : i32
    %scan3A_13 = arith.constant 0 : i32
    %scan3A_14 = arith.constant 65 : i32
    %scan3A_15 = arith.addi %scan3A_13, %scan3A_14 : i32
    %scan3A_16 = arith.constant 1 : i32
    scf.for %scan3A_23 = %scan3A_13 to %scan3A_15 step %scan3A_16  : i32 {
      %mul3A_24 = arith.constant 65 : i32
      %mul3A_25 = arith.muli %add3A, %mul3A_24 : i32
      %add3A_26 = arith.addi %mul3A_25, %scan3A_23 : i32
      %mul3A_27 = arith.constant 128 : i32
      %mul3A_28 = arith.muli %add3A_26, %mul3A_27 : i32
      "tpu.region"() ({
        %run_scoped3A = tpu.sem_alloc : memref<!tpu.dma_semaphore, #tpu.memory_space<semaphore_mem>>
        %dma_start3A_33 = tpu.memref_slice %arg3[%mul3A_28] : memref<266240xi32, #tpu.memory_space<hbm>> -> memref<128xi32, #tpu.memory_space<hbm>>
        %dma_start3A_34 = tpu.memref_slice %arg3[%mul3A_28] : memref<266240xi32, #tpu.memory_space<hbm>> -> memref<128xi32, #tpu.memory_space<hbm>>
        tpu.enqueue_dma source(%dma_start3A_34 : memref<128xi32, #tpu.memory_space<hbm>>) target(%arg6 : memref<128xi32, #tpu.memory_space<vmem>>) target_semaphore(%run_scoped3A : memref<!tpu.dma_semaphore, #tpu.memory_space<semaphore_mem>>)
        %dma_wait3A_35 = tpu.memref_slice %arg3[%mul3A_28] : memref<266240xi32, #tpu.memory_space<hbm>> -> memref<128xi32, #tpu.memory_space<hbm>>
        %dma_wait3A_36 = tpu.memref_slice %arg3[%mul3A_28] : memref<266240xi32, #tpu.memory_space<hbm>> -> memref<128xi32, #tpu.memory_space<hbm>>
        tpu.wait_dma2 semaphore(%run_scoped3A : memref<!tpu.dma_semaphore, #tpu.memory_space<semaphore_mem>>) src(%dma_wait3A_36 : memref<128xi32, #tpu.memory_space<hbm>>) dst(%arg6 : memref<128xi32, #tpu.memory_space<vmem>>)
        tpu.yield
      }) : () -> ()
      "tpu.region"() ({
        %run_scoped3A = tpu.sem_alloc : memref<!tpu.dma_semaphore, #tpu.memory_space<semaphore_mem>>
        %dma_start3A_33 = tpu.memref_slice %arg4[%mul3A_28] : memref<266240xi32, #tpu.memory_space<hbm>> -> memref<128xi32, #tpu.memory_space<hbm>>
        %dma_start3A_34 = tpu.memref_slice %arg4[%mul3A_28] : memref<266240xi32, #tpu.memory_space<hbm>> -> memref<128xi32, #tpu.memory_space<hbm>>
        tpu.enqueue_dma source(%dma_start3A_34 : memref<128xi32, #tpu.memory_space<hbm>>) target(%arg7 : memref<128xi32, #tpu.memory_space<vmem>>) target_semaphore(%run_scoped3A : memref<!tpu.dma_semaphore, #tpu.memory_space<semaphore_mem>>)
        %dma_wait3A_35 = tpu.memref_slice %arg4[%mul3A_28] : memref<266240xi32, #tpu.memory_space<hbm>> -> memref<128xi32, #tpu.memory_space<hbm>>
        %dma_wait3A_36 = tpu.memref_slice %arg4[%mul3A_28] : memref<266240xi32, #tpu.memory_space<hbm>> -> memref<128xi32, #tpu.memory_space<hbm>>
        tpu.wait_dma2 semaphore(%run_scoped3A : memref<!tpu.dma_semaphore, #tpu.memory_space<semaphore_mem>>) src(%dma_wait3A_36 : memref<128xi32, #tpu.memory_space<hbm>>) dst(%arg7 : memref<128xi32, #tpu.memory_space<vmem>>)
        tpu.yield
      }) : () -> ()
      %dma_start3A = arith.constant 0 : i32
      %dma_start3A_29 = arith.constant 0 : i32
      %dma_start3A_30 = tpu.memref_slice %arg2[%dma_start3A, %dma_start3A_29] : memref<2267136x32xf32, #tpu.memory_space<hbm>> -> memref<2267136x32xf32, #tpu.memory_space<hbm>>
      tpu.enqueue_indirect_dma source(%dma_start3A_30 : memref<2267136x32xf32, #tpu.memory_space<hbm>>) target(%arg8 : memref<128x32xf32, #tpu.memory_space<vmem>>) offsets(%arg6 : memref<128xi32, #tpu.memory_space<vmem>>) semaphore(%arg11 : memref<!tpu.dma_semaphore, #tpu.memory_space<semaphore_mem>>)
      %dma_wait3A = arith.constant 0 : i32
      %dma_wait3A_31 = arith.constant 0 : i32
      %dma_wait3A_32 = tpu.memref_slice %arg2[%dma_wait3A, %dma_wait3A_31] : memref<2267136x32xf32, #tpu.memory_space<hbm>> -> memref<2267136x32xf32, #tpu.memory_space<hbm>>
      tpu.wait_indirect_dma semaphore(%arg11 : memref<!tpu.dma_semaphore, #tpu.memory_space<semaphore_mem>>) src(%dma_wait3A_32 : memref<2267136x32xf32, #tpu.memory_space<hbm>>) dst(%arg8 : memref<128x32xf32, #tpu.memory_space<vmem>>)
      "tpu.region"() ({
        %run_scoped3A = tpu.sem_alloc : memref<!tpu.dma_semaphore, #tpu.memory_space<semaphore_mem>>
        %dma_start3A_33 = arith.constant 0 : i32
        %dma_start3A_34 = arith.constant 0 : i32
        %dma_start3A_35 = tpu.memref_slice %arg10[%dma_start3A_33, %dma_start3A_34] : memref<32768x32xf32, #tpu.memory_space<vmem_shared>> -> memref<32768x32xf32, #tpu.memory_space<vmem_shared>>
        tpu.enqueue_indirect_dma source(%arg8 : memref<128x32xf32, #tpu.memory_space<vmem>>) target(%dma_start3A_35 : memref<32768x32xf32, #tpu.memory_space<vmem_shared>>) offsets(%arg7 : memref<128xi32, #tpu.memory_space<vmem>>) semaphore(%run_scoped3A : memref<!tpu.dma_semaphore, #tpu.memory_space<semaphore_mem>>) {add = true}
        %dma_wait3A_36 = arith.constant 0 : i32
        %dma_wait3A_37 = arith.constant 0 : i32
        %dma_wait3A_38 = tpu.memref_slice %arg10[%dma_wait3A_36, %dma_wait3A_37] : memref<32768x32xf32, #tpu.memory_space<vmem_shared>> -> memref<32768x32xf32, #tpu.memory_space<vmem_shared>>
        tpu.wait_indirect_dma semaphore(%run_scoped3A : memref<!tpu.dma_semaphore, #tpu.memory_space<semaphore_mem>>) src(%arg8 : memref<128x32xf32, #tpu.memory_space<vmem>>) dst(%dma_wait3A_38 : memref<32768x32xf32, #tpu.memory_space<vmem_shared>>)
        tpu.yield
      }) : () -> ()
    }
    %scan3A_17 = arith.constant 65 : i32
    %barrier3A_18 = arith.constant 0 : index
    tpu.barrier barrier_id(%barrier3A_18)
    %mul3A_19 = arith.constant 2048 : i32
    %mul3A_20 = arith.muli %arg1, %mul3A_19 : i32
    %mul3A_21 = arith.constant 2048 : i32
    %mul3A_22 = arith.muli %arg1, %mul3A_21 : i32
    "tpu.region"() ({
      %run_scoped3A = tpu.sem_alloc : memref<!tpu.dma_semaphore, #tpu.memory_space<semaphore_mem>>
      %dma_start3A = arith.constant 0 : i32
      %dma_start3A_23 = tpu.memref_slice %arg5[%arg0, %mul3A_22, %dma_start3A] : memref<2x32768x32xf32, #tpu.memory_space<hbm>> -> memref<1x2048x32xf32, #tpu.memory_space<hbm>>
      %dma_start3A_24 = tpu.memref_squeeze %dma_start3A_23 : memref<1x2048x32xf32, #tpu.memory_space<hbm>> -> memref<2048x32xf32, #tpu.memory_space<hbm>>
      %dma_start3A_25 = arith.constant 0 : i32
      %dma_start3A_26 = tpu.memref_slice %arg10[%mul3A_20, %dma_start3A_25] : memref<32768x32xf32, #tpu.memory_space<vmem_shared>> -> memref<2048x32xf32, #tpu.memory_space<vmem_shared>>
      tpu.enqueue_dma source(%dma_start3A_26 : memref<2048x32xf32, #tpu.memory_space<vmem_shared>>) target(%dma_start3A_24 : memref<2048x32xf32, #tpu.memory_space<hbm>>) target_semaphore(%run_scoped3A : memref<!tpu.dma_semaphore, #tpu.memory_space<semaphore_mem>>)
      %dma_wait3A = arith.constant 0 : i32
      %dma_wait3A_27 = tpu.memref_slice %arg5[%arg0, %mul3A_22, %dma_wait3A] : memref<2x32768x32xf32, #tpu.memory_space<hbm>> -> memref<1x2048x32xf32, #tpu.memory_space<hbm>>
      %dma_wait3A_28 = tpu.memref_squeeze %dma_wait3A_27 : memref<1x2048x32xf32, #tpu.memory_space<hbm>> -> memref<2048x32xf32, #tpu.memory_space<hbm>>
      %dma_wait3A_29 = arith.constant 0 : i32
      %dma_wait3A_30 = tpu.memref_slice %arg10[%mul3A_20, %dma_wait3A_29] : memref<32768x32xf32, #tpu.memory_space<vmem_shared>> -> memref<2048x32xf32, #tpu.memory_space<vmem_shared>>
      tpu.wait_dma2 semaphore(%run_scoped3A : memref<!tpu.dma_semaphore, #tpu.memory_space<semaphore_mem>>) src(%dma_wait3A_30 : memref<2048x32xf32, #tpu.memory_space<vmem_shared>>) dst(%dma_wait3A_28 : memref<2048x32xf32, #tpu.memory_space<hbm>>)
      tpu.yield
    }) : () -> ()
    return
  }
}

#map = affine_map<(d0, d1) -> (0, 0)>
#map1 = affine_map<(d0, d1) -> (0)>
#map2 = affine_map<(d0, d1) -> (0, 0, 0)>
module attributes {stable_mosaic.version = 14 : i64} {
  func.func @body(%arg0: i32, %arg1: i32, %arg2: memref<1769472x16xf32, #tpu.memory_space<hbm>>, %arg3: memref<266240xi32, #tpu.memory_space<hbm>>, %arg4: memref<266240xi32, #tpu.memory_space<hbm>>, %arg5: memref<2x83968x16xf32, #tpu.memory_space<hbm>>, %arg6: memref<128xi32, #tpu.memory_space<vmem>>, %arg7: memref<128xi32, #tpu.memory_space<vmem>>, %arg8: memref<128x16xf32, #tpu.memory_space<vmem>>, %arg9: memref<128x16xf32, #tpu.memory_space<vmem>>, %arg10: memref<83968x16xf32, #tpu.memory_space<vmem_shared>>, %arg11: memref<!tpu.dma_semaphore, #tpu.memory_space<semaphore_mem>>) attributes {dimension_semantics = [#tpu.dimension_semantics<core_parallel>, #tpu.dimension_semantics<subcore_parallel>], iteration_bounds = array<i64: 2, 16>, scalar_prefetch = 0 : i64, scratch_operands = 6 : i64, tpu.core_type = #tpu.core_type<sc_vector_subcore>, window_params = [{transform_indices = #map}, {transform_indices = #map1}, {transform_indices = #map1}, {transform_indices = #map2}]} {
    %mul3A = arith.constant 16 : i32
    %mul3A_0 = arith.muli %arg0, %mul3A : i32
    %add3A = arith.addi %mul3A_0, %arg1 : i32
    %scan3A = arith.constant 0 : i32
    %scan3A_1 = arith.constant 0 : i32
    %scan3A_2 = arith.constant 128 : i32
    %scan3A_3 = arith.addi %scan3A_1, %scan3A_2 : i32
    %scan3A_4 = arith.constant 1 : i32
    scf.for %scan3A_23 = %scan3A_1 to %scan3A_3 step %scan3A_4  : i32 {
      %broadcast_in_dim3A = arith.constant 0.000000e+00 : f32
      %broadcast_in_dim3A_24 = vector.broadcast %broadcast_in_dim3A : f32 to vector<16xf32>
      %swap3A = arith.index_cast %scan3A_23 : i32 to index
      %swap3A_25 = arith.constant 0 : index
      %swap3A_26 = tpu.vector_load %arg9[%swap3A, %swap3A_25] {strides = array<i32>} : memref<128x16xf32, #tpu.memory_space<vmem>>, vector<1x16xf32>,
      %swap3A_27 = vector.shape_cast %swap3A_26 : vector<1x16xf32> to vector<16xf32>
      %swap3A_28 = vector.shape_cast %broadcast_in_dim3A_24 : vector<16xf32> to vector<1x16xf32>
      tpu.vector_store %arg9[%swap3A, %swap3A_25], %swap3A_28 {strides = array<i32>} : memref<128x16xf32, #tpu.memory_space<vmem>>, vector<1x16xf32>,
    }
    %scan3A_5 = arith.constant 128 : i32
    %scan3A_6 = arith.constant 0 : i32
    %scan3A_7 = arith.constant 0 : i32
    %scan3A_8 = arith.constant 41 : i32
    %scan3A_9 = arith.addi %scan3A_7, %scan3A_8 : i32
    %scan3A_10 = arith.constant 1 : i32
    scf.for %scan3A_23 = %scan3A_7 to %scan3A_9 step %scan3A_10  : i32 {
      %mul3A_24 = arith.constant 5248 : i32
      %mul3A_25 = arith.muli %arg1, %mul3A_24 : i32
      %mul3A_26 = arith.constant 128 : i32
      %mul3A_27 = arith.muli %scan3A_23, %mul3A_26 : i32
      %add3A_28 = arith.addi %mul3A_25, %mul3A_27 : i32
      "tpu.region"() ({
        %run_scoped3A = tpu.sem_alloc : memref<!tpu.dma_semaphore, #tpu.memory_space<semaphore_mem>>
        %dma_start3A = arith.constant 0 : i32
        %dma_start3A_29 = tpu.memref_slice %arg10[%add3A_28, %dma_start3A] : memref<83968x16xf32, #tpu.memory_space<vmem_shared>> -> memref<128x16xf32, #tpu.memory_space<vmem_shared>>
        %dma_start3A_30 = arith.constant 0 : i32
        %dma_start3A_31 = tpu.memref_slice %arg10[%add3A_28, %dma_start3A_30] : memref<83968x16xf32, #tpu.memory_space<vmem_shared>> -> memref<128x16xf32, #tpu.memory_space<vmem_shared>>
        tpu.enqueue_dma source(%arg9 : memref<128x16xf32, #tpu.memory_space<vmem>>) target(%dma_start3A_31 : memref<128x16xf32, #tpu.memory_space<vmem_shared>>) target_semaphore(%run_scoped3A : memref<!tpu.dma_semaphore, #tpu.memory_space<semaphore_mem>>)
        %dma_wait3A = arith.constant 0 : i32
        %dma_wait3A_32 = tpu.memref_slice %arg10[%add3A_28, %dma_wait3A] : memref<83968x16xf32, #tpu.memory_space<vmem_shared>> -> memref<128x16xf32, #tpu.memory_space<vmem_shared>>
        %dma_wait3A_33 = arith.constant 0 : i32
        %dma_wait3A_34 = tpu.memref_slice %arg10[%add3A_28, %dma_wait3A_33] : memref<83968x16xf32, #tpu.memory_space<vmem_shared>> -> memref<128x16xf32, #tpu.memory_space<vmem_shared>>
        tpu.wait_dma2 semaphore(%run_scoped3A : memref<!tpu.dma_semaphore, #tpu.memory_space<semaphore_mem>>) src(%arg9 : memref<128x16xf32, #tpu.memory_space<vmem>>) dst(%dma_wait3A_34 : memref<128x16xf32, #tpu.memory_space<vmem_shared>>)
        tpu.yield
      }) : () -> ()
    }
    %scan3A_11 = arith.constant 41 : i32
    %barrier3A = arith.constant 0 : index
    tpu.barrier barrier_id(%barrier3A)
    %scan3A_12 = arith.constant 0 : i32
    %scan3A_13 = arith.constant 0 : i32
    %scan3A_14 = arith.constant 65 : i32
    %scan3A_15 = arith.addi %scan3A_13, %scan3A_14 : i32
    %scan3A_16 = arith.constant 1 : i32
    scf.for %scan3A_23 = %scan3A_13 to %scan3A_15 step %scan3A_16  : i32 {
      %mul3A_24 = arith.constant 65 : i32
      %mul3A_25 = arith.muli %add3A, %mul3A_24 : i32
      %add3A_26 = arith.addi %mul3A_25, %scan3A_23 : i32
      %mul3A_27 = arith.constant 128 : i32
      %mul3A_28 = arith.muli %add3A_26, %mul3A_27 : i32
      "tpu.region"() ({
        %run_scoped3A = tpu.sem_alloc : memref<!tpu.dma_semaphore, #tpu.memory_space<semaphore_mem>>
        %dma_start3A_33 = tpu.memref_slice %arg3[%mul3A_28] : memref<266240xi32, #tpu.memory_space<hbm>> -> memref<128xi32, #tpu.memory_space<hbm>>
        %dma_start3A_34 = tpu.memref_slice %arg3[%mul3A_28] : memref<266240xi32, #tpu.memory_space<hbm>> -> memref<128xi32, #tpu.memory_space<hbm>>
        tpu.enqueue_dma source(%dma_start3A_34 : memref<128xi32, #tpu.memory_space<hbm>>) target(%arg6 : memref<128xi32, #tpu.memory_space<vmem>>) target_semaphore(%run_scoped3A : memref<!tpu.dma_semaphore, #tpu.memory_space<semaphore_mem>>)
        %dma_wait3A_35 = tpu.memref_slice %arg3[%mul3A_28] : memref<266240xi32, #tpu.memory_space<hbm>> -> memref<128xi32, #tpu.memory_space<hbm>>
        %dma_wait3A_36 = tpu.memref_slice %arg3[%mul3A_28] : memref<266240xi32, #tpu.memory_space<hbm>> -> memref<128xi32, #tpu.memory_space<hbm>>
        tpu.wait_dma2 semaphore(%run_scoped3A : memref<!tpu.dma_semaphore, #tpu.memory_space<semaphore_mem>>) src(%dma_wait3A_36 : memref<128xi32, #tpu.memory_space<hbm>>) dst(%arg6 : memref<128xi32, #tpu.memory_space<vmem>>)
        tpu.yield
      }) : () -> ()
      "tpu.region"() ({
        %run_scoped3A = tpu.sem_alloc : memref<!tpu.dma_semaphore, #tpu.memory_space<semaphore_mem>>
        %dma_start3A_33 = tpu.memref_slice %arg4[%mul3A_28] : memref<266240xi32, #tpu.memory_space<hbm>> -> memref<128xi32, #tpu.memory_space<hbm>>
        %dma_start3A_34 = tpu.memref_slice %arg4[%mul3A_28] : memref<266240xi32, #tpu.memory_space<hbm>> -> memref<128xi32, #tpu.memory_space<hbm>>
        tpu.enqueue_dma source(%dma_start3A_34 : memref<128xi32, #tpu.memory_space<hbm>>) target(%arg7 : memref<128xi32, #tpu.memory_space<vmem>>) target_semaphore(%run_scoped3A : memref<!tpu.dma_semaphore, #tpu.memory_space<semaphore_mem>>)
        %dma_wait3A_35 = tpu.memref_slice %arg4[%mul3A_28] : memref<266240xi32, #tpu.memory_space<hbm>> -> memref<128xi32, #tpu.memory_space<hbm>>
        %dma_wait3A_36 = tpu.memref_slice %arg4[%mul3A_28] : memref<266240xi32, #tpu.memory_space<hbm>> -> memref<128xi32, #tpu.memory_space<hbm>>
        tpu.wait_dma2 semaphore(%run_scoped3A : memref<!tpu.dma_semaphore, #tpu.memory_space<semaphore_mem>>) src(%dma_wait3A_36 : memref<128xi32, #tpu.memory_space<hbm>>) dst(%arg7 : memref<128xi32, #tpu.memory_space<vmem>>)
        tpu.yield
      }) : () -> ()
      %dma_start3A = arith.constant 0 : i32
      %dma_start3A_29 = arith.constant 0 : i32
      %dma_start3A_30 = tpu.memref_slice %arg2[%dma_start3A, %dma_start3A_29] : memref<1769472x16xf32, #tpu.memory_space<hbm>> -> memref<1769472x16xf32, #tpu.memory_space<hbm>>
      tpu.enqueue_indirect_dma source(%dma_start3A_30 : memref<1769472x16xf32, #tpu.memory_space<hbm>>) target(%arg8 : memref<128x16xf32, #tpu.memory_space<vmem>>) offsets(%arg6 : memref<128xi32, #tpu.memory_space<vmem>>) semaphore(%arg11 : memref<!tpu.dma_semaphore, #tpu.memory_space<semaphore_mem>>)
      %dma_wait3A = arith.constant 0 : i32
      %dma_wait3A_31 = arith.constant 0 : i32
      %dma_wait3A_32 = tpu.memref_slice %arg2[%dma_wait3A, %dma_wait3A_31] : memref<1769472x16xf32, #tpu.memory_space<hbm>> -> memref<1769472x16xf32, #tpu.memory_space<hbm>>
      tpu.wait_indirect_dma semaphore(%arg11 : memref<!tpu.dma_semaphore, #tpu.memory_space<semaphore_mem>>) src(%dma_wait3A_32 : memref<1769472x16xf32, #tpu.memory_space<hbm>>) dst(%arg8 : memref<128x16xf32, #tpu.memory_space<vmem>>)
      "tpu.region"() ({
        %run_scoped3A = tpu.sem_alloc : memref<!tpu.dma_semaphore, #tpu.memory_space<semaphore_mem>>
        %dma_start3A_33 = arith.constant 0 : i32
        %dma_start3A_34 = arith.constant 0 : i32
        %dma_start3A_35 = tpu.memref_slice %arg10[%dma_start3A_33, %dma_start3A_34] : memref<83968x16xf32, #tpu.memory_space<vmem_shared>> -> memref<83968x16xf32, #tpu.memory_space<vmem_shared>>
        tpu.enqueue_indirect_dma source(%arg8 : memref<128x16xf32, #tpu.memory_space<vmem>>) target(%dma_start3A_35 : memref<83968x16xf32, #tpu.memory_space<vmem_shared>>) offsets(%arg7 : memref<128xi32, #tpu.memory_space<vmem>>) semaphore(%run_scoped3A : memref<!tpu.dma_semaphore, #tpu.memory_space<semaphore_mem>>) {add = true}
        %dma_wait3A_36 = arith.constant 0 : i32
        %dma_wait3A_37 = arith.constant 0 : i32
        %dma_wait3A_38 = tpu.memref_slice %arg10[%dma_wait3A_36, %dma_wait3A_37] : memref<83968x16xf32, #tpu.memory_space<vmem_shared>> -> memref<83968x16xf32, #tpu.memory_space<vmem_shared>>
        tpu.wait_indirect_dma semaphore(%run_scoped3A : memref<!tpu.dma_semaphore, #tpu.memory_space<semaphore_mem>>) src(%arg8 : memref<128x16xf32, #tpu.memory_space<vmem>>) dst(%dma_wait3A_38 : memref<83968x16xf32, #tpu.memory_space<vmem_shared>>)
        tpu.yield
      }) : () -> ()
    }
    %scan3A_17 = arith.constant 65 : i32
    %barrier3A_18 = arith.constant 0 : index
    tpu.barrier barrier_id(%barrier3A_18)
    %mul3A_19 = arith.constant 5248 : i32
    %mul3A_20 = arith.muli %arg1, %mul3A_19 : i32
    %mul3A_21 = arith.constant 5248 : i32
    %mul3A_22 = arith.muli %arg1, %mul3A_21 : i32
    "tpu.region"() ({
      %run_scoped3A = tpu.sem_alloc : memref<!tpu.dma_semaphore, #tpu.memory_space<semaphore_mem>>
      %dma_start3A = arith.constant 0 : i32
      %dma_start3A_23 = tpu.memref_slice %arg5[%arg0, %mul3A_22, %dma_start3A] : memref<2x83968x16xf32, #tpu.memory_space<hbm>> -> memref<1x5248x16xf32, #tpu.memory_space<hbm>>
      %dma_start3A_24 = tpu.memref_squeeze %dma_start3A_23 : memref<1x5248x16xf32, #tpu.memory_space<hbm>> -> memref<5248x16xf32, #tpu.memory_space<hbm>>
      %dma_start3A_25 = arith.constant 0 : i32
      %dma_start3A_26 = tpu.memref_slice %arg10[%mul3A_20, %dma_start3A_25] : memref<83968x16xf32, #tpu.memory_space<vmem_shared>> -> memref<5248x16xf32, #tpu.memory_space<vmem_shared>>
      tpu.enqueue_dma source(%dma_start3A_26 : memref<5248x16xf32, #tpu.memory_space<vmem_shared>>) target(%dma_start3A_24 : memref<5248x16xf32, #tpu.memory_space<hbm>>) target_semaphore(%run_scoped3A : memref<!tpu.dma_semaphore, #tpu.memory_space<semaphore_mem>>)
      %dma_wait3A = arith.constant 0 : i32
      %dma_wait3A_27 = tpu.memref_slice %arg5[%arg0, %mul3A_22, %dma_wait3A] : memref<2x83968x16xf32, #tpu.memory_space<hbm>> -> memref<1x5248x16xf32, #tpu.memory_space<hbm>>
      %dma_wait3A_28 = tpu.memref_squeeze %dma_wait3A_27 : memref<1x5248x16xf32, #tpu.memory_space<hbm>> -> memref<5248x16xf32, #tpu.memory_space<hbm>>
      %dma_wait3A_29 = arith.constant 0 : i32
      %dma_wait3A_30 = tpu.memref_slice %arg10[%mul3A_20, %dma_wait3A_29] : memref<83968x16xf32, #tpu.memory_space<vmem_shared>> -> memref<5248x16xf32, #tpu.memory_space<vmem_shared>>
      tpu.wait_dma2 semaphore(%run_scoped3A : memref<!tpu.dma_semaphore, #tpu.memory_space<semaphore_mem>>) src(%dma_wait3A_30 : memref<5248x16xf32, #tpu.memory_space<vmem_shared>>) dst(%dma_wait3A_28 : memref<5248x16xf32, #tpu.memory_space<hbm>>)
      tpu.yield
    }) : () -> ()
    return
  }
}

#map = affine_map<(d0, d1) -> (0, 0)>
#map1 = affine_map<(d0, d1) -> (0)>
#map2 = affine_map<(d0, d1) -> (0, 0, 0)>
module attributes {stable_mosaic.version = 14 : i64} {
  func.func @body(%arg0: i32, %arg1: i32, %arg2: memref<1769472x16xf32, #tpu.memory_space<hbm>>, %arg3: memref<266240xi32, #tpu.memory_space<hbm>>, %arg4: memref<266240xi32, #tpu.memory_space<hbm>>, %arg5: memref<2x83968x16xf32, #tpu.memory_space<hbm>>, %arg6: memref<128xi32, #tpu.memory_space<vmem>>, %arg7: memref<128xi32, #tpu.memory_space<vmem>>, %arg8: memref<128x16xf32, #tpu.memory_space<vmem>>, %arg9: memref<128x16xf32, #tpu.memory_space<vmem>>, %arg10: memref<83968x16xf32, #tpu.memory_space<vmem_shared>>, %arg11: memref<!tpu.dma_semaphore, #tpu.memory_space<semaphore_mem>>) attributes {dimension_semantics = [#tpu.dimension_semantics<core_parallel>, #tpu.dimension_semantics<subcore_parallel>], iteration_bounds = array<i64: 2, 16>, scalar_prefetch = 0 : i64, scratch_operands = 6 : i64, tpu.core_type = #tpu.core_type<sc_vector_subcore>, window_params = [{transform_indices = #map}, {transform_indices = #map1}, {transform_indices = #map1}, {transform_indices = #map2}]} {
    %mul3A = arith.constant 16 : i32
    %mul3A_0 = arith.muli %arg0, %mul3A : i32
    %add3A = arith.addi %mul3A_0, %arg1 : i32
    %scan3A = arith.constant 0 : i32
    %scan3A_1 = arith.constant 0 : i32
    %scan3A_2 = arith.constant 128 : i32
    %scan3A_3 = arith.addi %scan3A_1, %scan3A_2 : i32
    %scan3A_4 = arith.constant 1 : i32
    scf.for %scan3A_23 = %scan3A_1 to %scan3A_3 step %scan3A_4  : i32 {
      %broadcast_in_dim3A = arith.constant 0.000000e+00 : f32
      %broadcast_in_dim3A_24 = vector.broadcast %broadcast_in_dim3A : f32 to vector<16xf32>
      %swap3A = arith.index_cast %scan3A_23 : i32 to index
      %swap3A_25 = arith.constant 0 : index
      %swap3A_26 = tpu.vector_load %arg9[%swap3A, %swap3A_25] {strides = array<i32>} : memref<128x16xf32, #tpu.memory_space<vmem>>, vector<1x16xf32>,
      %swap3A_27 = vector.shape_cast %swap3A_26 : vector<1x16xf32> to vector<16xf32>
      %swap3A_28 = vector.shape_cast %broadcast_in_dim3A_24 : vector<16xf32> to vector<1x16xf32>
      tpu.vector_store %arg9[%swap3A, %swap3A_25], %swap3A_28 {strides = array<i32>} : memref<128x16xf32, #tpu.memory_space<vmem>>, vector<1x16xf32>,
    }
    %scan3A_5 = arith.constant 128 : i32
    %scan3A_6 = arith.constant 0 : i32
    %scan3A_7 = arith.constant 0 : i32
    %scan3A_8 = arith.constant 41 : i32
    %scan3A_9 = arith.addi %scan3A_7, %scan3A_8 : i32
    %scan3A_10 = arith.constant 1 : i32
    scf.for %scan3A_23 = %scan3A_7 to %scan3A_9 step %scan3A_10  : i32 {
      %mul3A_24 = arith.constant 5248 : i32
      %mul3A_25 = arith.muli %arg1, %mul3A_24 : i32
      %mul3A_26 = arith.constant 128 : i32
      %mul3A_27 = arith.muli %scan3A_23, %mul3A_26 : i32
      %add3A_28 = arith.addi %mul3A_25, %mul3A_27 : i32
      "tpu.region"() ({
        %run_scoped3A = tpu.sem_alloc : memref<!tpu.dma_semaphore, #tpu.memory_space<semaphore_mem>>
        %dma_start3A = arith.constant 0 : i32
        %dma_start3A_29 = tpu.memref_slice %arg10[%add3A_28, %dma_start3A] : memref<83968x16xf32, #tpu.memory_space<vmem_shared>> -> memref<128x16xf32, #tpu.memory_space<vmem_shared>>
        %dma_start3A_30 = arith.constant 0 : i32
        %dma_start3A_31 = tpu.memref_slice %arg10[%add3A_28, %dma_start3A_30] : memref<83968x16xf32, #tpu.memory_space<vmem_shared>> -> memref<128x16xf32, #tpu.memory_space<vmem_shared>>
        tpu.enqueue_dma source(%arg9 : memref<128x16xf32, #tpu.memory_space<vmem>>) target(%dma_start3A_31 : memref<128x16xf32, #tpu.memory_space<vmem_shared>>) target_semaphore(%run_scoped3A : memref<!tpu.dma_semaphore, #tpu.memory_space<semaphore_mem>>)
        %dma_wait3A = arith.constant 0 : i32
        %dma_wait3A_32 = tpu.memref_slice %arg10[%add3A_28, %dma_wait3A] : memref<83968x16xf32, #tpu.memory_space<vmem_shared>> -> memref<128x16xf32, #tpu.memory_space<vmem_shared>>
        %dma_wait3A_33 = arith.constant 0 : i32
        %dma_wait3A_34 = tpu.memref_slice %arg10[%add3A_28, %dma_wait3A_33] : memref<83968x16xf32, #tpu.memory_space<vmem_shared>> -> memref<128x16xf32, #tpu.memory_space<vmem_shared>>
        tpu.wait_dma2 semaphore(%run_scoped3A : memref<!tpu.dma_semaphore, #tpu.memory_space<semaphore_mem>>) src(%arg9 : memref<128x16xf32, #tpu.memory_space<vmem>>) dst(%dma_wait3A_34 : memref<128x16xf32, #tpu.memory_space<vmem_shared>>)
        tpu.yield
      }) : () -> ()
    }
    %scan3A_11 = arith.constant 41 : i32
    %barrier3A = arith.constant 0 : index
    tpu.barrier barrier_id(%barrier3A)
    %scan3A_12 = arith.constant 0 : i32
    %scan3A_13 = arith.constant 0 : i32
    %scan3A_14 = arith.constant 65 : i32
    %scan3A_15 = arith.addi %scan3A_13, %scan3A_14 : i32
    %scan3A_16 = arith.constant 1 : i32
    scf.for %scan3A_23 = %scan3A_13 to %scan3A_15 step %scan3A_16  : i32 {
      %mul3A_24 = arith.constant 65 : i32
      %mul3A_25 = arith.muli %add3A, %mul3A_24 : i32
      %add3A_26 = arith.addi %mul3A_25, %scan3A_23 : i32
      %mul3A_27 = arith.constant 128 : i32
      %mul3A_28 = arith.muli %add3A_26, %mul3A_27 : i32
      "tpu.region"() ({
        %run_scoped3A = tpu.sem_alloc : memref<!tpu.dma_semaphore, #tpu.memory_space<semaphore_mem>>
        %dma_start3A_33 = tpu.memref_slice %arg3[%mul3A_28] : memref<266240xi32, #tpu.memory_space<hbm>> -> memref<128xi32, #tpu.memory_space<hbm>>
        %dma_start3A_34 = tpu.memref_slice %arg3[%mul3A_28] : memref<266240xi32, #tpu.memory_space<hbm>> -> memref<128xi32, #tpu.memory_space<hbm>>
        tpu.enqueue_dma source(%dma_start3A_34 : memref<128xi32, #tpu.memory_space<hbm>>) target(%arg6 : memref<128xi32, #tpu.memory_space<vmem>>) target_semaphore(%run_scoped3A : memref<!tpu.dma_semaphore, #tpu.memory_space<semaphore_mem>>)
        %dma_wait3A_35 = tpu.memref_slice %arg3[%mul3A_28] : memref<266240xi32, #tpu.memory_space<hbm>> -> memref<128xi32, #tpu.memory_space<hbm>>
        %dma_wait3A_36 = tpu.memref_slice %arg3[%mul3A_28] : memref<266240xi32, #tpu.memory_space<hbm>> -> memref<128xi32, #tpu.memory_space<hbm>>
        tpu.wait_dma2 semaphore(%run_scoped3A : memref<!tpu.dma_semaphore, #tpu.memory_space<semaphore_mem>>) src(%dma_wait3A_36 : memref<128xi32, #tpu.memory_space<hbm>>) dst(%arg6 : memref<128xi32, #tpu.memory_space<vmem>>)
        tpu.yield
      }) : () -> ()
      "tpu.region"() ({
        %run_scoped3A = tpu.sem_alloc : memref<!tpu.dma_semaphore, #tpu.memory_space<semaphore_mem>>
        %dma_start3A_33 = tpu.memref_slice %arg4[%mul3A_28] : memref<266240xi32, #tpu.memory_space<hbm>> -> memref<128xi32, #tpu.memory_space<hbm>>
        %dma_start3A_34 = tpu.memref_slice %arg4[%mul3A_28] : memref<266240xi32, #tpu.memory_space<hbm>> -> memref<128xi32, #tpu.memory_space<hbm>>
        tpu.enqueue_dma source(%dma_start3A_34 : memref<128xi32, #tpu.memory_space<hbm>>) target(%arg7 : memref<128xi32, #tpu.memory_space<vmem>>) target_semaphore(%run_scoped3A : memref<!tpu.dma_semaphore, #tpu.memory_space<semaphore_mem>>)
        %dma_wait3A_35 = tpu.memref_slice %arg4[%mul3A_28] : memref<266240xi32, #tpu.memory_space<hbm>> -> memref<128xi32, #tpu.memory_space<hbm>>
        %dma_wait3A_36 = tpu.memref_slice %arg4[%mul3A_28] : memref<266240xi32, #tpu.memory_space<hbm>> -> memref<128xi32, #tpu.memory_space<hbm>>
        tpu.wait_dma2 semaphore(%run_scoped3A : memref<!tpu.dma_semaphore, #tpu.memory_space<semaphore_mem>>) src(%dma_wait3A_36 : memref<128xi32, #tpu.memory_space<hbm>>) dst(%arg7 : memref<128xi32, #tpu.memory_space<vmem>>)
        tpu.yield
      }) : () -> ()
      %dma_start3A = arith.constant 0 : i32
      %dma_start3A_29 = arith.constant 0 : i32
      %dma_start3A_30 = tpu.memref_slice %arg2[%dma_start3A, %dma_start3A_29] : memref<1769472x16xf32, #tpu.memory_space<hbm>> -> memref<1769472x16xf32, #tpu.memory_space<hbm>>
      tpu.enqueue_indirect_dma source(%dma_start3A_30 : memref<1769472x16xf32, #tpu.memory_space<hbm>>) target(%arg8 : memref<128x16xf32, #tpu.memory_space<vmem>>) offsets(%arg6 : memref<128xi32, #tpu.memory_space<vmem>>) semaphore(%arg11 : memref<!tpu.dma_semaphore, #tpu.memory_space<semaphore_mem>>)
      %dma_wait3A = arith.constant 0 : i32
      %dma_wait3A_31 = arith.constant 0 : i32
      %dma_wait3A_32 = tpu.memref_slice %arg2[%dma_wait3A, %dma_wait3A_31] : memref<1769472x16xf32, #tpu.memory_space<hbm>> -> memref<1769472x16xf32, #tpu.memory_space<hbm>>
      tpu.wait_indirect_dma semaphore(%arg11 : memref<!tpu.dma_semaphore, #tpu.memory_space<semaphore_mem>>) src(%dma_wait3A_32 : memref<1769472x16xf32, #tpu.memory_space<hbm>>) dst(%arg8 : memref<128x16xf32, #tpu.memory_space<vmem>>)
      "tpu.region"() ({
        %run_scoped3A = tpu.sem_alloc : memref<!tpu.dma_semaphore, #tpu.memory_space<semaphore_mem>>
        %dma_start3A_33 = arith.constant 0 : i32
        %dma_start3A_34 = arith.constant 0 : i32
        %dma_start3A_35 = tpu.memref_slice %arg10[%dma_start3A_33, %dma_start3A_34] : memref<83968x16xf32, #tpu.memory_space<vmem_shared>> -> memref<83968x16xf32, #tpu.memory_space<vmem_shared>>
        tpu.enqueue_indirect_dma source(%arg8 : memref<128x16xf32, #tpu.memory_space<vmem>>) target(%dma_start3A_35 : memref<83968x16xf32, #tpu.memory_space<vmem_shared>>) offsets(%arg7 : memref<128xi32, #tpu.memory_space<vmem>>) semaphore(%run_scoped3A : memref<!tpu.dma_semaphore, #tpu.memory_space<semaphore_mem>>) {add = true}
        %dma_wait3A_36 = arith.constant 0 : i32
        %dma_wait3A_37 = arith.constant 0 : i32
        %dma_wait3A_38 = tpu.memref_slice %arg10[%dma_wait3A_36, %dma_wait3A_37] : memref<83968x16xf32, #tpu.memory_space<vmem_shared>> -> memref<83968x16xf32, #tpu.memory_space<vmem_shared>>
        tpu.wait_indirect_dma semaphore(%run_scoped3A : memref<!tpu.dma_semaphore, #tpu.memory_space<semaphore_mem>>) src(%arg8 : memref<128x16xf32, #tpu.memory_space<vmem>>) dst(%dma_wait3A_38 : memref<83968x16xf32, #tpu.memory_space<vmem_shared>>)
        tpu.yield
      }) : () -> ()
    }
    %scan3A_17 = arith.constant 65 : i32
    %barrier3A_18 = arith.constant 0 : index
    tpu.barrier barrier_id(%barrier3A_18)
    %mul3A_19 = arith.constant 5248 : i32
    %mul3A_20 = arith.muli %arg1, %mul3A_19 : i32
    %mul3A_21 = arith.constant 5248 : i32
    %mul3A_22 = arith.muli %arg1, %mul3A_21 : i32
    "tpu.region"() ({
      %run_scoped3A = tpu.sem_alloc : memref<!tpu.dma_semaphore, #tpu.memory_space<semaphore_mem>>
      %dma_start3A = arith.constant 0 : i32
      %dma_start3A_23 = tpu.memref_slice %arg5[%arg0, %mul3A_22, %dma_start3A] : memref<2x83968x16xf32, #tpu.memory_space<hbm>> -> memref<1x5248x16xf32, #tpu.memory_space<hbm>>
      %dma_start3A_24 = tpu.memref_squeeze %dma_start3A_23 : memref<1x5248x16xf32, #tpu.memory_space<hbm>> -> memref<5248x16xf32, #tpu.memory_space<hbm>>
      %dma_start3A_25 = arith.constant 0 : i32
      %dma_start3A_26 = tpu.memref_slice %arg10[%mul3A_20, %dma_start3A_25] : memref<83968x16xf32, #tpu.memory_space<vmem_shared>> -> memref<5248x16xf32, #tpu.memory_space<vmem_shared>>
      tpu.enqueue_dma source(%dma_start3A_26 : memref<5248x16xf32, #tpu.memory_space<vmem_shared>>) target(%dma_start3A_24 : memref<5248x16xf32, #tpu.memory_space<hbm>>) target_semaphore(%run_scoped3A : memref<!tpu.dma_semaphore, #tpu.memory_space<semaphore_mem>>)
      %dma_wait3A = arith.constant 0 : i32
      %dma_wait3A_27 = tpu.memref_slice %arg5[%arg0, %mul3A_22, %dma_wait3A] : memref<2x83968x16xf32, #tpu.memory_space<hbm>> -> memref<1x5248x16xf32, #tpu.memory_space<hbm>>
      %dma_wait3A_28 = tpu.memref_squeeze %dma_wait3A_27 : memref<1x5248x16xf32, #tpu.memory_space<hbm>> -> memref<5248x16xf32, #tpu.memory_space<hbm>>
      %dma_wait3A_29 = arith.constant 0 : i32
      %dma_wait3A_30 = tpu.memref_slice %arg10[%mul3A_20, %dma_wait3A_29] : memref<83968x16xf32, #tpu.memory_space<vmem_shared>> -> memref<5248x16xf32, #tpu.memory_space<vmem_shared>>
      tpu.wait_dma2 semaphore(%run_scoped3A : memref<!tpu.dma_semaphore, #tpu.memory_space<semaphore_mem>>) src(%dma_wait3A_30 : memref<5248x16xf32, #tpu.memory_space<vmem_shared>>) dst(%dma_wait3A_28 : memref<5248x16xf32, #tpu.memory_space<hbm>>)
      tpu.yield
    }) : () -> ()
    return
  }
}

#map = affine_map<(d0, d1) -> (0, 0)>
#map1 = affine_map<(d0, d1) -> (0)>
#map2 = affine_map<(d0, d1) -> (0, 0, 0)>
module attributes {stable_mosaic.version = 14 : i64} {
  func.func @body(%arg0: i32, %arg1: i32, %arg2: memref<2267136x16xf32, #tpu.memory_space<hbm>>, %arg3: memref<749568xi32, #tpu.memory_space<hbm>>, %arg4: memref<749568xi32, #tpu.memory_space<hbm>>, %arg5: memref<2x83968x16xf32, #tpu.memory_space<hbm>>, %arg6: memref<128xi32, #tpu.memory_space<vmem>>, %arg7: memref<128xi32, #tpu.memory_space<vmem>>, %arg8: memref<128x16xf32, #tpu.memory_space<vmem>>, %arg9: memref<128x16xf32, #tpu.memory_space<vmem>>, %arg10: memref<83968x16xf32, #tpu.memory_space<vmem_shared>>, %arg11: memref<!tpu.dma_semaphore, #tpu.memory_space<semaphore_mem>>) attributes {dimension_semantics = [#tpu.dimension_semantics<core_parallel>, #tpu.dimension_semantics<subcore_parallel>], iteration_bounds = array<i64: 2, 16>, scalar_prefetch = 0 : i64, scratch_operands = 6 : i64, tpu.core_type = #tpu.core_type<sc_vector_subcore>, window_params = [{transform_indices = #map}, {transform_indices = #map1}, {transform_indices = #map1}, {transform_indices = #map2}]} {
    %mul3A = arith.constant 16 : i32
    %mul3A_0 = arith.muli %arg0, %mul3A : i32
    %add3A = arith.addi %mul3A_0, %arg1 : i32
    %scan3A = arith.constant 0 : i32
    %scan3A_1 = arith.constant 0 : i32
    %scan3A_2 = arith.constant 128 : i32
    %scan3A_3 = arith.addi %scan3A_1, %scan3A_2 : i32
    %scan3A_4 = arith.constant 1 : i32
    scf.for %scan3A_23 = %scan3A_1 to %scan3A_3 step %scan3A_4  : i32 {
      %broadcast_in_dim3A = arith.constant 0.000000e+00 : f32
      %broadcast_in_dim3A_24 = vector.broadcast %broadcast_in_dim3A : f32 to vector<16xf32>
      %swap3A = arith.index_cast %scan3A_23 : i32 to index
      %swap3A_25 = arith.constant 0 : index
      %swap3A_26 = tpu.vector_load %arg9[%swap3A, %swap3A_25] {strides = array<i32>} : memref<128x16xf32, #tpu.memory_space<vmem>>, vector<1x16xf32>,
      %swap3A_27 = vector.shape_cast %swap3A_26 : vector<1x16xf32> to vector<16xf32>
      %swap3A_28 = vector.shape_cast %broadcast_in_dim3A_24 : vector<16xf32> to vector<1x16xf32>
      tpu.vector_store %arg9[%swap3A, %swap3A_25], %swap3A_28 {strides = array<i32>} : memref<128x16xf32, #tpu.memory_space<vmem>>, vector<1x16xf32>,
    }
    %scan3A_5 = arith.constant 128 : i32
    %scan3A_6 = arith.constant 0 : i32
    %scan3A_7 = arith.constant 0 : i32
    %scan3A_8 = arith.constant 41 : i32
    %scan3A_9 = arith.addi %scan3A_7, %scan3A_8 : i32
    %scan3A_10 = arith.constant 1 : i32
    scf.for %scan3A_23 = %scan3A_7 to %scan3A_9 step %scan3A_10  : i32 {
      %mul3A_24 = arith.constant 5248 : i32
      %mul3A_25 = arith.muli %arg1, %mul3A_24 : i32
      %mul3A_26 = arith.constant 128 : i32
      %mul3A_27 = arith.muli %scan3A_23, %mul3A_26 : i32
      %add3A_28 = arith.addi %mul3A_25, %mul3A_27 : i32
      "tpu.region"() ({
        %run_scoped3A = tpu.sem_alloc : memref<!tpu.dma_semaphore, #tpu.memory_space<semaphore_mem>>
        %dma_start3A = arith.constant 0 : i32
        %dma_start3A_29 = tpu.memref_slice %arg10[%add3A_28, %dma_start3A] : memref<83968x16xf32, #tpu.memory_space<vmem_shared>> -> memref<128x16xf32, #tpu.memory_space<vmem_shared>>
        %dma_start3A_30 = arith.constant 0 : i32
        %dma_start3A_31 = tpu.memref_slice %arg10[%add3A_28, %dma_start3A_30] : memref<83968x16xf32, #tpu.memory_space<vmem_shared>> -> memref<128x16xf32, #tpu.memory_space<vmem_shared>>
        tpu.enqueue_dma source(%arg9 : memref<128x16xf32, #tpu.memory_space<vmem>>) target(%dma_start3A_31 : memref<128x16xf32, #tpu.memory_space<vmem_shared>>) target_semaphore(%run_scoped3A : memref<!tpu.dma_semaphore, #tpu.memory_space<semaphore_mem>>)
        %dma_wait3A = arith.constant 0 : i32
        %dma_wait3A_32 = tpu.memref_slice %arg10[%add3A_28, %dma_wait3A] : memref<83968x16xf32, #tpu.memory_space<vmem_shared>> -> memref<128x16xf32, #tpu.memory_space<vmem_shared>>
        %dma_wait3A_33 = arith.constant 0 : i32
        %dma_wait3A_34 = tpu.memref_slice %arg10[%add3A_28, %dma_wait3A_33] : memref<83968x16xf32, #tpu.memory_space<vmem_shared>> -> memref<128x16xf32, #tpu.memory_space<vmem_shared>>
        tpu.wait_dma2 semaphore(%run_scoped3A : memref<!tpu.dma_semaphore, #tpu.memory_space<semaphore_mem>>) src(%arg9 : memref<128x16xf32, #tpu.memory_space<vmem>>) dst(%dma_wait3A_34 : memref<128x16xf32, #tpu.memory_space<vmem_shared>>)
        tpu.yield
      }) : () -> ()
    }
    %scan3A_11 = arith.constant 41 : i32
    %barrier3A = arith.constant 0 : index
    tpu.barrier barrier_id(%barrier3A)
    %scan3A_12 = arith.constant 0 : i32
    %scan3A_13 = arith.constant 0 : i32
    %scan3A_14 = arith.constant 183 : i32
    %scan3A_15 = arith.addi %scan3A_13, %scan3A_14 : i32
    %scan3A_16 = arith.constant 1 : i32
    scf.for %scan3A_23 = %scan3A_13 to %scan3A_15 step %scan3A_16  : i32 {
      %mul3A_24 = arith.constant 183 : i32
      %mul3A_25 = arith.muli %add3A, %mul3A_24 : i32
      %add3A_26 = arith.addi %mul3A_25, %scan3A_23 : i32
      %mul3A_27 = arith.constant 128 : i32
      %mul3A_28 = arith.muli %add3A_26, %mul3A_27 : i32
      "tpu.region"() ({
        %run_scoped3A = tpu.sem_alloc : memref<!tpu.dma_semaphore, #tpu.memory_space<semaphore_mem>>
        %dma_start3A_33 = tpu.memref_slice %arg3[%mul3A_28] : memref<749568xi32, #tpu.memory_space<hbm>> -> memref<128xi32, #tpu.memory_space<hbm>>
        %dma_start3A_34 = tpu.memref_slice %arg3[%mul3A_28] : memref<749568xi32, #tpu.memory_space<hbm>> -> memref<128xi32, #tpu.memory_space<hbm>>
        tpu.enqueue_dma source(%dma_start3A_34 : memref<128xi32, #tpu.memory_space<hbm>>) target(%arg6 : memref<128xi32, #tpu.memory_space<vmem>>) target_semaphore(%run_scoped3A : memref<!tpu.dma_semaphore, #tpu.memory_space<semaphore_mem>>)
        %dma_wait3A_35 = tpu.memref_slice %arg3[%mul3A_28] : memref<749568xi32, #tpu.memory_space<hbm>> -> memref<128xi32, #tpu.memory_space<hbm>>
        %dma_wait3A_36 = tpu.memref_slice %arg3[%mul3A_28] : memref<749568xi32, #tpu.memory_space<hbm>> -> memref<128xi32, #tpu.memory_space<hbm>>
        tpu.wait_dma2 semaphore(%run_scoped3A : memref<!tpu.dma_semaphore, #tpu.memory_space<semaphore_mem>>) src(%dma_wait3A_36 : memref<128xi32, #tpu.memory_space<hbm>>) dst(%arg6 : memref<128xi32, #tpu.memory_space<vmem>>)
        tpu.yield
      }) : () -> ()
      "tpu.region"() ({
        %run_scoped3A = tpu.sem_alloc : memref<!tpu.dma_semaphore, #tpu.memory_space<semaphore_mem>>
        %dma_start3A_33 = tpu.memref_slice %arg4[%mul3A_28] : memref<749568xi32, #tpu.memory_space<hbm>> -> memref<128xi32, #tpu.memory_space<hbm>>
        %dma_start3A_34 = tpu.memref_slice %arg4[%mul3A_28] : memref<749568xi32, #tpu.memory_space<hbm>> -> memref<128xi32, #tpu.memory_space<hbm>>
        tpu.enqueue_dma source(%dma_start3A_34 : memref<128xi32, #tpu.memory_space<hbm>>) target(%arg7 : memref<128xi32, #tpu.memory_space<vmem>>) target_semaphore(%run_scoped3A : memref<!tpu.dma_semaphore, #tpu.memory_space<semaphore_mem>>)
        %dma_wait3A_35 = tpu.memref_slice %arg4[%mul3A_28] : memref<749568xi32, #tpu.memory_space<hbm>> -> memref<128xi32, #tpu.memory_space<hbm>>
        %dma_wait3A_36 = tpu.memref_slice %arg4[%mul3A_28] : memref<749568xi32, #tpu.memory_space<hbm>> -> memref<128xi32, #tpu.memory_space<hbm>>
        tpu.wait_dma2 semaphore(%run_scoped3A : memref<!tpu.dma_semaphore, #tpu.memory_space<semaphore_mem>>) src(%dma_wait3A_36 : memref<128xi32, #tpu.memory_space<hbm>>) dst(%arg7 : memref<128xi32, #tpu.memory_space<vmem>>)
        tpu.yield
      }) : () -> ()
      %dma_start3A = arith.constant 0 : i32
      %dma_start3A_29 = arith.constant 0 : i32
      %dma_start3A_30 = tpu.memref_slice %arg2[%dma_start3A, %dma_start3A_29] : memref<2267136x16xf32, #tpu.memory_space<hbm>> -> memref<2267136x16xf32, #tpu.memory_space<hbm>>
      tpu.enqueue_indirect_dma source(%dma_start3A_30 : memref<2267136x16xf32, #tpu.memory_space<hbm>>) target(%arg8 : memref<128x16xf32, #tpu.memory_space<vmem>>) offsets(%arg6 : memref<128xi32, #tpu.memory_space<vmem>>) semaphore(%arg11 : memref<!tpu.dma_semaphore, #tpu.memory_space<semaphore_mem>>)
      %dma_wait3A = arith.constant 0 : i32
      %dma_wait3A_31 = arith.constant 0 : i32
      %dma_wait3A_32 = tpu.memref_slice %arg2[%dma_wait3A, %dma_wait3A_31] : memref<2267136x16xf32, #tpu.memory_space<hbm>> -> memref<2267136x16xf32, #tpu.memory_space<hbm>>
      tpu.wait_indirect_dma semaphore(%arg11 : memref<!tpu.dma_semaphore, #tpu.memory_space<semaphore_mem>>) src(%dma_wait3A_32 : memref<2267136x16xf32, #tpu.memory_space<hbm>>) dst(%arg8 : memref<128x16xf32, #tpu.memory_space<vmem>>)
      "tpu.region"() ({
        %run_scoped3A = tpu.sem_alloc : memref<!tpu.dma_semaphore, #tpu.memory_space<semaphore_mem>>
        %dma_start3A_33 = arith.constant 0 : i32
        %dma_start3A_34 = arith.constant 0 : i32
        %dma_start3A_35 = tpu.memref_slice %arg10[%dma_start3A_33, %dma_start3A_34] : memref<83968x16xf32, #tpu.memory_space<vmem_shared>> -> memref<83968x16xf32, #tpu.memory_space<vmem_shared>>
        tpu.enqueue_indirect_dma source(%arg8 : memref<128x16xf32, #tpu.memory_space<vmem>>) target(%dma_start3A_35 : memref<83968x16xf32, #tpu.memory_space<vmem_shared>>) offsets(%arg7 : memref<128xi32, #tpu.memory_space<vmem>>) semaphore(%run_scoped3A : memref<!tpu.dma_semaphore, #tpu.memory_space<semaphore_mem>>) {add = true}
        %dma_wait3A_36 = arith.constant 0 : i32
        %dma_wait3A_37 = arith.constant 0 : i32
        %dma_wait3A_38 = tpu.memref_slice %arg10[%dma_wait3A_36, %dma_wait3A_37] : memref<83968x16xf32, #tpu.memory_space<vmem_shared>> -> memref<83968x16xf32, #tpu.memory_space<vmem_shared>>
        tpu.wait_indirect_dma semaphore(%run_scoped3A : memref<!tpu.dma_semaphore, #tpu.memory_space<semaphore_mem>>) src(%arg8 : memref<128x16xf32, #tpu.memory_space<vmem>>) dst(%dma_wait3A_38 : memref<83968x16xf32, #tpu.memory_space<vmem_shared>>)
        tpu.yield
      }) : () -> ()
    }
    %scan3A_17 = arith.constant 183 : i32
    %barrier3A_18 = arith.constant 0 : index
    tpu.barrier barrier_id(%barrier3A_18)
    %mul3A_19 = arith.constant 5248 : i32
    %mul3A_20 = arith.muli %arg1, %mul3A_19 : i32
    %mul3A_21 = arith.constant 5248 : i32
    %mul3A_22 = arith.muli %arg1, %mul3A_21 : i32
    "tpu.region"() ({
      %run_scoped3A = tpu.sem_alloc : memref<!tpu.dma_semaphore, #tpu.memory_space<semaphore_mem>>
      %dma_start3A = arith.constant 0 : i32
      %dma_start3A_23 = tpu.memref_slice %arg5[%arg0, %mul3A_22, %dma_start3A] : memref<2x83968x16xf32, #tpu.memory_space<hbm>> -> memref<1x5248x16xf32, #tpu.memory_space<hbm>>
      %dma_start3A_24 = tpu.memref_squeeze %dma_start3A_23 : memref<1x5248x16xf32, #tpu.memory_space<hbm>> -> memref<5248x16xf32, #tpu.memory_space<hbm>>
      %dma_start3A_25 = arith.constant 0 : i32
      %dma_start3A_26 = tpu.memref_slice %arg10[%mul3A_20, %dma_start3A_25] : memref<83968x16xf32, #tpu.memory_space<vmem_shared>> -> memref<5248x16xf32, #tpu.memory_space<vmem_shared>>
      tpu.enqueue_dma source(%dma_start3A_26 : memref<5248x16xf32, #tpu.memory_space<vmem_shared>>) target(%dma_start3A_24 : memref<5248x16xf32, #tpu.memory_space<hbm>>) target_semaphore(%run_scoped3A : memref<!tpu.dma_semaphore, #tpu.memory_space<semaphore_mem>>)
      %dma_wait3A = arith.constant 0 : i32
      %dma_wait3A_27 = tpu.memref_slice %arg5[%arg0, %mul3A_22, %dma_wait3A] : memref<2x83968x16xf32, #tpu.memory_space<hbm>> -> memref<1x5248x16xf32, #tpu.memory_space<hbm>>
      %dma_wait3A_28 = tpu.memref_squeeze %dma_wait3A_27 : memref<1x5248x16xf32, #tpu.memory_space<hbm>> -> memref<5248x16xf32, #tpu.memory_space<hbm>>
      %dma_wait3A_29 = arith.constant 0 : i32
      %dma_wait3A_30 = tpu.memref_slice %arg10[%mul3A_20, %dma_wait3A_29] : memref<83968x16xf32, #tpu.memory_space<vmem_shared>> -> memref<5248x16xf32, #tpu.memory_space<vmem_shared>>
      tpu.wait_dma2 semaphore(%run_scoped3A : memref<!tpu.dma_semaphore, #tpu.memory_space<semaphore_mem>>) src(%dma_wait3A_30 : memref<5248x16xf32, #tpu.memory_space<vmem_shared>>) dst(%dma_wait3A_28 : memref<5248x16xf32, #tpu.memory_space<hbm>>)
      tpu.yield
    }) : () -> ()
    return
  }
}

module attributes {stable_mosaic.version = 14 : i64} {
  func.func @body(%arg0: i32, %arg1: memref<256x8xf32, #tpu.memory_space<vmem>>, %arg2: memref<8x432xf32, #tpu.memory_space<vmem>>, %arg3: memref<256x432xf32, #tpu.memory_space<vmem>>) attributes {dimension_semantics = [#tpu.dimension_semantics<arbitrary>], iteration_bounds = array<i64: 328>, scalar_prefetch = 0 : i64, scratch_operands = 0 : i64, tpu.core_type = #tpu.core_type<tc>, window_params = [{transform_indices = @transform_0, window_bounds = array<i64: 256, 8>}, {pipeline_mode = #tpu.pipeline_mode<synchronous>, transform_indices = @transform_1, window_bounds = array<i64: 8, 432>}, {transform_indices = @transform_2, window_bounds = array<i64: 256, 432>}]} {
    %get3A = arith.constant 0 : index
    %get3A_0 = arith.constant 0 : index
    %get3A_1 = vector.load %arg1[%get3A, %get3A_0] : memref<256x8xf32, #tpu.memory_space<vmem>>, vector<256x8xf32>
    %get3A_2 = arith.constant 0 : index
    %get3A_3 = arith.constant 0 : index
    %get3A_4 = vector.load %arg2[%get3A_2, %get3A_3] : memref<8x432xf32, #tpu.memory_space<vmem>>, vector<8x432xf32>
    %dot_general3A = arith.constant dense<0.000000e+00> : vector<256x432xf32>
    %dot_general3A_5 = tpu.matmul %get3A_1, %get3A_4, %dot_general3A {dimension_numbers = #tpu.dot_dimension_numbers<[1], [0], [0], [1], [0, 0, 1, 1], [], []>, transpose_lhs_hint = false} : vector<256x8xf32>, vector<8x432xf32>, vector<256x432xf32> -> vector<256x432xf32>
    %swap3A = arith.constant 0 : index
    %swap3A_6 = arith.constant 0 : index
    %swap3A_7 = vector.load %arg3[%swap3A, %swap3A_6] : memref<256x432xf32, #tpu.memory_space<vmem>>, vector<256x432xf32>
    tpu.vector_store %arg3[%swap3A, %swap3A_6], %dot_general3A_5 {strides = array<i32>} : memref<256x432xf32, #tpu.memory_space<vmem>>, vector<256x432xf32>,
    return
  }
  func.func @transform_0(%arg0: i32) -> (i32, i32) {
    %c0_i32 = arith.constant 0 : i32
    %c0_i32_0 = arith.constant 0 : i32
    return %arg0, %c0_i32 : i32, i32
  }
  func.func @transform_1(%arg0: i32) -> (i32, i32) {
    %c0_i32 = arith.constant 0 : i32
    %c0_i32_0 = arith.constant 0 : i32
    %c0_i32_1 = arith.constant 0 : i32
    return %c0_i32, %c0_i32_0 : i32, i32
  }
  func.func @transform_2(%arg0: i32) -> (i32, i32) {
    %c0_i32 = arith.constant 0 : i32
    %c0_i32_0 = arith.constant 0 : i32
    return %arg0, %c0_i32 : i32, i32
  }
}

module attributes {stable_mosaic.version = 14 : i64} {
  func.func @body(%arg0: i32, %arg1: memref<2x512x16xf32, #tpu.memory_space<vmem>>, %arg2: memref<8x16xf32, #tpu.memory_space<vmem>>) attributes {dimension_semantics = [#tpu.dimension_semantics<arbitrary>], iteration_bounds = array<i64: 164>, scalar_prefetch = 0 : i64, scratch_operands = 0 : i64, tpu.core_type = #tpu.core_type<tc>, window_params = [{transform_indices = @transform_0, window_bounds = array<i64: 2, 512, 16>}, {pipeline_mode = #tpu.pipeline_mode<synchronous>, transform_indices = @transform_1, window_bounds = array<i64: 8, 16>}]} {
    %get3A = arith.constant 0 : index
    %get3A_0 = arith.constant 0 : index
    %get3A_1 = arith.constant 0 : index
    %get3A_2 = vector.load %arg1[%get3A, %get3A_0, %get3A_1] : memref<2x512x16xf32, #tpu.memory_space<vmem>>, vector<1x512x16xf32>
    %get3A_3 = vector.shape_cast %get3A_2 : vector<1x512x16xf32> to vector<512x16xf32>
    %get3A_4 = arith.constant 1 : index
    %get3A_5 = arith.constant 0 : index
    %get3A_6 = arith.constant 0 : index
    %get3A_7 = vector.load %arg1[%get3A_4, %get3A_5, %get3A_6] : memref<2x512x16xf32, #tpu.memory_space<vmem>>, vector<1x512x16xf32>
    %get3A_8 = vector.shape_cast %get3A_7 : vector<1x512x16xf32> to vector<512x16xf32>
    %add3A = arith.addf %get3A_3, %get3A_8 : vector<512x16xf32>
    %iota3A = tpu.iota {dimensions = array<i32: 0>} : vector<512x16xi32>
    %mul3A = arith.constant 512 : i32
    %mul3A_9 = arith.muli %arg0, %mul3A : i32
    %add3A_10 = vector.broadcast %mul3A_9 : i32 to vector<512x16xi32>
    %add3A_11 = arith.addi %iota3A, %add3A_10 : vector<512x16xi32>
    %lt3A = arith.constant 83146 : i32
    %lt3A_12 = vector.broadcast %lt3A : i32 to vector<512x16xi32>
    %lt3A_13 = arith.cmpi slt, %add3A_11, %lt3A_12 : vector<512x16xi32>
    %jit3A = arith.constant 0.000000e+00 : f32
    %broadcast_in_dim3A = vector.broadcast %jit3A : f32 to vector<512x16xf32>
    %select_n3A = arith.select %lt3A_13, %add3A, %broadcast_in_dim3A : vector<512x16xi1>, vector<512x16xf32>
    %reduce_sum3A = arith.constant dense<0.000000e+00> : vector<16xf32>
    %reduce_sum3A_14 = vector.multi_reduction <add>, %select_n3A, %reduce_sum3A [0] : vector<512x16xf32> to vector<16xf32>
    %broadcast_in_dim3A_15 = vector.shape_cast %reduce_sum3A_14 : vector<16xf32> to vector<1x16xf32>
    %mul3A_16 = arith.mulf %select_n3A, %select_n3A : vector<512x16xf32>
    %reduce_sum3A_17 = arith.constant dense<0.000000e+00> : vector<16xf32>
    %reduce_sum3A_18 = vector.multi_reduction <add>, %mul3A_16, %reduce_sum3A_17 [0] : vector<512x16xf32> to vector<16xf32>
    %broadcast_in_dim3A_19 = vector.shape_cast %reduce_sum3A_18 : vector<16xf32> to vector<1x16xf32>
    %broadcast_in_dim3A_20 = arith.constant 0.000000e+00 : f32
    %broadcast_in_dim3A_21 = vector.broadcast %broadcast_in_dim3A_20 : f32 to vector<6x16xf32>
    %concatenate3A = tpu.concatenate %broadcast_in_dim3A_15, %broadcast_in_dim3A_19, %broadcast_in_dim3A_21 in 0 : vector<1x16xf32>, vector<1x16xf32>, vector<6x16xf32> -> vector<8x16xf32>
    %eq3A = arith.constant 0 : i32
    %eq3A_22 = arith.cmpi eq, %arg0, %eq3A : i32
    %convert_element_type3A = arith.extui %eq3A_22 : i1 to i32
    %cond3A = arith.constant 0 : i32
    %cond3A_23 = arith.cmpi ne, %convert_element_type3A, %cond3A : i32
    scf.if %cond3A_23 {
      %swap3A = arith.constant 0 : index
      %swap3A_28 = arith.constant 0 : index
      %swap3A_29 = vector.load %arg2[%swap3A, %swap3A_28] : memref<8x16xf32, #tpu.memory_space<vmem>>, vector<8x16xf32>
      tpu.vector_store %arg2[%swap3A, %swap3A_28], %concatenate3A {strides = array<i32>} : memref<8x16xf32, #tpu.memory_space<vmem>>, vector<8x16xf32>,
    } else {
    }
    %gt3A = arith.constant 0 : i32
    %gt3A_24 = arith.cmpi sgt, %arg0, %gt3A : i32
    %convert_element_type3A_25 = arith.extui %gt3A_24 : i1 to i32
    %cond3A_26 = arith.constant 0 : i32
    %cond3A_27 = arith.cmpi ne, %convert_element_type3A_25, %cond3A_26 : i32
    scf.if %cond3A_27 {
      %get3A_28 = arith.constant 0 : index
      %get3A_29 = arith.constant 0 : index
      %get3A_30 = vector.load %arg2[%get3A_28, %get3A_29] : memref<8x16xf32, #tpu.memory_space<vmem>>, vector<8x16xf32>
      %add3A_31 = arith.addf %get3A_30, %concatenate3A : vector<8x16xf32>
      %swap3A = arith.constant 0 : index
      %swap3A_32 = arith.constant 0 : index
      %swap3A_33 = vector.load %arg2[%swap3A, %swap3A_32] : memref<8x16xf32, #tpu.memory_space<vmem>>, vector<8x16xf32>
      tpu.vector_store %arg2[%swap3A, %swap3A_32], %add3A_31 {strides = array<i32>} : memref<8x16xf32, #tpu.memory_space<vmem>>, vector<8x16xf32>,
    } else {
    }
    return
  }
  func.func @transform_0(%arg0: i32) -> (i32, i32, i32) {
    %c0_i32 = arith.constant 0 : i32
    %c0_i32_0 = arith.constant 0 : i32
    %c0_i32_1 = arith.constant 0 : i32
    return %c0_i32, %arg0, %c0_i32_0 : i32, i32, i32
  }
  func.func @transform_1(%arg0: i32) -> (i32, i32) {
    %c0_i32 = arith.constant 0 : i32
    %c0_i32_0 = arith.constant 0 : i32
    %c0_i32_1 = arith.constant 0 : i32
    return %c0_i32, %c0_i32_0 : i32, i32
  }
}

module attributes {stable_mosaic.version = 14 : i64} {
  func.func @body(%arg0: i32, %arg1: memref<2x256x16xf32, #tpu.memory_space<vmem>>, %arg2: memref<8x16xf32, #tpu.memory_space<vmem>>, %arg3: memref<1x16xf32, #tpu.memory_space<vmem>>, %arg4: memref<1x16xf32, #tpu.memory_space<vmem>>, %arg5: memref<16x864xf32, #tpu.memory_space<vmem>>, %arg6: memref<256x864xf32, #tpu.memory_space<vmem>>, %arg7: memref<256x16xf32, #tpu.memory_space<vmem>>) attributes {dimension_semantics = [#tpu.dimension_semantics<arbitrary>], iteration_bounds = array<i64: 328>, scalar_prefetch = 0 : i64, scratch_operands = 0 : i64, tpu.core_type = #tpu.core_type<tc>, window_params = [{transform_indices = @transform_0, window_bounds = array<i64: 2, 256, 16>}, {pipeline_mode = #tpu.pipeline_mode<synchronous>, transform_indices = @transform_1, window_bounds = array<i64: 8, 16>}, {pipeline_mode = #tpu.pipeline_mode<synchronous>, transform_indices = @transform_2, window_bounds = array<i64: 1, 16>}, {pipeline_mode = #tpu.pipeline_mode<synchronous>, transform_indices = @transform_3, window_bounds = array<i64: 1, 16>}, {pipeline_mode = #tpu.pipeline_mode<synchronous>, transform_indices = @transform_4, window_bounds = array<i64: 16, 864>}, {transform_indices = @transform_5, window_bounds = array<i64: 256, 864>}, {transform_indices = @transform_6, window_bounds = array<i64: 256, 16>}]} {
    %get3A = arith.constant 0 : index
    %get3A_0 = arith.constant 0 : index
    %get3A_1 = arith.constant 0 : index
    %get3A_2 = vector.load %arg1[%get3A, %get3A_0, %get3A_1] : memref<2x256x16xf32, #tpu.memory_space<vmem>>, vector<1x256x16xf32>
    %get3A_3 = vector.shape_cast %get3A_2 : vector<1x256x16xf32> to vector<256x16xf32>
    %get3A_4 = arith.constant 1 : index
    %get3A_5 = arith.constant 0 : index
    %get3A_6 = arith.constant 0 : index
    %get3A_7 = vector.load %arg1[%get3A_4, %get3A_5, %get3A_6] : memref<2x256x16xf32, #tpu.memory_space<vmem>>, vector<1x256x16xf32>
    %get3A_8 = vector.shape_cast %get3A_7 : vector<1x256x16xf32> to vector<256x16xf32>
    %add3A = arith.addf %get3A_3, %get3A_8 : vector<256x16xf32>
    %get3A_9 = arith.constant 0 : index
    %get3A_10 = arith.constant 0 : index
    %get3A_11 = vector.load %arg2[%get3A_9, %get3A_10] : memref<8x16xf32, #tpu.memory_space<vmem>>, vector<1x16xf32>
    %mul3A = arith.constant 1.2027037E-5 : f32
    %mul3A_12 = vector.broadcast %mul3A : f32 to vector<1x16xf32>
    %mul3A_13 = arith.mulf %get3A_11, %mul3A_12 : vector<1x16xf32>
    %get3A_14 = arith.constant 1 : index
    %get3A_15 = arith.constant 0 : index
    %get3A_16 = vector.load %arg2[%get3A_14, %get3A_15] : memref<8x16xf32, #tpu.memory_space<vmem>>, vector<1x16xf32>
    %mul3A_17 = arith.constant 1.2027037E-5 : f32
    %mul3A_18 = vector.broadcast %mul3A_17 : f32 to vector<1x16xf32>
    %mul3A_19 = arith.mulf %get3A_16, %mul3A_18 : vector<1x16xf32>
    %mul3A_20 = arith.mulf %mul3A_13, %mul3A_13 : vector<1x16xf32>
    %sub3A = arith.subf %mul3A_19, %mul3A_20 : vector<1x16xf32>
    %add3A_21 = arith.constant 9.99999974E-6 : f32
    %add3A_22 = vector.broadcast %add3A_21 : f32 to vector<1x16xf32>
    %add3A_23 = arith.addf %sub3A, %add3A_22 : vector<1x16xf32>
    %rsqrt3A = math.rsqrt %add3A_23 : vector<1x16xf32>
    %get3A_24 = arith.constant 0 : index
    %get3A_25 = arith.constant 0 : index
    %get3A_26 = vector.load %arg3[%get3A_24, %get3A_25] : memref<1x16xf32, #tpu.memory_space<vmem>>, vector<1x16xf32>
    %mul3A_27 = arith.mulf %rsqrt3A, %get3A_26 : vector<1x16xf32>
    %sub3A_28 = vector.broadcast %mul3A_13 : vector<1x16xf32> to vector<256x16xf32>
    %sub3A_29 = arith.subf %add3A, %sub3A_28 : vector<256x16xf32>
    %mul3A_30 = vector.broadcast %mul3A_27 : vector<1x16xf32> to vector<256x16xf32>
    %mul3A_31 = arith.mulf %sub3A_29, %mul3A_30 : vector<256x16xf32>
    %get3A_32 = arith.constant 0 : index
    %get3A_33 = arith.constant 0 : index
    %get3A_34 = vector.load %arg4[%get3A_32, %get3A_33] : memref<1x16xf32, #tpu.memory_space<vmem>>, vector<1x16xf32>
    %add3A_35 = vector.broadcast %get3A_34 : vector<1x16xf32> to vector<256x16xf32>
    %add3A_36 = arith.addf %mul3A_31, %add3A_35 : vector<256x16xf32>
    %max3A = arith.constant 0.000000e+00 : f32
    %max3A_37 = vector.broadcast %max3A : f32 to vector<256x16xf32>
    %max3A_38 = arith.maximumf %add3A_36, %max3A_37 : vector<256x16xf32>
    %get3A_39 = arith.constant 0 : index
    %get3A_40 = arith.constant 0 : index
    %get3A_41 = vector.load %arg5[%get3A_39, %get3A_40] : memref<16x864xf32, #tpu.memory_space<vmem>>, vector<16x864xf32>
    %dot_general3A = arith.constant dense<0.000000e+00> : vector<256x864xf32>
    %dot_general3A_42 = tpu.matmul %max3A_38, %get3A_41, %dot_general3A {dimension_numbers = #tpu.dot_dimension_numbers<[1], [0], [0], [1], [0, 0, 1, 1], [], []>, transpose_lhs_hint = false} : vector<256x16xf32>, vector<16x864xf32>, vector<256x864xf32> -> vector<256x864xf32>
    %swap3A = arith.constant 0 : index
    %swap3A_43 = arith.constant 0 : index
    %swap3A_44 = vector.load %arg6[%swap3A, %swap3A_43] : memref<256x864xf32, #tpu.memory_space<vmem>>, vector<256x864xf32>
    tpu.vector_store %arg6[%swap3A, %swap3A_43], %dot_general3A_42 {strides = array<i32>} : memref<256x864xf32, #tpu.memory_space<vmem>>, vector<256x864xf32>,
    %swap3A_45 = arith.constant 0 : index
    %swap3A_46 = arith.constant 0 : index
    %swap3A_47 = vector.load %arg7[%swap3A_45, %swap3A_46] : memref<256x16xf32, #tpu.memory_space<vmem>>, vector<256x16xf32>
    tpu.vector_store %arg7[%swap3A_45, %swap3A_46], %max3A_38 {strides = array<i32>} : memref<256x16xf32, #tpu.memory_space<vmem>>, vector<256x16xf32>,
    return
  }
  func.func @transform_0(%arg0: i32) -> (i32, i32, i32) {
    %c0_i32 = arith.constant 0 : i32
    %c0_i32_0 = arith.constant 0 : i32
    %c0_i32_1 = arith.constant 0 : i32
    return %c0_i32, %arg0, %c0_i32_0 : i32, i32, i32
  }
  func.func @transform_1(%arg0: i32) -> (i32, i32) {
    %c0_i32 = arith.constant 0 : i32
    %c0_i32_0 = arith.constant 0 : i32
    %c0_i32_1 = arith.constant 0 : i32
    return %c0_i32, %c0_i32_0 : i32, i32
  }
  func.func @transform_2(%arg0: i32) -> (i32, i32) {
    %c0_i32 = arith.constant 0 : i32
    %c0_i32_0 = arith.constant 0 : i32
    %c0_i32_1 = arith.constant 0 : i32
    return %c0_i32, %c0_i32_0 : i32, i32
  }
  func.func @transform_3(%arg0: i32) -> (i32, i32) {
    %c0_i32 = arith.constant 0 : i32
    %c0_i32_0 = arith.constant 0 : i32
    %c0_i32_1 = arith.constant 0 : i32
    return %c0_i32, %c0_i32_0 : i32, i32
  }
  func.func @transform_4(%arg0: i32) -> (i32, i32) {
    %c0_i32 = arith.constant 0 : i32
    %c0_i32_0 = arith.constant 0 : i32
    %c0_i32_1 = arith.constant 0 : i32
    return %c0_i32, %c0_i32_0 : i32, i32
  }
  func.func @transform_5(%arg0: i32) -> (i32, i32) {
    %c0_i32 = arith.constant 0 : i32
    %c0_i32_0 = arith.constant 0 : i32
    return %arg0, %c0_i32 : i32, i32
  }
  func.func @transform_6(%arg0: i32) -> (i32, i32) {
    %c0_i32 = arith.constant 0 : i32
    %c0_i32_0 = arith.constant 0 : i32
    return %arg0, %c0_i32 : i32, i32
  }
}

module attributes {stable_mosaic.version = 14 : i64} {
  func.func @body(%arg0: i32, %arg1: memref<2x512x32xf32, #tpu.memory_space<vmem>>, %arg2: memref<8x32xf32, #tpu.memory_space<vmem>>) attributes {dimension_semantics = [#tpu.dimension_semantics<arbitrary>], iteration_bounds = array<i64: 64>, scalar_prefetch = 0 : i64, scratch_operands = 0 : i64, tpu.core_type = #tpu.core_type<tc>, window_params = [{transform_indices = @transform_0, window_bounds = array<i64: 2, 512, 32>}, {pipeline_mode = #tpu.pipeline_mode<synchronous>, transform_indices = @transform_1, window_bounds = array<i64: 8, 32>}]} {
    %get3A = arith.constant 0 : index
    %get3A_0 = arith.constant 0 : index
    %get3A_1 = arith.constant 0 : index
    %get3A_2 = vector.load %arg1[%get3A, %get3A_0, %get3A_1] : memref<2x512x32xf32, #tpu.memory_space<vmem>>, vector<1x512x32xf32>
    %get3A_3 = vector.shape_cast %get3A_2 : vector<1x512x32xf32> to vector<512x32xf32>
    %get3A_4 = arith.constant 1 : index
    %get3A_5 = arith.constant 0 : index
    %get3A_6 = arith.constant 0 : index
    %get3A_7 = vector.load %arg1[%get3A_4, %get3A_5, %get3A_6] : memref<2x512x32xf32, #tpu.memory_space<vmem>>, vector<1x512x32xf32>
    %get3A_8 = vector.shape_cast %get3A_7 : vector<1x512x32xf32> to vector<512x32xf32>
    %add3A = arith.addf %get3A_3, %get3A_8 : vector<512x32xf32>
    %iota3A = tpu.iota {dimensions = array<i32: 0>} : vector<512x32xi32>
    %mul3A = arith.constant 512 : i32
    %mul3A_9 = arith.muli %arg0, %mul3A : i32
    %add3A_10 = vector.broadcast %mul3A_9 : i32 to vector<512x32xi32>
    %add3A_11 = arith.addi %iota3A, %add3A_10 : vector<512x32xi32>
    %lt3A = arith.constant 31213 : i32
    %lt3A_12 = vector.broadcast %lt3A : i32 to vector<512x32xi32>
    %lt3A_13 = arith.cmpi slt, %add3A_11, %lt3A_12 : vector<512x32xi32>
    %jit3A = arith.constant 0.000000e+00 : f32
    %broadcast_in_dim3A = vector.broadcast %jit3A : f32 to vector<512x32xf32>
    %select_n3A = arith.select %lt3A_13, %add3A, %broadcast_in_dim3A : vector<512x32xi1>, vector<512x32xf32>
    %reduce_sum3A = arith.constant dense<0.000000e+00> : vector<32xf32>
    %reduce_sum3A_14 = vector.multi_reduction <add>, %select_n3A, %reduce_sum3A [0] : vector<512x32xf32> to vector<32xf32>
    %broadcast_in_dim3A_15 = vector.shape_cast %reduce_sum3A_14 : vector<32xf32> to vector<1x32xf32>
    %mul3A_16 = arith.mulf %select_n3A, %select_n3A : vector<512x32xf32>
    %reduce_sum3A_17 = arith.constant dense<0.000000e+00> : vector<32xf32>
    %reduce_sum3A_18 = vector.multi_reduction <add>, %mul3A_16, %reduce_sum3A_17 [0] : vector<512x32xf32> to vector<32xf32>
    %broadcast_in_dim3A_19 = vector.shape_cast %reduce_sum3A_18 : vector<32xf32> to vector<1x32xf32>
    %broadcast_in_dim3A_20 = arith.constant 0.000000e+00 : f32
    %broadcast_in_dim3A_21 = vector.broadcast %broadcast_in_dim3A_20 : f32 to vector<6x32xf32>
    %concatenate3A = tpu.concatenate %broadcast_in_dim3A_15, %broadcast_in_dim3A_19, %broadcast_in_dim3A_21 in 0 : vector<1x32xf32>, vector<1x32xf32>, vector<6x32xf32> -> vector<8x32xf32>
    %eq3A = arith.constant 0 : i32
    %eq3A_22 = arith.cmpi eq, %arg0, %eq3A : i32
    %convert_element_type3A = arith.extui %eq3A_22 : i1 to i32
    %cond3A = arith.constant 0 : i32
    %cond3A_23 = arith.cmpi ne, %convert_element_type3A, %cond3A : i32
    scf.if %cond3A_23 {
      %swap3A = arith.constant 0 : index
      %swap3A_28 = arith.constant 0 : index
      %swap3A_29 = vector.load %arg2[%swap3A, %swap3A_28] : memref<8x32xf32, #tpu.memory_space<vmem>>, vector<8x32xf32>
      tpu.vector_store %arg2[%swap3A, %swap3A_28], %concatenate3A {strides = array<i32>} : memref<8x32xf32, #tpu.memory_space<vmem>>, vector<8x32xf32>,
    } else {
    }
    %gt3A = arith.constant 0 : i32
    %gt3A_24 = arith.cmpi sgt, %arg0, %gt3A : i32
    %convert_element_type3A_25 = arith.extui %gt3A_24 : i1 to i32
    %cond3A_26 = arith.constant 0 : i32
    %cond3A_27 = arith.cmpi ne, %convert_element_type3A_25, %cond3A_26 : i32
    scf.if %cond3A_27 {
      %get3A_28 = arith.constant 0 : index
      %get3A_29 = arith.constant 0 : index
      %get3A_30 = vector.load %arg2[%get3A_28, %get3A_29] : memref<8x32xf32, #tpu.memory_space<vmem>>, vector<8x32xf32>
      %add3A_31 = arith.addf %get3A_30, %concatenate3A : vector<8x32xf32>
      %swap3A = arith.constant 0 : index
      %swap3A_32 = arith.constant 0 : index
      %swap3A_33 = vector.load %arg2[%swap3A, %swap3A_32] : memref<8x32xf32, #tpu.memory_space<vmem>>, vector<8x32xf32>
      tpu.vector_store %arg2[%swap3A, %swap3A_32], %add3A_31 {strides = array<i32>} : memref<8x32xf32, #tpu.memory_space<vmem>>, vector<8x32xf32>,
    } else {
    }
    return
  }
  func.func @transform_0(%arg0: i32) -> (i32, i32, i32) {
    %c0_i32 = arith.constant 0 : i32
    %c0_i32_0 = arith.constant 0 : i32
    %c0_i32_1 = arith.constant 0 : i32
    return %c0_i32, %arg0, %c0_i32_0 : i32, i32, i32
  }
  func.func @transform_1(%arg0: i32) -> (i32, i32) {
    %c0_i32 = arith.constant 0 : i32
    %c0_i32_0 = arith.constant 0 : i32
    %c0_i32_1 = arith.constant 0 : i32
    return %c0_i32, %c0_i32_0 : i32, i32
  }
}

module attributes {stable_mosaic.version = 14 : i64} {
  func.func @body(%arg0: i32, %arg1: memref<2x256x32xf32, #tpu.memory_space<vmem>>, %arg2: memref<8x32xf32, #tpu.memory_space<vmem>>, %arg3: memref<1x32xf32, #tpu.memory_space<vmem>>, %arg4: memref<1x32xf32, #tpu.memory_space<vmem>>, %arg5: memref<32x1728xf32, #tpu.memory_space<vmem>>, %arg6: memref<256x1728xf32, #tpu.memory_space<vmem>>, %arg7: memref<256x32xf32, #tpu.memory_space<vmem>>) attributes {dimension_semantics = [#tpu.dimension_semantics<arbitrary>], iteration_bounds = array<i64: 128>, scalar_prefetch = 0 : i64, scratch_operands = 0 : i64, tpu.core_type = #tpu.core_type<tc>, window_params = [{transform_indices = @transform_0, window_bounds = array<i64: 2, 256, 32>}, {pipeline_mode = #tpu.pipeline_mode<synchronous>, transform_indices = @transform_1, window_bounds = array<i64: 8, 32>}, {pipeline_mode = #tpu.pipeline_mode<synchronous>, transform_indices = @transform_2, window_bounds = array<i64: 1, 32>}, {pipeline_mode = #tpu.pipeline_mode<synchronous>, transform_indices = @transform_3, window_bounds = array<i64: 1, 32>}, {pipeline_mode = #tpu.pipeline_mode<synchronous>, transform_indices = @transform_4, window_bounds = array<i64: 32, 1728>}, {transform_indices = @transform_5, window_bounds = array<i64: 256, 1728>}, {transform_indices = @transform_6, window_bounds = array<i64: 256, 32>}]} {
    %get3A = arith.constant 0 : index
    %get3A_0 = arith.constant 0 : index
    %get3A_1 = arith.constant 0 : index
    %get3A_2 = vector.load %arg1[%get3A, %get3A_0, %get3A_1] : memref<2x256x32xf32, #tpu.memory_space<vmem>>, vector<1x256x32xf32>
    %get3A_3 = vector.shape_cast %get3A_2 : vector<1x256x32xf32> to vector<256x32xf32>
    %get3A_4 = arith.constant 1 : index
    %get3A_5 = arith.constant 0 : index
    %get3A_6 = arith.constant 0 : index
    %get3A_7 = vector.load %arg1[%get3A_4, %get3A_5, %get3A_6] : memref<2x256x32xf32, #tpu.memory_space<vmem>>, vector<1x256x32xf32>
    %get3A_8 = vector.shape_cast %get3A_7 : vector<1x256x32xf32> to vector<256x32xf32>
    %add3A = arith.addf %get3A_3, %get3A_8 : vector<256x32xf32>
    %get3A_9 = arith.constant 0 : index
    %get3A_10 = arith.constant 0 : index
    %get3A_11 = vector.load %arg2[%get3A_9, %get3A_10] : memref<8x32xf32, #tpu.memory_space<vmem>>, vector<1x32xf32>
    %mul3A = arith.constant 3.20379331E-5 : f32
    %mul3A_12 = vector.broadcast %mul3A : f32 to vector<1x32xf32>
    %mul3A_13 = arith.mulf %get3A_11, %mul3A_12 : vector<1x32xf32>
    %get3A_14 = arith.constant 1 : index
    %get3A_15 = arith.constant 0 : index
    %get3A_16 = vector.load %arg2[%get3A_14, %get3A_15] : memref<8x32xf32, #tpu.memory_space<vmem>>, vector<1x32xf32>
    %mul3A_17 = arith.constant 3.20379331E-5 : f32
    %mul3A_18 = vector.broadcast %mul3A_17 : f32 to vector<1x32xf32>
    %mul3A_19 = arith.mulf %get3A_16, %mul3A_18 : vector<1x32xf32>
    %mul3A_20 = arith.mulf %mul3A_13, %mul3A_13 : vector<1x32xf32>
    %sub3A = arith.subf %mul3A_19, %mul3A_20 : vector<1x32xf32>
    %add3A_21 = arith.constant 9.99999974E-6 : f32
    %add3A_22 = vector.broadcast %add3A_21 : f32 to vector<1x32xf32>
    %add3A_23 = arith.addf %sub3A, %add3A_22 : vector<1x32xf32>
    %rsqrt3A = math.rsqrt %add3A_23 : vector<1x32xf32>
    %get3A_24 = arith.constant 0 : index
    %get3A_25 = arith.constant 0 : index
    %get3A_26 = vector.load %arg3[%get3A_24, %get3A_25] : memref<1x32xf32, #tpu.memory_space<vmem>>, vector<1x32xf32>
    %mul3A_27 = arith.mulf %rsqrt3A, %get3A_26 : vector<1x32xf32>
    %sub3A_28 = vector.broadcast %mul3A_13 : vector<1x32xf32> to vector<256x32xf32>
    %sub3A_29 = arith.subf %add3A, %sub3A_28 : vector<256x32xf32>
    %mul3A_30 = vector.broadcast %mul3A_27 : vector<1x32xf32> to vector<256x32xf32>
    %mul3A_31 = arith.mulf %sub3A_29, %mul3A_30 : vector<256x32xf32>
    %get3A_32 = arith.constant 0 : index
    %get3A_33 = arith.constant 0 : index
    %get3A_34 = vector.load %arg4[%get3A_32, %get3A_33] : memref<1x32xf32, #tpu.memory_space<vmem>>, vector<1x32xf32>
    %add3A_35 = vector.broadcast %get3A_34 : vector<1x32xf32> to vector<256x32xf32>
    %add3A_36 = arith.addf %mul3A_31, %add3A_35 : vector<256x32xf32>
    %max3A = arith.constant 0.000000e+00 : f32
    %max3A_37 = vector.broadcast %max3A : f32 to vector<256x32xf32>
    %max3A_38 = arith.maximumf %add3A_36, %max3A_37 : vector<256x32xf32>
    %get3A_39 = arith.constant 0 : index
    %get3A_40 = arith.constant 0 : index
    %get3A_41 = vector.load %arg5[%get3A_39, %get3A_40] : memref<32x1728xf32, #tpu.memory_space<vmem>>, vector<32x1728xf32>
    %dot_general3A = arith.constant dense<0.000000e+00> : vector<256x1728xf32>
    %dot_general3A_42 = tpu.matmul %max3A_38, %get3A_41, %dot_general3A {dimension_numbers = #tpu.dot_dimension_numbers<[1], [0], [0], [1], [0, 0, 1, 1], [], []>, transpose_lhs_hint = false} : vector<256x32xf32>, vector<32x1728xf32>, vector<256x1728xf32> -> vector<256x1728xf32>
    %swap3A = arith.constant 0 : index
    %swap3A_43 = arith.constant 0 : index
    %swap3A_44 = vector.load %arg6[%swap3A, %swap3A_43] : memref<256x1728xf32, #tpu.memory_space<vmem>>, vector<256x1728xf32>
    tpu.vector_store %arg6[%swap3A, %swap3A_43], %dot_general3A_42 {strides = array<i32>} : memref<256x1728xf32, #tpu.memory_space<vmem>>, vector<256x1728xf32>,
    %swap3A_45 = arith.constant 0 : index
    %swap3A_46 = arith.constant 0 : index
    %swap3A_47 = vector.load %arg7[%swap3A_45, %swap3A_46] : memref<256x32xf32, #tpu.memory_space<vmem>>, vector<256x32xf32>
    tpu.vector_store %arg7[%swap3A_45, %swap3A_46], %max3A_38 {strides = array<i32>} : memref<256x32xf32, #tpu.memory_space<vmem>>, vector<256x32xf32>,
    return
  }
  func.func @transform_0(%arg0: i32) -> (i32, i32, i32) {
    %c0_i32 = arith.constant 0 : i32
    %c0_i32_0 = arith.constant 0 : i32
    %c0_i32_1 = arith.constant 0 : i32
    return %c0_i32, %arg0, %c0_i32_0 : i32, i32, i32
  }
  func.func @transform_1(%arg0: i32) -> (i32, i32) {
    %c0_i32 = arith.constant 0 : i32
    %c0_i32_0 = arith.constant 0 : i32
    %c0_i32_1 = arith.constant 0 : i32
    return %c0_i32, %c0_i32_0 : i32, i32
  }
  func.func @transform_2(%arg0: i32) -> (i32, i32) {
    %c0_i32 = arith.constant 0 : i32
    %c0_i32_0 = arith.constant 0 : i32
    %c0_i32_1 = arith.constant 0 : i32
    return %c0_i32, %c0_i32_0 : i32, i32
  }
  func.func @transform_3(%arg0: i32) -> (i32, i32) {
    %c0_i32 = arith.constant 0 : i32
    %c0_i32_0 = arith.constant 0 : i32
    %c0_i32_1 = arith.constant 0 : i32
    return %c0_i32, %c0_i32_0 : i32, i32
  }
  func.func @transform_4(%arg0: i32) -> (i32, i32) {
    %c0_i32 = arith.constant 0 : i32
    %c0_i32_0 = arith.constant 0 : i32
    %c0_i32_1 = arith.constant 0 : i32
    return %c0_i32, %c0_i32_0 : i32, i32
  }
  func.func @transform_5(%arg0: i32) -> (i32, i32) {
    %c0_i32 = arith.constant 0 : i32
    %c0_i32_0 = arith.constant 0 : i32
    return %arg0, %c0_i32 : i32, i32
  }
  func.func @transform_6(%arg0: i32) -> (i32, i32) {
    %c0_i32 = arith.constant 0 : i32
    %c0_i32_0 = arith.constant 0 : i32
    return %arg0, %c0_i32 : i32, i32
  }
}

module attributes {stable_mosaic.version = 14 : i64} {
  func.func @body(%arg0: i32, %arg1: memref<2x512x64xf32, #tpu.memory_space<vmem>>, %arg2: memref<8x64xf32, #tpu.memory_space<vmem>>) attributes {dimension_semantics = [#tpu.dimension_semantics<arbitrary>], iteration_bounds = array<i64: 12>, scalar_prefetch = 0 : i64, scratch_operands = 0 : i64, tpu.core_type = #tpu.core_type<tc>, window_params = [{transform_indices = @transform_0, window_bounds = array<i64: 2, 512, 64>}, {pipeline_mode = #tpu.pipeline_mode<synchronous>, transform_indices = @transform_1, window_bounds = array<i64: 8, 64>}]} {
    %get3A = arith.constant 0 : index
    %get3A_0 = arith.constant 0 : index
    %get3A_1 = arith.constant 0 : index
    %get3A_2 = vector.load %arg1[%get3A, %get3A_0, %get3A_1] : memref<2x512x64xf32, #tpu.memory_space<vmem>>, vector<1x512x64xf32>
    %get3A_3 = vector.shape_cast %get3A_2 : vector<1x512x64xf32> to vector<512x64xf32>
    %get3A_4 = arith.constant 1 : index
    %get3A_5 = arith.constant 0 : index
    %get3A_6 = arith.constant 0 : index
    %get3A_7 = vector.load %arg1[%get3A_4, %get3A_5, %get3A_6] : memref<2x512x64xf32, #tpu.memory_space<vmem>>, vector<1x512x64xf32>
    %get3A_8 = vector.shape_cast %get3A_7 : vector<1x512x64xf32> to vector<512x64xf32>
    %add3A = arith.addf %get3A_3, %get3A_8 : vector<512x64xf32>
    %iota3A = tpu.iota {dimensions = array<i32: 0>} : vector<512x64xi32>
    %mul3A = arith.constant 512 : i32
    %mul3A_9 = arith.muli %arg0, %mul3A : i32
    %add3A_10 = vector.broadcast %mul3A_9 : i32 to vector<512x64xi32>
    %add3A_11 = arith.addi %iota3A, %add3A_10 : vector<512x64xi32>
    %lt3A = arith.constant 4096 : i32
    %lt3A_12 = vector.broadcast %lt3A : i32 to vector<512x64xi32>
    %lt3A_13 = arith.cmpi slt, %add3A_11, %lt3A_12 : vector<512x64xi32>
    %jit3A = arith.constant 0.000000e+00 : f32
    %broadcast_in_dim3A = vector.broadcast %jit3A : f32 to vector<512x64xf32>
    %select_n3A = arith.select %lt3A_13, %add3A, %broadcast_in_dim3A : vector<512x64xi1>, vector<512x64xf32>
    %reduce_sum3A = arith.constant dense<0.000000e+00> : vector<64xf32>
    %reduce_sum3A_14 = vector.multi_reduction <add>, %select_n3A, %reduce_sum3A [0] : vector<512x64xf32> to vector<64xf32>
    %broadcast_in_dim3A_15 = vector.shape_cast %reduce_sum3A_14 : vector<64xf32> to vector<1x64xf32>
    %mul3A_16 = arith.mulf %select_n3A, %select_n3A : vector<512x64xf32>
    %reduce_sum3A_17 = arith.constant dense<0.000000e+00> : vector<64xf32>
    %reduce_sum3A_18 = vector.multi_reduction <add>, %mul3A_16, %reduce_sum3A_17 [0] : vector<512x64xf32> to vector<64xf32>
    %broadcast_in_dim3A_19 = vector.shape_cast %reduce_sum3A_18 : vector<64xf32> to vector<1x64xf32>
    %broadcast_in_dim3A_20 = arith.constant 0.000000e+00 : f32
    %broadcast_in_dim3A_21 = vector.broadcast %broadcast_in_dim3A_20 : f32 to vector<6x64xf32>
    %concatenate3A = tpu.concatenate %broadcast_in_dim3A_15, %broadcast_in_dim3A_19, %broadcast_in_dim3A_21 in 0 : vector<1x64xf32>, vector<1x64xf32>, vector<6x64xf32> -> vector<8x64xf32>
    %eq3A = arith.constant 0 : i32
    %eq3A_22 = arith.cmpi eq, %arg0, %eq3A : i32
    %convert_element_type3A = arith.extui %eq3A_22 : i1 to i32
    %cond3A = arith.constant 0 : i32
    %cond3A_23 = arith.cmpi ne, %convert_element_type3A, %cond3A : i32
    scf.if %cond3A_23 {
      %swap3A = arith.constant 0 : index
      %swap3A_28 = arith.constant 0 : index
      %swap3A_29 = vector.load %arg2[%swap3A, %swap3A_28] : memref<8x64xf32, #tpu.memory_space<vmem>>, vector<8x64xf32>
      tpu.vector_store %arg2[%swap3A, %swap3A_28], %concatenate3A {strides = array<i32>} : memref<8x64xf32, #tpu.memory_space<vmem>>, vector<8x64xf32>,
    } else {
    }
    %gt3A = arith.constant 0 : i32
    %gt3A_24 = arith.cmpi sgt, %arg0, %gt3A : i32
    %convert_element_type3A_25 = arith.extui %gt3A_24 : i1 to i32
    %cond3A_26 = arith.constant 0 : i32
    %cond3A_27 = arith.cmpi ne, %convert_element_type3A_25, %cond3A_26 : i32
    scf.if %cond3A_27 {
      %get3A_28 = arith.constant 0 : index
      %get3A_29 = arith.constant 0 : index
      %get3A_30 = vector.load %arg2[%get3A_28, %get3A_29] : memref<8x64xf32, #tpu.memory_space<vmem>>, vector<8x64xf32>
      %add3A_31 = arith.addf %get3A_30, %concatenate3A : vector<8x64xf32>
      %swap3A = arith.constant 0 : index
      %swap3A_32 = arith.constant 0 : index
      %swap3A_33 = vector.load %arg2[%swap3A, %swap3A_32] : memref<8x64xf32, #tpu.memory_space<vmem>>, vector<8x64xf32>
      tpu.vector_store %arg2[%swap3A, %swap3A_32], %add3A_31 {strides = array<i32>} : memref<8x64xf32, #tpu.memory_space<vmem>>, vector<8x64xf32>,
    } else {
    }
    return
  }
  func.func @transform_0(%arg0: i32) -> (i32, i32, i32) {
    %c0_i32 = arith.constant 0 : i32
    %c0_i32_0 = arith.constant 0 : i32
    %c0_i32_1 = arith.constant 0 : i32
    return %c0_i32, %arg0, %c0_i32_0 : i32, i32, i32
  }
  func.func @transform_1(%arg0: i32) -> (i32, i32) {
    %c0_i32 = arith.constant 0 : i32
    %c0_i32_0 = arith.constant 0 : i32
    %c0_i32_1 = arith.constant 0 : i32
    return %c0_i32, %c0_i32_0 : i32, i32
  }
}

module attributes {stable_mosaic.version = 14 : i64} {
  func.func @body(%arg0: i32, %arg1: memref<2x256x64xf32, #tpu.memory_space<vmem>>, %arg2: memref<8x64xf32, #tpu.memory_space<vmem>>, %arg3: memref<1x64xf32, #tpu.memory_space<vmem>>, %arg4: memref<1x64xf32, #tpu.memory_space<vmem>>, %arg5: memref<64x864xf32, #tpu.memory_space<vmem>>, %arg6: memref<256x864xf32, #tpu.memory_space<vmem>>) attributes {dimension_semantics = [#tpu.dimension_semantics<arbitrary>], iteration_bounds = array<i64: 24>, scalar_prefetch = 0 : i64, scratch_operands = 0 : i64, tpu.core_type = #tpu.core_type<tc>, window_params = [{transform_indices = @transform_0, window_bounds = array<i64: 2, 256, 64>}, {pipeline_mode = #tpu.pipeline_mode<synchronous>, transform_indices = @transform_1, window_bounds = array<i64: 8, 64>}, {pipeline_mode = #tpu.pipeline_mode<synchronous>, transform_indices = @transform_2, window_bounds = array<i64: 1, 64>}, {pipeline_mode = #tpu.pipeline_mode<synchronous>, transform_indices = @transform_3, window_bounds = array<i64: 1, 64>}, {pipeline_mode = #tpu.pipeline_mode<synchronous>, transform_indices = @transform_4, window_bounds = array<i64: 64, 864>}, {transform_indices = @transform_5, window_bounds = array<i64: 256, 864>}]} {
    %get3A = arith.constant 0 : index
    %get3A_0 = arith.constant 0 : index
    %get3A_1 = arith.constant 0 : index
    %get3A_2 = vector.load %arg1[%get3A, %get3A_0, %get3A_1] : memref<2x256x64xf32, #tpu.memory_space<vmem>>, vector<1x256x64xf32>
    %get3A_3 = vector.shape_cast %get3A_2 : vector<1x256x64xf32> to vector<256x64xf32>
    %get3A_4 = arith.constant 1 : index
    %get3A_5 = arith.constant 0 : index
    %get3A_6 = arith.constant 0 : index
    %get3A_7 = vector.load %arg1[%get3A_4, %get3A_5, %get3A_6] : memref<2x256x64xf32, #tpu.memory_space<vmem>>, vector<1x256x64xf32>
    %get3A_8 = vector.shape_cast %get3A_7 : vector<1x256x64xf32> to vector<256x64xf32>
    %add3A = arith.addf %get3A_3, %get3A_8 : vector<256x64xf32>
    %get3A_9 = arith.constant 0 : index
    %get3A_10 = arith.constant 0 : index
    %get3A_11 = vector.load %arg2[%get3A_9, %get3A_10] : memref<8x64xf32, #tpu.memory_space<vmem>>, vector<1x64xf32>
    %mul3A = arith.constant 2.44140625E-4 : f32
    %mul3A_12 = vector.broadcast %mul3A : f32 to vector<1x64xf32>
    %mul3A_13 = arith.mulf %get3A_11, %mul3A_12 : vector<1x64xf32>
    %get3A_14 = arith.constant 1 : index
    %get3A_15 = arith.constant 0 : index
    %get3A_16 = vector.load %arg2[%get3A_14, %get3A_15] : memref<8x64xf32, #tpu.memory_space<vmem>>, vector<1x64xf32>
    %mul3A_17 = arith.constant 2.44140625E-4 : f32
    %mul3A_18 = vector.broadcast %mul3A_17 : f32 to vector<1x64xf32>
    %mul3A_19 = arith.mulf %get3A_16, %mul3A_18 : vector<1x64xf32>
    %mul3A_20 = arith.mulf %mul3A_13, %mul3A_13 : vector<1x64xf32>
    %sub3A = arith.subf %mul3A_19, %mul3A_20 : vector<1x64xf32>
    %add3A_21 = arith.constant 9.99999974E-6 : f32
    %add3A_22 = vector.broadcast %add3A_21 : f32 to vector<1x64xf32>
    %add3A_23 = arith.addf %sub3A, %add3A_22 : vector<1x64xf32>
    %rsqrt3A = math.rsqrt %add3A_23 : vector<1x64xf32>
    %get3A_24 = arith.constant 0 : index
    %get3A_25 = arith.constant 0 : index
    %get3A_26 = vector.load %arg3[%get3A_24, %get3A_25] : memref<1x64xf32, #tpu.memory_space<vmem>>, vector<1x64xf32>
    %mul3A_27 = arith.mulf %rsqrt3A, %get3A_26 : vector<1x64xf32>
    %sub3A_28 = vector.broadcast %mul3A_13 : vector<1x64xf32> to vector<256x64xf32>
    %sub3A_29 = arith.subf %add3A, %sub3A_28 : vector<256x64xf32>
    %mul3A_30 = vector.broadcast %mul3A_27 : vector<1x64xf32> to vector<256x64xf32>
    %mul3A_31 = arith.mulf %sub3A_29, %mul3A_30 : vector<256x64xf32>
    %get3A_32 = arith.constant 0 : index
    %get3A_33 = arith.constant 0 : index
    %get3A_34 = vector.load %arg4[%get3A_32, %get3A_33] : memref<1x64xf32, #tpu.memory_space<vmem>>, vector<1x64xf32>
    %add3A_35 = vector.broadcast %get3A_34 : vector<1x64xf32> to vector<256x64xf32>
    %add3A_36 = arith.addf %mul3A_31, %add3A_35 : vector<256x64xf32>
    %max3A = arith.constant 0.000000e+00 : f32
    %max3A_37 = vector.broadcast %max3A : f32 to vector<256x64xf32>
    %max3A_38 = arith.maximumf %add3A_36, %max3A_37 : vector<256x64xf32>
    %get3A_39 = arith.constant 0 : index
    %get3A_40 = arith.constant 0 : index
    %get3A_41 = vector.load %arg5[%get3A_39, %get3A_40] : memref<64x864xf32, #tpu.memory_space<vmem>>, vector<64x864xf32>
    %dot_general3A = arith.constant dense<0.000000e+00> : vector<256x864xf32>
    %dot_general3A_42 = tpu.matmul %max3A_38, %get3A_41, %dot_general3A {dimension_numbers = #tpu.dot_dimension_numbers<[1], [0], [0], [1], [0, 0, 1, 1], [], []>, transpose_lhs_hint = false} : vector<256x64xf32>, vector<64x864xf32>, vector<256x864xf32> -> vector<256x864xf32>
    %swap3A = arith.constant 0 : index
    %swap3A_43 = arith.constant 0 : index
    %swap3A_44 = vector.load %arg6[%swap3A, %swap3A_43] : memref<256x864xf32, #tpu.memory_space<vmem>>, vector<256x864xf32>
    tpu.vector_store %arg6[%swap3A, %swap3A_43], %dot_general3A_42 {strides = array<i32>} : memref<256x864xf32, #tpu.memory_space<vmem>>, vector<256x864xf32>,
    return
  }
  func.func @transform_0(%arg0: i32) -> (i32, i32, i32) {
    %c0_i32 = arith.constant 0 : i32
    %c0_i32_0 = arith.constant 0 : i32
    %c0_i32_1 = arith.constant 0 : i32
    return %c0_i32, %arg0, %c0_i32_0 : i32, i32, i32
  }
  func.func @transform_1(%arg0: i32) -> (i32, i32) {
    %c0_i32 = arith.constant 0 : i32
    %c0_i32_0 = arith.constant 0 : i32
    %c0_i32_1 = arith.constant 0 : i32
    return %c0_i32, %c0_i32_0 : i32, i32
  }
  func.func @transform_2(%arg0: i32) -> (i32, i32) {
    %c0_i32 = arith.constant 0 : i32
    %c0_i32_0 = arith.constant 0 : i32
    %c0_i32_1 = arith.constant 0 : i32
    return %c0_i32, %c0_i32_0 : i32, i32
  }
  func.func @transform_3(%arg0: i32) -> (i32, i32) {
    %c0_i32 = arith.constant 0 : i32
    %c0_i32_0 = arith.constant 0 : i32
    %c0_i32_1 = arith.constant 0 : i32
    return %c0_i32, %c0_i32_0 : i32, i32
  }
  func.func @transform_4(%arg0: i32) -> (i32, i32) {
    %c0_i32 = arith.constant 0 : i32
    %c0_i32_0 = arith.constant 0 : i32
    %c0_i32_1 = arith.constant 0 : i32
    return %c0_i32, %c0_i32_0 : i32, i32
  }
  func.func @transform_5(%arg0: i32) -> (i32, i32) {
    %c0_i32 = arith.constant 0 : i32
    %c0_i32_0 = arith.constant 0 : i32
    return %arg0, %c0_i32 : i32, i32
  }
}

module attributes {stable_mosaic.version = 14 : i64} {
  func.func @body(%arg0: i32, %arg1: memref<2x256x32xf32, #tpu.memory_space<vmem>>, %arg2: memref<8x32xf32, #tpu.memory_space<vmem>>, %arg3: memref<1x32xf32, #tpu.memory_space<vmem>>, %arg4: memref<1x32xf32, #tpu.memory_space<vmem>>, %arg5: memref<32x864xf32, #tpu.memory_space<vmem>>, %arg6: memref<256x32xf32, #tpu.memory_space<vmem>>, %arg7: memref<32x864xf32, #tpu.memory_space<vmem>>, %arg8: memref<256x864xf32, #tpu.memory_space<vmem>>) attributes {dimension_semantics = [#tpu.dimension_semantics<arbitrary>], iteration_bounds = array<i64: 128>, scalar_prefetch = 0 : i64, scratch_operands = 0 : i64, tpu.core_type = #tpu.core_type<tc>, window_params = [{transform_indices = @transform_0, window_bounds = array<i64: 2, 256, 32>}, {pipeline_mode = #tpu.pipeline_mode<synchronous>, transform_indices = @transform_1, window_bounds = array<i64: 8, 32>}, {pipeline_mode = #tpu.pipeline_mode<synchronous>, transform_indices = @transform_2, window_bounds = array<i64: 1, 32>}, {pipeline_mode = #tpu.pipeline_mode<synchronous>, transform_indices = @transform_3, window_bounds = array<i64: 1, 32>}, {pipeline_mode = #tpu.pipeline_mode<synchronous>, transform_indices = @transform_4, window_bounds = array<i64: 32, 864>}, {transform_indices = @transform_5, window_bounds = array<i64: 256, 32>}, {pipeline_mode = #tpu.pipeline_mode<synchronous>, transform_indices = @transform_6, window_bounds = array<i64: 32, 864>}, {transform_indices = @transform_7, window_bounds = array<i64: 256, 864>}]} {
    %get3A = arith.constant 0 : index
    %get3A_0 = arith.constant 0 : index
    %get3A_1 = arith.constant 0 : index
    %get3A_2 = vector.load %arg1[%get3A, %get3A_0, %get3A_1] : memref<2x256x32xf32, #tpu.memory_space<vmem>>, vector<1x256x32xf32>
    %get3A_3 = vector.shape_cast %get3A_2 : vector<1x256x32xf32> to vector<256x32xf32>
    %get3A_4 = arith.constant 1 : index
    %get3A_5 = arith.constant 0 : index
    %get3A_6 = arith.constant 0 : index
    %get3A_7 = vector.load %arg1[%get3A_4, %get3A_5, %get3A_6] : memref<2x256x32xf32, #tpu.memory_space<vmem>>, vector<1x256x32xf32>
    %get3A_8 = vector.shape_cast %get3A_7 : vector<1x256x32xf32> to vector<256x32xf32>
    %add3A = arith.addf %get3A_3, %get3A_8 : vector<256x32xf32>
    %get3A_9 = arith.constant 0 : index
    %get3A_10 = arith.constant 0 : index
    %get3A_11 = vector.load %arg2[%get3A_9, %get3A_10] : memref<8x32xf32, #tpu.memory_space<vmem>>, vector<1x32xf32>
    %mul3A = arith.constant 3.20379331E-5 : f32
    %mul3A_12 = vector.broadcast %mul3A : f32 to vector<1x32xf32>
    %mul3A_13 = arith.mulf %get3A_11, %mul3A_12 : vector<1x32xf32>
    %get3A_14 = arith.constant 1 : index
    %get3A_15 = arith.constant 0 : index
    %get3A_16 = vector.load %arg2[%get3A_14, %get3A_15] : memref<8x32xf32, #tpu.memory_space<vmem>>, vector<1x32xf32>
    %mul3A_17 = arith.constant 3.20379331E-5 : f32
    %mul3A_18 = vector.broadcast %mul3A_17 : f32 to vector<1x32xf32>
    %mul3A_19 = arith.mulf %get3A_16, %mul3A_18 : vector<1x32xf32>
    %mul3A_20 = arith.mulf %mul3A_13, %mul3A_13 : vector<1x32xf32>
    %sub3A = arith.subf %mul3A_19, %mul3A_20 : vector<1x32xf32>
    %add3A_21 = arith.constant 9.99999974E-6 : f32
    %add3A_22 = vector.broadcast %add3A_21 : f32 to vector<1x32xf32>
    %add3A_23 = arith.addf %sub3A, %add3A_22 : vector<1x32xf32>
    %rsqrt3A = math.rsqrt %add3A_23 : vector<1x32xf32>
    %get3A_24 = arith.constant 0 : index
    %get3A_25 = arith.constant 0 : index
    %get3A_26 = vector.load %arg3[%get3A_24, %get3A_25] : memref<1x32xf32, #tpu.memory_space<vmem>>, vector<1x32xf32>
    %mul3A_27 = arith.mulf %rsqrt3A, %get3A_26 : vector<1x32xf32>
    %sub3A_28 = vector.broadcast %mul3A_13 : vector<1x32xf32> to vector<256x32xf32>
    %sub3A_29 = arith.subf %add3A, %sub3A_28 : vector<256x32xf32>
    %mul3A_30 = vector.broadcast %mul3A_27 : vector<1x32xf32> to vector<256x32xf32>
    %mul3A_31 = arith.mulf %sub3A_29, %mul3A_30 : vector<256x32xf32>
    %get3A_32 = arith.constant 0 : index
    %get3A_33 = arith.constant 0 : index
    %get3A_34 = vector.load %arg4[%get3A_32, %get3A_33] : memref<1x32xf32, #tpu.memory_space<vmem>>, vector<1x32xf32>
    %add3A_35 = vector.broadcast %get3A_34 : vector<1x32xf32> to vector<256x32xf32>
    %add3A_36 = arith.addf %mul3A_31, %add3A_35 : vector<256x32xf32>
    %max3A = arith.constant 0.000000e+00 : f32
    %max3A_37 = vector.broadcast %max3A : f32 to vector<256x32xf32>
    %max3A_38 = arith.maximumf %add3A_36, %max3A_37 : vector<256x32xf32>
    %get3A_39 = arith.constant 0 : index
    %get3A_40 = arith.constant 0 : index
    %get3A_41 = vector.load %arg5[%get3A_39, %get3A_40] : memref<32x864xf32, #tpu.memory_space<vmem>>, vector<32x864xf32>
    %dot_general3A = arith.constant dense<0.000000e+00> : vector<256x864xf32>
    %dot_general3A_42 = tpu.matmul %max3A_38, %get3A_41, %dot_general3A {dimension_numbers = #tpu.dot_dimension_numbers<[1], [0], [0], [1], [0, 0, 1, 1], [], []>, transpose_lhs_hint = false} : vector<256x32xf32>, vector<32x864xf32>, vector<256x864xf32> -> vector<256x864xf32>
    %get3A_43 = arith.constant 0 : index
    %get3A_44 = arith.constant 0 : index
    %get3A_45 = vector.load %arg6[%get3A_43, %get3A_44] : memref<256x32xf32, #tpu.memory_space<vmem>>, vector<256x32xf32>
    %get3A_46 = arith.constant 0 : index
    %get3A_47 = arith.constant 0 : index
    %get3A_48 = vector.load %arg7[%get3A_46, %get3A_47] : memref<32x864xf32, #tpu.memory_space<vmem>>, vector<32x864xf32>
    %dot_general3A_49 = arith.constant dense<0.000000e+00> : vector<256x864xf32>
    %dot_general3A_50 = tpu.matmul %get3A_45, %get3A_48, %dot_general3A_49 {dimension_numbers = #tpu.dot_dimension_numbers<[1], [0], [0], [1], [0, 0, 1, 1], [], []>, transpose_lhs_hint = false} : vector<256x32xf32>, vector<32x864xf32>, vector<256x864xf32> -> vector<256x864xf32>
    %add3A_51 = arith.addf %dot_general3A_42, %dot_general3A_50 : vector<256x864xf32>
    %swap3A = arith.constant 0 : index
    %swap3A_52 = arith.constant 0 : index
    %swap3A_53 = vector.load %arg8[%swap3A, %swap3A_52] : memref<256x864xf32, #tpu.memory_space<vmem>>, vector<256x864xf32>
    tpu.vector_store %arg8[%swap3A, %swap3A_52], %add3A_51 {strides = array<i32>} : memref<256x864xf32, #tpu.memory_space<vmem>>, vector<256x864xf32>,
    return
  }
  func.func @transform_0(%arg0: i32) -> (i32, i32, i32) {
    %c0_i32 = arith.constant 0 : i32
    %c0_i32_0 = arith.constant 0 : i32
    %c0_i32_1 = arith.constant 0 : i32
    return %c0_i32, %arg0, %c0_i32_0 : i32, i32, i32
  }
  func.func @transform_1(%arg0: i32) -> (i32, i32) {
    %c0_i32 = arith.constant 0 : i32
    %c0_i32_0 = arith.constant 0 : i32
    %c0_i32_1 = arith.constant 0 : i32
    return %c0_i32, %c0_i32_0 : i32, i32
  }
  func.func @transform_2(%arg0: i32) -> (i32, i32) {
    %c0_i32 = arith.constant 0 : i32
    %c0_i32_0 = arith.constant 0 : i32
    %c0_i32_1 = arith.constant 0 : i32
    return %c0_i32, %c0_i32_0 : i32, i32
  }
  func.func @transform_3(%arg0: i32) -> (i32, i32) {
    %c0_i32 = arith.constant 0 : i32
    %c0_i32_0 = arith.constant 0 : i32
    %c0_i32_1 = arith.constant 0 : i32
    return %c0_i32, %c0_i32_0 : i32, i32
  }
  func.func @transform_4(%arg0: i32) -> (i32, i32) {
    %c0_i32 = arith.constant 0 : i32
    %c0_i32_0 = arith.constant 0 : i32
    %c0_i32_1 = arith.constant 0 : i32
    return %c0_i32, %c0_i32_0 : i32, i32
  }
  func.func @transform_5(%arg0: i32) -> (i32, i32) {
    %c0_i32 = arith.constant 0 : i32
    %c0_i32_0 = arith.constant 0 : i32
    return %arg0, %c0_i32 : i32, i32
  }
  func.func @transform_6(%arg0: i32) -> (i32, i32) {
    %c0_i32 = arith.constant 0 : i32
    %c0_i32_0 = arith.constant 0 : i32
    %c0_i32_1 = arith.constant 0 : i32
    return %c0_i32, %c0_i32_0 : i32, i32
  }
  func.func @transform_7(%arg0: i32) -> (i32, i32) {
    %c0_i32 = arith.constant 0 : i32
    %c0_i32_0 = arith.constant 0 : i32
    return %arg0, %c0_i32 : i32, i32
  }
}

module attributes {stable_mosaic.version = 14 : i64} {
  func.func @body(%arg0: i32, %arg1: memref<2x512x16xf32, #tpu.memory_space<vmem>>, %arg2: memref<2x512x16xf32, #tpu.memory_space<vmem>>, %arg3: memref<8x32xf32, #tpu.memory_space<vmem>>) attributes {dimension_semantics = [#tpu.dimension_semantics<arbitrary>], iteration_bounds = array<i64: 164>, scalar_prefetch = 0 : i64, scratch_operands = 0 : i64, tpu.core_type = #tpu.core_type<tc>, window_params = [{transform_indices = @transform_0, window_bounds = array<i64: 2, 512, 16>}, {transform_indices = @transform_1, window_bounds = array<i64: 2, 512, 16>}, {pipeline_mode = #tpu.pipeline_mode<synchronous>, transform_indices = @transform_2, window_bounds = array<i64: 8, 32>}]} {
    %get3A = arith.constant 0 : index
    %get3A_0 = arith.constant 0 : index
    %get3A_1 = arith.constant 0 : index
    %get3A_2 = vector.load %arg1[%get3A, %get3A_0, %get3A_1] : memref<2x512x16xf32, #tpu.memory_space<vmem>>, vector<1x512x16xf32>
    %get3A_3 = vector.shape_cast %get3A_2 : vector<1x512x16xf32> to vector<512x16xf32>
    %get3A_4 = arith.constant 1 : index
    %get3A_5 = arith.constant 0 : index
    %get3A_6 = arith.constant 0 : index
    %get3A_7 = vector.load %arg1[%get3A_4, %get3A_5, %get3A_6] : memref<2x512x16xf32, #tpu.memory_space<vmem>>, vector<1x512x16xf32>
    %get3A_8 = vector.shape_cast %get3A_7 : vector<1x512x16xf32> to vector<512x16xf32>
    %add3A = arith.addf %get3A_3, %get3A_8 : vector<512x16xf32>
    %get3A_9 = arith.constant 0 : index
    %get3A_10 = arith.constant 0 : index
    %get3A_11 = arith.constant 0 : index
    %get3A_12 = vector.load %arg2[%get3A_9, %get3A_10, %get3A_11] : memref<2x512x16xf32, #tpu.memory_space<vmem>>, vector<1x512x16xf32>
    %get3A_13 = vector.shape_cast %get3A_12 : vector<1x512x16xf32> to vector<512x16xf32>
    %get3A_14 = arith.constant 1 : index
    %get3A_15 = arith.constant 0 : index
    %get3A_16 = arith.constant 0 : index
    %get3A_17 = vector.load %arg2[%get3A_14, %get3A_15, %get3A_16] : memref<2x512x16xf32, #tpu.memory_space<vmem>>, vector<1x512x16xf32>
    %get3A_18 = vector.shape_cast %get3A_17 : vector<1x512x16xf32> to vector<512x16xf32>
    %add3A_19 = arith.addf %get3A_13, %get3A_18 : vector<512x16xf32>
    %concatenate3A = tpu.concatenate %add3A, %add3A_19 in 1 : vector<512x16xf32>, vector<512x16xf32> -> vector<512x32xf32>
    %iota3A = tpu.iota {dimensions = array<i32: 0>} : vector<512x32xi32>
    %mul3A = arith.constant 512 : i32
    %mul3A_20 = arith.muli %arg0, %mul3A : i32
    %add3A_21 = vector.broadcast %mul3A_20 : i32 to vector<512x32xi32>
    %add3A_22 = arith.addi %iota3A, %add3A_21 : vector<512x32xi32>
    %lt3A = arith.constant 83146 : i32
    %lt3A_23 = vector.broadcast %lt3A : i32 to vector<512x32xi32>
    %lt3A_24 = arith.cmpi slt, %add3A_22, %lt3A_23 : vector<512x32xi32>
    %jit3A = arith.constant 0.000000e+00 : f32
    %broadcast_in_dim3A = vector.broadcast %jit3A : f32 to vector<512x32xf32>
    %select_n3A = arith.select %lt3A_24, %concatenate3A, %broadcast_in_dim3A : vector<512x32xi1>, vector<512x32xf32>
    %reduce_sum3A = arith.constant dense<0.000000e+00> : vector<32xf32>
    %reduce_sum3A_25 = vector.multi_reduction <add>, %select_n3A, %reduce_sum3A [0] : vector<512x32xf32> to vector<32xf32>
    %broadcast_in_dim3A_26 = vector.shape_cast %reduce_sum3A_25 : vector<32xf32> to vector<1x32xf32>
    %mul3A_27 = arith.mulf %select_n3A, %select_n3A : vector<512x32xf32>
    %reduce_sum3A_28 = arith.constant dense<0.000000e+00> : vector<32xf32>
    %reduce_sum3A_29 = vector.multi_reduction <add>, %mul3A_27, %reduce_sum3A_28 [0] : vector<512x32xf32> to vector<32xf32>
    %broadcast_in_dim3A_30 = vector.shape_cast %reduce_sum3A_29 : vector<32xf32> to vector<1x32xf32>
    %broadcast_in_dim3A_31 = arith.constant 0.000000e+00 : f32
    %broadcast_in_dim3A_32 = vector.broadcast %broadcast_in_dim3A_31 : f32 to vector<6x32xf32>
    %concatenate3A_33 = tpu.concatenate %broadcast_in_dim3A_26, %broadcast_in_dim3A_30, %broadcast_in_dim3A_32 in 0 : vector<1x32xf32>, vector<1x32xf32>, vector<6x32xf32> -> vector<8x32xf32>
    %eq3A = arith.constant 0 : i32
    %eq3A_34 = arith.cmpi eq, %arg0, %eq3A : i32
    %convert_element_type3A = arith.extui %eq3A_34 : i1 to i32
    %cond3A = arith.constant 0 : i32
    %cond3A_35 = arith.cmpi ne, %convert_element_type3A, %cond3A : i32
    scf.if %cond3A_35 {
      %swap3A = arith.constant 0 : index
      %swap3A_40 = arith.constant 0 : index
      %swap3A_41 = vector.load %arg3[%swap3A, %swap3A_40] : memref<8x32xf32, #tpu.memory_space<vmem>>, vector<8x32xf32>
      tpu.vector_store %arg3[%swap3A, %swap3A_40], %concatenate3A_33 {strides = array<i32>} : memref<8x32xf32, #tpu.memory_space<vmem>>, vector<8x32xf32>,
    } else {
    }
    %gt3A = arith.constant 0 : i32
    %gt3A_36 = arith.cmpi sgt, %arg0, %gt3A : i32
    %convert_element_type3A_37 = arith.extui %gt3A_36 : i1 to i32
    %cond3A_38 = arith.constant 0 : i32
    %cond3A_39 = arith.cmpi ne, %convert_element_type3A_37, %cond3A_38 : i32
    scf.if %cond3A_39 {
      %get3A_40 = arith.constant 0 : index
      %get3A_41 = arith.constant 0 : index
      %get3A_42 = vector.load %arg3[%get3A_40, %get3A_41] : memref<8x32xf32, #tpu.memory_space<vmem>>, vector<8x32xf32>
      %add3A_43 = arith.addf %get3A_42, %concatenate3A_33 : vector<8x32xf32>
      %swap3A = arith.constant 0 : index
      %swap3A_44 = arith.constant 0 : index
      %swap3A_45 = vector.load %arg3[%swap3A, %swap3A_44] : memref<8x32xf32, #tpu.memory_space<vmem>>, vector<8x32xf32>
      tpu.vector_store %arg3[%swap3A, %swap3A_44], %add3A_43 {strides = array<i32>} : memref<8x32xf32, #tpu.memory_space<vmem>>, vector<8x32xf32>,
    } else {
    }
    return
  }
  func.func @transform_0(%arg0: i32) -> (i32, i32, i32) {
    %c0_i32 = arith.constant 0 : i32
    %c0_i32_0 = arith.constant 0 : i32
    %c0_i32_1 = arith.constant 0 : i32
    return %c0_i32, %arg0, %c0_i32_0 : i32, i32, i32
  }
  func.func @transform_1(%arg0: i32) -> (i32, i32, i32) {
    %c0_i32 = arith.constant 0 : i32
    %c0_i32_0 = arith.constant 0 : i32
    %c0_i32_1 = arith.constant 0 : i32
    return %c0_i32, %arg0, %c0_i32_0 : i32, i32, i32
  }
  func.func @transform_2(%arg0: i32) -> (i32, i32) {
    %c0_i32 = arith.constant 0 : i32
    %c0_i32_0 = arith.constant 0 : i32
    %c0_i32_1 = arith.constant 0 : i32
    return %c0_i32, %c0_i32_0 : i32, i32
  }
}

module attributes {stable_mosaic.version = 14 : i64} {
  func.func @body(%arg0: i32, %arg1: memref<2x256x16xf32, #tpu.memory_space<vmem>>, %arg2: memref<2x256x16xf32, #tpu.memory_space<vmem>>, %arg3: memref<8x32xf32, #tpu.memory_space<vmem>>, %arg4: memref<1x32xf32, #tpu.memory_space<vmem>>, %arg5: memref<1x32xf32, #tpu.memory_space<vmem>>, %arg6: memref<32x432xf32, #tpu.memory_space<vmem>>, %arg7: memref<256x16xf32, #tpu.memory_space<vmem>>, %arg8: memref<16x432xf32, #tpu.memory_space<vmem>>, %arg9: memref<256x432xf32, #tpu.memory_space<vmem>>) attributes {dimension_semantics = [#tpu.dimension_semantics<arbitrary>], iteration_bounds = array<i64: 328>, scalar_prefetch = 0 : i64, scratch_operands = 0 : i64, tpu.core_type = #tpu.core_type<tc>, window_params = [{transform_indices = @transform_0, window_bounds = array<i64: 2, 256, 16>}, {transform_indices = @transform_1, window_bounds = array<i64: 2, 256, 16>}, {pipeline_mode = #tpu.pipeline_mode<synchronous>, transform_indices = @transform_2, window_bounds = array<i64: 8, 32>}, {pipeline_mode = #tpu.pipeline_mode<synchronous>, transform_indices = @transform_3, window_bounds = array<i64: 1, 32>}, {pipeline_mode = #tpu.pipeline_mode<synchronous>, transform_indices = @transform_4, window_bounds = array<i64: 1, 32>}, {pipeline_mode = #tpu.pipeline_mode<synchronous>, transform_indices = @transform_5, window_bounds = array<i64: 32, 432>}, {transform_indices = @transform_6, window_bounds = array<i64: 256, 16>}, {pipeline_mode = #tpu.pipeline_mode<synchronous>, transform_indices = @transform_7, window_bounds = array<i64: 16, 432>}, {transform_indices = @transform_8, window_bounds = array<i64: 256, 432>}]} {
    %get3A = arith.constant 0 : index
    %get3A_0 = arith.constant 0 : index
    %get3A_1 = arith.constant 0 : index
    %get3A_2 = vector.load %arg1[%get3A, %get3A_0, %get3A_1] : memref<2x256x16xf32, #tpu.memory_space<vmem>>, vector<1x256x16xf32>
    %get3A_3 = vector.shape_cast %get3A_2 : vector<1x256x16xf32> to vector<256x16xf32>
    %get3A_4 = arith.constant 1 : index
    %get3A_5 = arith.constant 0 : index
    %get3A_6 = arith.constant 0 : index
    %get3A_7 = vector.load %arg1[%get3A_4, %get3A_5, %get3A_6] : memref<2x256x16xf32, #tpu.memory_space<vmem>>, vector<1x256x16xf32>
    %get3A_8 = vector.shape_cast %get3A_7 : vector<1x256x16xf32> to vector<256x16xf32>
    %add3A = arith.addf %get3A_3, %get3A_8 : vector<256x16xf32>
    %get3A_9 = arith.constant 0 : index
    %get3A_10 = arith.constant 0 : index
    %get3A_11 = arith.constant 0 : index
    %get3A_12 = vector.load %arg2[%get3A_9, %get3A_10, %get3A_11] : memref<2x256x16xf32, #tpu.memory_space<vmem>>, vector<1x256x16xf32>
    %get3A_13 = vector.shape_cast %get3A_12 : vector<1x256x16xf32> to vector<256x16xf32>
    %get3A_14 = arith.constant 1 : index
    %get3A_15 = arith.constant 0 : index
    %get3A_16 = arith.constant 0 : index
    %get3A_17 = vector.load %arg2[%get3A_14, %get3A_15, %get3A_16] : memref<2x256x16xf32, #tpu.memory_space<vmem>>, vector<1x256x16xf32>
    %get3A_18 = vector.shape_cast %get3A_17 : vector<1x256x16xf32> to vector<256x16xf32>
    %add3A_19 = arith.addf %get3A_13, %get3A_18 : vector<256x16xf32>
    %concatenate3A = tpu.concatenate %add3A, %add3A_19 in 1 : vector<256x16xf32>, vector<256x16xf32> -> vector<256x32xf32>
    %get3A_20 = arith.constant 0 : index
    %get3A_21 = arith.constant 0 : index
    %get3A_22 = vector.load %arg3[%get3A_20, %get3A_21] : memref<8x32xf32, #tpu.memory_space<vmem>>, vector<1x32xf32>
    %mul3A = arith.constant 1.2027037E-5 : f32
    %mul3A_23 = vector.broadcast %mul3A : f32 to vector<1x32xf32>
    %mul3A_24 = arith.mulf %get3A_22, %mul3A_23 : vector<1x32xf32>
    %get3A_25 = arith.constant 1 : index
    %get3A_26 = arith.constant 0 : index
    %get3A_27 = vector.load %arg3[%get3A_25, %get3A_26] : memref<8x32xf32, #tpu.memory_space<vmem>>, vector<1x32xf32>
    %mul3A_28 = arith.constant 1.2027037E-5 : f32
    %mul3A_29 = vector.broadcast %mul3A_28 : f32 to vector<1x32xf32>
    %mul3A_30 = arith.mulf %get3A_27, %mul3A_29 : vector<1x32xf32>
    %mul3A_31 = arith.mulf %mul3A_24, %mul3A_24 : vector<1x32xf32>
    %sub3A = arith.subf %mul3A_30, %mul3A_31 : vector<1x32xf32>
    %add3A_32 = arith.constant 9.99999974E-6 : f32
    %add3A_33 = vector.broadcast %add3A_32 : f32 to vector<1x32xf32>
    %add3A_34 = arith.addf %sub3A, %add3A_33 : vector<1x32xf32>
    %rsqrt3A = math.rsqrt %add3A_34 : vector<1x32xf32>
    %get3A_35 = arith.constant 0 : index
    %get3A_36 = arith.constant 0 : index
    %get3A_37 = vector.load %arg4[%get3A_35, %get3A_36] : memref<1x32xf32, #tpu.memory_space<vmem>>, vector<1x32xf32>
    %mul3A_38 = arith.mulf %rsqrt3A, %get3A_37 : vector<1x32xf32>
    %sub3A_39 = vector.broadcast %mul3A_24 : vector<1x32xf32> to vector<256x32xf32>
    %sub3A_40 = arith.subf %concatenate3A, %sub3A_39 : vector<256x32xf32>
    %mul3A_41 = vector.broadcast %mul3A_38 : vector<1x32xf32> to vector<256x32xf32>
    %mul3A_42 = arith.mulf %sub3A_40, %mul3A_41 : vector<256x32xf32>
    %get3A_43 = arith.constant 0 : index
    %get3A_44 = arith.constant 0 : index
    %get3A_45 = vector.load %arg5[%get3A_43, %get3A_44] : memref<1x32xf32, #tpu.memory_space<vmem>>, vector<1x32xf32>
    %add3A_46 = vector.broadcast %get3A_45 : vector<1x32xf32> to vector<256x32xf32>
    %add3A_47 = arith.addf %mul3A_42, %add3A_46 : vector<256x32xf32>
    %max3A = arith.constant 0.000000e+00 : f32
    %max3A_48 = vector.broadcast %max3A : f32 to vector<256x32xf32>
    %max3A_49 = arith.maximumf %add3A_47, %max3A_48 : vector<256x32xf32>
    %get3A_50 = arith.constant 0 : index
    %get3A_51 = arith.constant 0 : index
    %get3A_52 = vector.load %arg6[%get3A_50, %get3A_51] : memref<32x432xf32, #tpu.memory_space<vmem>>, vector<32x432xf32>
    %dot_general3A = arith.constant dense<0.000000e+00> : vector<256x432xf32>
    %dot_general3A_53 = tpu.matmul %max3A_49, %get3A_52, %dot_general3A {dimension_numbers = #tpu.dot_dimension_numbers<[1], [0], [0], [1], [0, 0, 1, 1], [], []>, transpose_lhs_hint = false} : vector<256x32xf32>, vector<32x432xf32>, vector<256x432xf32> -> vector<256x432xf32>
    %get3A_54 = arith.constant 0 : index
    %get3A_55 = arith.constant 0 : index
    %get3A_56 = vector.load %arg7[%get3A_54, %get3A_55] : memref<256x16xf32, #tpu.memory_space<vmem>>, vector<256x16xf32>
    %get3A_57 = arith.constant 0 : index
    %get3A_58 = arith.constant 0 : index
    %get3A_59 = vector.load %arg8[%get3A_57, %get3A_58] : memref<16x432xf32, #tpu.memory_space<vmem>>, vector<16x432xf32>
    %dot_general3A_60 = arith.constant dense<0.000000e+00> : vector<256x432xf32>
    %dot_general3A_61 = tpu.matmul %get3A_56, %get3A_59, %dot_general3A_60 {dimension_numbers = #tpu.dot_dimension_numbers<[1], [0], [0], [1], [0, 0, 1, 1], [], []>, transpose_lhs_hint = false} : vector<256x16xf32>, vector<16x432xf32>, vector<256x432xf32> -> vector<256x432xf32>
    %add3A_62 = arith.addf %dot_general3A_53, %dot_general3A_61 : vector<256x432xf32>
    %swap3A = arith.constant 0 : index
    %swap3A_63 = arith.constant 0 : index
    %swap3A_64 = vector.load %arg9[%swap3A, %swap3A_63] : memref<256x432xf32, #tpu.memory_space<vmem>>, vector<256x432xf32>
    tpu.vector_store %arg9[%swap3A, %swap3A_63], %add3A_62 {strides = array<i32>} : memref<256x432xf32, #tpu.memory_space<vmem>>, vector<256x432xf32>,
    return
  }
  func.func @transform_0(%arg0: i32) -> (i32, i32, i32) {
    %c0_i32 = arith.constant 0 : i32
    %c0_i32_0 = arith.constant 0 : i32
    %c0_i32_1 = arith.constant 0 : i32
    return %c0_i32, %arg0, %c0_i32_0 : i32, i32, i32
  }
  func.func @transform_1(%arg0: i32) -> (i32, i32, i32) {
    %c0_i32 = arith.constant 0 : i32
    %c0_i32_0 = arith.constant 0 : i32
    %c0_i32_1 = arith.constant 0 : i32
    return %c0_i32, %arg0, %c0_i32_0 : i32, i32, i32
  }
  func.func @transform_2(%arg0: i32) -> (i32, i32) {
    %c0_i32 = arith.constant 0 : i32
    %c0_i32_0 = arith.constant 0 : i32
    %c0_i32_1 = arith.constant 0 : i32
    return %c0_i32, %c0_i32_0 : i32, i32
  }
  func.func @transform_3(%arg0: i32) -> (i32, i32) {
    %c0_i32 = arith.constant 0 : i32
    %c0_i32_0 = arith.constant 0 : i32
    %c0_i32_1 = arith.constant 0 : i32
    return %c0_i32, %c0_i32_0 : i32, i32
  }
  func.func @transform_4(%arg0: i32) -> (i32, i32) {
    %c0_i32 = arith.constant 0 : i32
    %c0_i32_0 = arith.constant 0 : i32
    %c0_i32_1 = arith.constant 0 : i32
    return %c0_i32, %c0_i32_0 : i32, i32
  }
  func.func @transform_5(%arg0: i32) -> (i32, i32) {
    %c0_i32 = arith.constant 0 : i32
    %c0_i32_0 = arith.constant 0 : i32
    %c0_i32_1 = arith.constant 0 : i32
    return %c0_i32, %c0_i32_0 : i32, i32
  }
  func.func @transform_6(%arg0: i32) -> (i32, i32) {
    %c0_i32 = arith.constant 0 : i32
    %c0_i32_0 = arith.constant 0 : i32
    return %arg0, %c0_i32 : i32, i32
  }
  func.func @transform_7(%arg0: i32) -> (i32, i32) {
    %c0_i32 = arith.constant 0 : i32
    %c0_i32_0 = arith.constant 0 : i32
    %c0_i32_1 = arith.constant 0 : i32
    return %c0_i32, %c0_i32_0 : i32, i32
  }
  func.func @transform_8(%arg0: i32) -> (i32, i32) {
    %c0_i32 = arith.constant 0 : i32
    %c0_i32_0 = arith.constant 0 : i32
    return %arg0, %c0_i32 : i32, i32
  }
}

module attributes {stable_mosaic.version = 14 : i64} {
  func.func @body(%arg0: i32, %arg1: memref<2x512x16xf32, #tpu.memory_space<vmem>>, %arg2: memref<512x16xf32, #tpu.memory_space<vmem>>) attributes {dimension_semantics = [#tpu.dimension_semantics<arbitrary>], iteration_bounds = array<i64: 164>, scalar_prefetch = 0 : i64, scratch_operands = 0 : i64, tpu.core_type = #tpu.core_type<tc>, window_params = [{transform_indices = @transform_0, window_bounds = array<i64: 2, 512, 16>}, {transform_indices = @transform_1, window_bounds = array<i64: 512, 16>}]} {
    %get3A = arith.constant 0 : index
    %get3A_0 = arith.constant 0 : index
    %get3A_1 = arith.constant 0 : index
    %get3A_2 = vector.load %arg1[%get3A, %get3A_0, %get3A_1] : memref<2x512x16xf32, #tpu.memory_space<vmem>>, vector<1x512x16xf32>
    %get3A_3 = vector.shape_cast %get3A_2 : vector<1x512x16xf32> to vector<512x16xf32>
    %get3A_4 = arith.constant 1 : index
    %get3A_5 = arith.constant 0 : index
    %get3A_6 = arith.constant 0 : index
    %get3A_7 = vector.load %arg1[%get3A_4, %get3A_5, %get3A_6] : memref<2x512x16xf32, #tpu.memory_space<vmem>>, vector<1x512x16xf32>
    %get3A_8 = vector.shape_cast %get3A_7 : vector<1x512x16xf32> to vector<512x16xf32>
    %add3A = arith.addf %get3A_3, %get3A_8 : vector<512x16xf32>
    %swap3A = arith.constant 0 : index
    %swap3A_9 = arith.constant 0 : index
    %swap3A_10 = vector.load %arg2[%swap3A, %swap3A_9] : memref<512x16xf32, #tpu.memory_space<vmem>>, vector<512x16xf32>
    tpu.vector_store %arg2[%swap3A, %swap3A_9], %add3A {strides = array<i32>} : memref<512x16xf32, #tpu.memory_space<vmem>>, vector<512x16xf32>,
    return
  }
  func.func @transform_0(%arg0: i32) -> (i32, i32, i32) {
    %c0_i32 = arith.constant 0 : i32
    %c0_i32_0 = arith.constant 0 : i32
    %c0_i32_1 = arith.constant 0 : i32
    return %c0_i32, %arg0, %c0_i32_0 : i32, i32, i32
  }
  func.func @transform_1(%arg0: i32) -> (i32, i32) {
    %c0_i32 = arith.constant 0 : i32
    %c0_i32_0 = arith.constant 0 : i32
    return %arg0, %c0_i32 : i32, i32
  }
}

</mosaic_0001>

<sc_bundles>
// kernel: kernel.21.cloned.1.call-start
scs
__scs_entry_jumppad:
0x0: {  	(pc) =	sbr.rel $0x88, $3  }
0x1: {  	(tag) =	ssettag $0x0;
	lr =	simm.s32 $0x1  }
0x2: {  	[smem:$0x3F87] =	sst lr;
	_ =	strace $0xD0000000  }
0x3: {  	_ = 	snop  }
0x4: {  	_ = 	snop  }
0x5: {  	_ = 	snop  }
0x6: {  	_ = 	snop  }
0x7: {  	_ = 	snop  }
__scs_overlays_trampoline_lowered:
0x8: {  	[smem:$0x3F96] =	sst s0  }
0x9: {  	[smem:$0x3F97] =	sst s1  }
0xa: {  	[smem:$0x3F98] =	sst s2  }
0xb: {  	[smem:$0x3F99] =	sst s3  }
0xc: {  	[smem:$0x3F9A] =	sst s4  }
0xd: {  	[smem:$0x3F9B] =	sst s5  }
0xe: {  	[smem:$0x3F9C] =	sst s6  }
0xf: {  	[smem:$0x3F9D] =	sst s7  }
0x10: {  	[smem:$0x3F9E] =	sst s8  }
0x11: {  	[smem:$0x3F9F] =	sst s9;
	s0 =	simm.s32 @!p0 $0x0  }
0x12: {  	s1 =	sld [smem:$0x3F85];
	s0 =	simm.s32 @p0 $0x1  }
0x13: {  	[smem:$0x3FA0] =	sst s0;
	s0 =	simm.s32 @!p1 $0x0  }
0x14: {  	s2 =	sld [smem:$0x3F84];
	s0 =	simm.s32 @p1 $0x1  }
0x15: {  	[smem:$0x3FA1] =	sst s0;
	s0 =	simm.s32 @!p2 $0x0  }
0x16: {  	s3 =	sld [smem:$0x3FDB];
	s0 =	simm.s32 @p2 $0x1  }
0x17: {  	s4 =	simm.s32 $0x1BF5;
	[smem:$0x3FA3] =	sst s0  }
0x18: {  	s0 =	sld [smem:$0x3F86];
	_ =	swait.ge [sflag:s4], $0x0  }
0x19: {  	s7 =	sld [smem:$0x3F87]  }
0x1a: {  	s8 =	sadd.s32 $0xFFFFE003, lr  }
0x1b: {  	s9 =	sadd.s32 $0xFFFFFEF7, lr;
	s5 =	simm.s32 $0xFFFFFFFF;
	p2 =	slt.u32 s8, $0xFFFFF086  }
0x1c: {  	p1 =	slt.u32 s9, $0xF7A;
	s5 =	simm.s32 @!p2 $0x0  }
0x1d: {  	s5 =	simm.s32 @p1 $0x1;
	p0 =	seq.s32 s7, s2  }
0x1e: {  	s7 =	smul.u32 @!p0 $0xF7A, s2;
	p2 =	seq.s32 @!p0 s5, $0x0  }
0x1f: {  	s9 =	smul.u32 $0xF7A, s1;
	s8 =	simm.s32 @!p0 $0x1BF5;
	p2 =	por !p2, p0  }
0x20: {  	[sflag:s8] =	ssyncset.s32 @!p0 $0xFFFFF086;
	s6 =	sadd.s32 @!p0 s3, s7;
	s7 =	simm.s32 @!p0 $0x108  }
0x21: {  	s3 =	sadd.s32 s3, s9;
	s6 =	sadd.s32 @!p0 $0x88, s6;
	s7 =	simm.s32 @p2 $0x1082  }
0x22: {  	[simem:s7], [sflag:s8] =	dma.local @!p0 [hbm:s6], $0xF7A  }
0x23: {  	s9 =	sor.u32 $0xD0000000, s2;
	s6 =	simm.s32 $0x108;
	_ =	swait.ge @!p0 [sflag:s8], $0x0  }
0x24: {  	s3 =	sadd.s32 $0x88, s3;
	s6 =	simm.s32 @!p1 $0x1082;
	[sflag:s4] =	ssyncset.s32 $0xFFFFF086  }
0x25: {  	[simem:s6], [sflag:s4] =	dma.local [hbm:s3], $0xF7A  }
0x26: {  	[smem:$0x3F87] =	sst s1;
	(tag) =	ssettag s2;
	_ =	strace s9  }
0x27: {  	s1 =	sld [smem:$0x3F97]  }
0x28: {  	s2 =	sld [smem:$0x3F98]  }
0x29: {  	s4 =	sld [smem:$0x3F9A]  }
0x2a: {  	p0 =	seq.s32 s5, $0x0;
	s5 =	sld [smem:$0x3F9B]  }
0x2b: {  	s6 =	sld [smem:$0x3F9C]  }
0x2c: {  	s7 =	sld [smem:$0x3F9D]  }
0x2d: {  	s3 =	simm.s32 $0x108;
	s8 =	sld [smem:$0x3F9E]  }
0x2e: {  	s3 =	simm.s32 @!p0 $0x1082;
	s9 =	sld [smem:$0x3F9F]  }
0x2f: {  	lr =	sadd.s32 s0, s3;
	s0 =	sld [smem:$0x3F96]  }
0x30: {  	s3 =	sld [smem:$0x3F99]  }
0x31: {  	[smem:$0x3FA2] =	sst s10  }
0x32: {  	s10 =	sld [smem:$0x3FA0];
	_ =	sdelay $0x3  }
0x33: {  	p0 =	seq.s32 s10, $0x1;
	s10 =	sld [smem:$0x3FA2];
	_ =	sdelay $0x3  }
0x34: {  	[smem:$0x3FA2] =	sst s10  }
0x35: {  	s10 =	sld [smem:$0x3FA1];
	_ =	sdelay $0x3  }
0x36: {  	p1 =	seq.s32 s10, $0x1;
	s10 =	sld [smem:$0x3FA2];
	_ =	sdelay $0x3  }
0x37: {  	[smem:$0x3FA2] =	sst s10  }
0x38: {  	s10 =	sld [smem:$0x3FA3]  }
0x39: {  	_ = 	snop;
	(pc) =	sbr.ind lr, $3  }
0x3a: {  	_ = 	snop  }
0x3b: {  	_ = 	snop  }
0x3c: {  	p2 =	seq.s32 s10, $0x1;
	s10 =	sld [smem:$0x3FA2]  }
0x3d: {  	_ =	shalt  }
0x3e: {  	_ =	shalt  }
0x3f: {  	_ =	shalt  }
0x40: {  	_ =	shalt  }
0x41: {  	_ =	shalt  }
0x42: {  	_ =	shalt  }
0x43: {  	_ =	shalt  }
0x44: {  	_ =	shalt  }
0x45: {  	_ =	shalt  }
0x46: {  	_ =	shalt  }
0x47: {  	_ =	shalt  }
0x48: {  	_ =	shalt  }
0x49: {  	_ =	shalt  }
0x4a: {  	_ =	shalt  }
0x4b: {  	_ =	shalt  }
0x4c: {  	_ =	shalt  }
0x4d: {  	_ =	shalt  }
0x4e: {  	_ =	shalt  }
0x4f: {  	_ =	shalt  }
0x50: {  	_ =	shalt  }
0x51: {  	_ =	shalt  }
0x52: {  	_ =	shalt  }
0x53: {  	_ =	shalt  }
0x54: {  	_ =	shalt  }
0x55: {  	_ =	shalt  }
0x56: {  	_ =	shalt  }
0x57: {  	_ =	shalt  }
0x58: {  	_ =	shalt  }
0x59: {  	_ =	shalt  }
0x5a: {  	_ =	shalt  }
0x5b: {  	_ =	shalt  }
0x5c: {  	_ =	shalt  }
0x5d: {  	_ =	shalt  }
0x5e: {  	_ =	shalt  }
0x5f: {  	_ =	shalt  }
0x60: {  	_ =	shalt  }
0x61: {  	_ =	shalt  }
0x62: {  	_ =	shalt  }
0x63: {  	_ =	shalt  }
0x64: {  	_ =	shalt  }
0x65: {  	_ =	shalt  }
0x66: {  	_ =	shalt  }
0x67: {  	_ =	shalt  }
0x68: {  	_ =	shalt  }
0x69: {  	_ =	shalt  }
0x6a: {  	_ =	shalt  }
0x6b: {  	_ =	shalt  }
0x6c: {  	_ =	shalt  }
0x6d: {  	_ =	shalt  }
0x6e: {  	_ =	shalt  }
0x6f: {  	_ =	shalt  }
0x70: {  	_ =	shalt  }
0x71: {  	_ =	shalt  }
0x72: {  	_ =	shalt  }
0x73: {  	_ =	shalt  }
0x74: {  	_ =	shalt  }
0x75: {  	_ =	shalt  }
0x76: {  	_ =	shalt  }
0x77: {  	_ =	shalt  }
0x78: {  	_ =	shalt  }
0x79: {  	_ =	shalt  }
0x7a: {  	_ =	shalt  }
0x7b: {  	_ =	shalt  }
0x7c: {  	_ =	shalt  }
0x7d: {  	_ =	shalt  }
0x7e: {  	_ =	shalt  }
0x7f: {  	_ =	shalt  }
0x80: {  	_ =	shalt  }
0x81: {  	_ =	shalt  }
0x82: {  	_ =	shalt  }
0x83: {  	_ =	shalt  }
0x84: {  	_ =	shalt  }
0x85: {  	_ =	shalt  }
0x86: {  	_ =	shalt  }
0x87: {  	_ =	shalt  }
.Lfunc_end0:
.L_simem_size_0:
called_computation_lowered:
.L_overlay_start_0:
0x88: {  	s2 =	sld [smem:$0x3FD9]  }
0x89: {  	s3 =	sld [smem:$0x3FFE];
	_ =	sdelay $0x1  }
0x8a: {  	s1 =	srdreg.scid  }
0x8b: {  	s0 =	sand.u32 $0x1, s1  }
0x8c: {  	s16 =	sshll.u32 s0, $0xA;
	s2 =	sadd.s32 s3, s2  }
0x8d: {  	s2 =	sadd.s32 s2, s16  }
0x8e: {  	[smem:$0x3FAE] =	sst s2  }
0x8f: {  	_ = 	snop  }
0x90: {  	(tm) =	ssettm $0x1  }
0x91: {  	s17 =	sld [smem:$0x3FFB];
	_ =	sdelay $0x3  }
0x92: {  	_ =	strace s17  }
0x93: {  	s2 =	sld [smem:$0x3FFC];
	_ =	sdelay $0x3  }
0x94: {  	_ =	strace s2  }
0x95: {  	s2 =	sld [smem:$0x3FFD];
	_ =	sdelay $0x3  }
0x96: {  	_ =	strace s2  }
0x97: {  	_ =	strace $0x8FFFFFFF  }
0x98: {  	s18 =	sld [smem:$0x3FDB];
	_ =	sdelay $0x1  }
0x99: {  	s19 =	simm.s32 $_scs_section_size  }
0x9a: {  	s4 =	simm.s32 $_size__tile_overlayer_lowered;
	s5 =	simm.s32 $_tile_overlayer_lowered  }
0x9b: {  	s22 =	simm.s32 $0x1BFF;
	s21 =	sshll.u32 s5, $0x1;
	s2 =	sadd.s32 s19, s18  }
0x9c: {  	s6 =	simm.s32 $0x0;
	s20 =	sshll.u32 s4, $0x1;
	s4 =	sadd.s32 s21, s2  }
0x9d: {  	[timem:s6], [sflag:s22] =	dma.local [hbm:s4], s20  }
0x9e: {  	_ =	swait.ge [sflag:s22], s20  }
0x9f: {  	s3 =	ssub.s32 $0x0, s20;
	[sflag:s22] =	ssyncset.done $0x0  }
0xa0: {  	[sflag:s22] =	ssyncadd.s32 s3;
	_ =	sdelay $0x1  }
0xa1: {  	s23 =	simm.s32 $0x1B8B  }
0xa2: {  	_ =	swait.ge [sflag:s23], $0x1  }
0xa3: {  	[sflag:s23] =	ssyncset.done $0x0  }
0xa4: {  	s25 =	simm.s32 $0x1B8E;
	s24 =	sld [smem:$0x3FFE];
	[sflag:s23] =	ssyncadd.s32 $0xFFFFFFFF  }
0xa5: {  	s26 =	simm.s32 $execute0_lowered;
	[smem:$0x3FD2] =	sst s25  }
0xa6: {  	s4 =	sshll.u32 s26, $0x1;
	_ =	strace $0x80000046;
	[dreg:$0x1] =	wrdreg $0xFFFFFFFF  }
0xa7: {  	s28 =	simm.s32 $_size_execute0_lowered;
	s2 =	sadd.s32 s2, s4;
	[dreg:$0x0] =	wrdreg $0x0  }
0xa8: {  	s4 =	sshll.u32 s28, $0x1;
	[dreg:$0x2] =	wrdreg s2  }
0xa9: {  	[dreg:$0x3] =	wrdreg s4  }
0xaa: {  	[dreg:$0x4] =	wrdreg $0xC0  }
0xab: {  	_ =	task [dreg:s6], $0x5FFFF  }
0xac: {  	[dreg:$0x1] =	wrdreg $0xFFFFFFFF  }
0xad: {  	[dreg:$0x0] =	wrdreg $0x60  }
0xae: {  	[dreg:$0x2] =	wrdreg s24  }
0xaf: {  	[dreg:$0x3] =	wrdreg $0x11000  }
0xb0: {  	[dreg:$0x4] =	wrdreg $0x9  }
0xb1: {  	_ =	task.clear_ibuf [dreg:s6], $0x5FFFF;
	_ =	strace $0x90000046  }
0xb2: {  	s29 =	simm.s32 $0x9;
	_ =	strace $0x80000048  }
0xb3: {  	_ =	swait.ge [sflag:s29], $0x1  }
0xb4: {  	[sflag:s29] =	ssyncadd.s32 $0xFFFFFFFF  }
0xb5: {  	_ =	strace $0x90000048  }
0xb6: {  	_ =	sfence  }
0xb7: {  	s30 =	sld [smem:$0x0];
	_ =	sdelay $0x2  }
0xb8: {  	s31 =	sshll.u32 s1, $0xD;
	s1 =	sshrl.u32 s1, $0x2  }
0xb9: {  	s3 =	sand.u32 $0x4000, s31;
	s1 =	sadd.s32 s1, s30  }
0xba: {  	s0 =	sor.u32 s3, s0;
	s1 =	sshll.u32 s1, $0x11  }
0xbb: {  	s0 =	sor.u32 s1, s0  }
0xbc: {  	s0 =	sadd.s32 $0x8F2B, s0  }
0xbd: {  	[sflag:s0] =	ssyncadd.remote.s32 $0x1  }
0xbe: {  	_ =	sfence.sel $0xFFFF  }
0xbf: {  	[dreg:$0x0] =	wrdreg $0xFFFFFFFF;
	(pc) =	sbr.abs _section_cstart, $3  }
0xc0: {  	[dreg:$0x1] =	wrdreg $0xFFFFFFFF  }
0xc1: {  	_ =	task.clear_ibuf [dreg:s6], $0x2FFFF;
	_ =	strace $0x9FFFFFFF  }
0xc2: {  	(tm) =	ssettm $0x7FFFFFFF  }
0xc3: {  	_ =	shalt  }
tec
execute0_lowered:
.L_overlay_start_1:
0x0: {  	(tag) =	ssettag $0x1  }
0x1: {  	s5 =	rddreg [dreg:$0x0]  }
0x2: {  	s1 =	rddreg [dreg:$0x1];
	s2 =	srdreg.scid  }
0x3: {  	s0 =	rddreg [dreg:$0x2];
	s3 =	simm.s32 $0x0;
	s6 =	sand.u32 $0x1, s2  }
0x4: {  	s13 =	simm.s32 $0x100;
	s2 =	stileid.u32;
	s7 =	smul.u32 $0x148000, s6  }
0x5: {  	s14 =	simm.s32 $0x1;
	s17 =	simm.s32 $0x0;
	s8 =	smul.u32 $0x14800, s2  }
0x6: {  	[smem:$0x7FF] =	sst s3;
	s4 =	sadd.s32 $0x7C7400, s5;
	s9 =	smul.u32 $0xB700, s6  }
0x7: {  	_ =	strace $0x80000047;
	s10 =	smul.u32 $0x52000, s2;
	s6 =	ssub.s32 $0x2, s6  }
0x8: {  	s12 =	smul.u32 $0xB70, s2;
	s15 =	sshll.u32 s2, $0x6;
	s11 =	sshrl.u32 s6, $0x1  }
0x9: {  	s15 =	sor.u32 $0x1C02, s15;
	s7 =	sadd.s32 s8, s7;
	s9 =	sadd.s32 s9, s5  }
0xa: {  	s10 =	sshrl.u32 s10, $0x2;
	s11 =	ssub.s32 s6, s11;
	s16 =	sadd.s32 s8, s1  }
0xb: {  	s7 =	sshrl.u32 s7, $0x3;
	s9 =	sadd.s32 s12, s9;
	s12 =	simm.s32 $0x80  }
0xc: {  	s16 =	sshrl.u32 s16, $0x3;
	s7 =	sadd.s32 s7, s5;
	s5 =	sadd.s32 s10, s1  }
0xd: {  	s8 =	sadd.s32 $0x1A600, s9;
	s9 =	sadd.s32 $0x3800, s9;
	s10 =	simm.s32 $0x900  }
0xe: {  	v0 =	vimm.f32 $0.0e+00;
	s6 =	sadd.s32 $0x31400, s7;
	s7 =	smax.u32 s11, $0x1;
	s11 =	simm.s32 $0x2  }
.LBB2_1:
0xf: {  	s18 =	simm.s32 $0x0  }
.LBB2_2:
0x10: {  	p0 =	sne.s32 s18, $0x1FC0  }
.Ltmp0:
0x11: {  	_ = 	snop;
	(pc) =	sbr.rel @p0 .LBB2_2-.Ltmp0, $3  }
0x12: {  	_ =	sdelay $0x1  }
0x13: {  	s19 =	sshra.s32 s18, $0x2  }
0x14: {  	s18 =	sadd.s32 $0x40, s18;
	[tilespmem:s19+$0x900] =	vst v0  }
0x15: {  	s18 =	sadd.s32 $0x0, s5  }
0x16: {  	[spmem:s18] =	stream.linear.scatter [tilespmem:s10], [sflag:$0x2], $0x800, $0x38;
	[tilespmem:$0x15900] =	vst v63  }
0x17: {  	s18 =	simm.s32 $0x2000;
	_ =	swait.ge [sflag:s11], $0x800  }
.LBB2_4:
0x18: {  	s19 =	sshra.s32 s18, $0x2;
	[sflag:s11] =	ssyncset.done $0x0;
	p0 =	sne.s32 s18, $0x50000  }
.Ltmp1:
0x19: {  	s19 =	sadd.s32 s19, s5;
	[sflag:s11] =	ssyncadd.s32 $0xFFFFF800;
	(pc) =	sbr.rel @p0 .LBB2_4-.Ltmp1, $3  }
0x1a: {  	[spmem:s19] =	stream.linear.scatter [tilespmem:s10], [sflag:$0x2], $0x800, $0x38;
	[tilespmem:$0x15900] =	vst v63  }
0x1b: {  	s18 =	sadd.s32 $0x2000, s18;
	_ =	sdelay $0x1  }
0x1c: {  	_ =	swait.ge [sflag:s11], $0x800  }
0x1d: {  	[sflag:s11] =	ssyncset.done $0x0  }
0x1e: {  	[sflag:s11] =	ssyncadd.s32 $0xFFFFF800  }
0x1f: {  	s18 =	sadd.s32 $0x0, s9;
	[bflag:$0x0] =	sbarrier.arrive $0xFFFF  }
0x20: {  	[tilespmem:s3], [sflag:$0x2] =	stream.linear.gather [hbm4b:s18+s3], $0x80, $0x38;
	[tilespmem:$0x15900] =	vst v63  }
0x21: {  	_ =	swait.ge [sflag:s11], $0x80  }
0x22: {  	[sflag:s11] =	ssyncset.done $0x0  }
0x23: {  	s31 =	sadd.s32 $0x0, s8;
	[sflag:s11] =	ssyncadd.s32 $0xFFFFFF80  }
0x24: {  	[tilespmem:s12], [sflag:$0x2] =	stream.linear.gather [hbm4b:s31+s3], $0x80, $0x38;
	[tilespmem:$0x15900] =	vst v63  }
0x25: {  	_ =	swait.ge [sflag:s11], $0x80  }
0x26: {  	[sflag:s11] =	ssyncset.done $0x0  }
0x27: {  	[sflag:s11] =	ssyncadd.s32 $0xFFFFFF80  }
0x28: {  	[tilespmem:s13], [sflag:$0x1] =	stream.indirect.gather [hbm4b:s4+s12], $0x10, s3, s12, $0xb8;
	[tilespmem:$0x15900] =	vst v63  }
0x29: {  	_ =	swait.ge [sflag:s14], $0x800  }
0x2a: {  	[sflag:s14] =	ssyncset.done $0x0  }
0x2b: {  	[sflag:s14] =	ssyncadd.s32 $0xFFFFF800  }
0x2c: {  	[spmem:s1] =	stream.indirect.scatter.add.f32 [tilespmem:s13], [sflag:$0x2], $0x10, s12, s12, $0xb8;
	[tilespmem:$0x15900] =	vst v63  }
0x2d: {  	_ =	swait.ge [sflag:s11], $0x800  }
0x2e: {  	s19 =	simm.s32 $0x20;
	s18 =	simm.s32 $0x10;
	[sflag:s11] =	ssyncset.done $0x0  }
.LBB2_6:
0x2f: {  	s20 =	sadd.s32 s18, s9  }
0x30: {  	[sflag:s11] =	ssyncadd.s32 $0xFFFFF800;
	s21 =	smov.u32 s19;
	s22 =	sadd.s32 $0x10, s19  }
0x31: {  	[tilespmem:s3], [sflag:$0x2] =	stream.linear.gather [hbm4b:s20+s3], $0x80, $0x38;
	[tilespmem:$0x15900] =	vst v63  }
0x32: {  	p0 =	sne.s32 s19, $0xB60;
	_ =	swait.ge [sflag:s11], $0x80  }
0x33: {  	[sflag:s11] =	ssyncset.done $0x0  }
0x34: {  	s19 =	sadd.s32 s18, s8;
	s18 =	smov.u32 s21;
	[sflag:s11] =	ssyncadd.s32 $0xFFFFFF80  }
0x35: {  	[tilespmem:s12], [sflag:$0x2] =	stream.linear.gather [hbm4b:s19+s3], $0x80, $0x38;
	[tilespmem:$0x15900] =	vst v63  }
0x36: {  	_ =	swait.ge [sflag:s11], $0x80  }
0x37: {  	[sflag:s11] =	ssyncset.done $0x0  }
0x38: {  	[sflag:s11] =	ssyncadd.s32 $0xFFFFFF80  }
0x39: {  	[tilespmem:s13], [sflag:$0x1] =	stream.indirect.gather [hbm4b:s4+s12], $0x10, s3, s12, $0xb8;
	[tilespmem:$0x15900] =	vst v63  }
0x3a: {  	_ =	swait.ge [sflag:s14], $0x800  }
.Ltmp2:
0x3b: {  	[sflag:s14] =	ssyncset.done $0x0;
	(pc) =	sbr.rel @p0 .LBB2_6-.Ltmp2, $4  }
0x3c: {  	[sflag:s14] =	ssyncadd.s32 $0xFFFFF800  }
0x3d: {  	[spmem:s1] =	stream.indirect.scatter.add.f32 [tilespmem:s13], [sflag:$0x2], $0x10, s12, s12, $0xb8;
	[tilespmem:$0x15900] =	vst v63  }
0x3e: {  	_ =	swait.ge [sflag:s11], $0x800  }
0x3f: {  	s19 =	smov.u32 s22;
	[sflag:s11] =	ssyncset.done $0x0  }
0x40: {  	s19 =	sadd.s32 s18, s9;
	[sflag:s11] =	ssyncadd.s32 $0xFFFFF800  }
0x41: {  	[tilespmem:s3], [sflag:$0x2] =	stream.linear.gather [hbm4b:s19+s3], $0x80, $0x38;
	[tilespmem:$0x15900] =	vst v63  }
0x42: {  	_ =	swait.ge [sflag:s11], $0x80  }
0x43: {  	[sflag:s11] =	ssyncset.done $0x0  }
0x44: {  	s31 =	sadd.s32 s18, s8;
	[sflag:s11] =	ssyncadd.s32 $0xFFFFFF80  }
0x45: {  	[tilespmem:s12], [sflag:$0x2] =	stream.linear.gather [hbm4b:s31+s3], $0x80, $0x38;
	[tilespmem:$0x15900] =	vst v63  }
0x46: {  	_ =	swait.ge [sflag:s11], $0x80  }
0x47: {  	[sflag:s11] =	ssyncset.done $0x0  }
0x48: {  	[sflag:s11] =	ssyncadd.s32 $0xFFFFFF80  }
0x49: {  	[tilespmem:s13], [sflag:$0x1] =	stream.indirect.gather [hbm4b:s4+s12], $0x10, s3, s12, $0xb8;
	[tilespmem:$0x15900] =	vst v63  }
0x4a: {  	_ =	swait.ge [sflag:s14], $0x800  }
0x4b: {  	[sflag:s14] =	ssyncset.done $0x0  }
0x4c: {  	[sflag:s14] =	ssyncadd.s32 $0xFFFFF800  }
0x4d: {  	[spmem:s1] =	stream.indirect.scatter.add.f32 [tilespmem:s13], [sflag:$0x2], $0x10, s12, s12, $0xb8;
	[tilespmem:$0x15900] =	vst v63  }
0x4e: {  	_ =	swait.ge [sflag:s11], $0x800  }
0x4f: {  	s17 =	sadd.s32 $0x1, s17;
	[sflag:s11] =	ssyncset.done $0x0  }
0x50: {  	p0 =	sne.s32 s17, s7;
	[sflag:s11] =	ssyncadd.s32 $0xFFFFF800  }
.Ltmp3:
0x51: {  	[bflag:$0x0] =	sbarrier.arrive $0xFFFF;
	(pc) =	sbr.rel @p0 .LBB2_1-.Ltmp3, $4  }
0x52: {  	[hbm:s6], [sflag:s15] =	dma.local [spmem:s16], $0x2900  }
0x53: {  	_ =	swait.ge [sflag:s11], $0x2900  }
0x54: {  	[sflag:s11] =	ssyncset.done $0x0  }
0x55: {  	[sflag:s11] =	ssyncadd.s32 $0xFFFFD700  }
0x56: {  	_ =	sfence.sel $0x180000  }
0x57: {  	[bflag:$0x0] =	sbarrier.arrive $0xFFFF  }
0x58: {  	p0 =	sne.s32 s2, $0x0;
	_ =	strace $0x90000047  }
0x59: {  	s0 =	sadd.s32 @!p0 $0x100000, s0;
	[bflag:$0x2] =	sbarrier.arrive $0xFFFF  }
0x5a: {  	[sflag:s0] =	ssyncadd.tile.s32 @!p0 $0x1;
	_ =	shalt  }
.Lfunc_end2:
_tile_overlayer_lowered:
.L_overlay_start_2:
0x5b: {  	(tag) =	ssettag $0x2  }
0x5c: {  	s0 =	rddreg [dreg:$0x0];
	s2 =	stileid.u32  }
0x5d: {  	s1 =	rddreg [dreg:$0x1];
	p0 =	sne.s32 s2, $0x0  }
0x5e: {  	s3 =	rddreg [dreg:$0x2];
	[bflag:$0x3] =	sbarrier.arrive $0xFFFF;
	s2 =	simm.s32 @!p0 $0x1C02  }
0x5f: {  	[timem:s3], [sflag:s2] =	dma.local @!p0 [hbm:s0], s1  }
0x60: {  	s0 =	simm.s32 @!p0 $0x2  }
0x61: {  	_ =	swait.ge @!p0 [sflag:s0], s1  }
0x62: {  	s1 =	ssub.s32 @!p0 $0x0, s1;
	[sflag:s0] =	ssyncset.done @!p0 $0x0  }
0x63: {  	[sflag:s0] =	ssyncadd.s32 @!p0 s1  }
0x64: {  	[bflag:$0x3] =	sbarrier.arrive $0xFFFF  }
0x65: {  	_ =	shalt  }

// kernel: kernel.24.cloned.1.call-start
scs
__scs_entry_jumppad:
0x0: {  	(pc) =	sbr.rel $0x88, $3  }
0x1: {  	(tag) =	ssettag $0x0;
	lr =	simm.s32 $0x1  }
0x2: {  	[smem:$0x3F87] =	sst lr;
	_ =	strace $0xD0000000  }
0x3: {  	_ = 	snop  }
0x4: {  	_ = 	snop  }
0x5: {  	_ = 	snop  }
0x6: {  	_ = 	snop  }
0x7: {  	_ = 	snop  }
__scs_overlays_trampoline_lowered:
0x8: {  	[smem:$0x3F96] =	sst s0  }
0x9: {  	[smem:$0x3F97] =	sst s1  }
0xa: {  	[smem:$0x3F98] =	sst s2  }
0xb: {  	[smem:$0x3F99] =	sst s3  }
0xc: {  	[smem:$0x3F9A] =	sst s4  }
0xd: {  	[smem:$0x3F9B] =	sst s5  }
0xe: {  	[smem:$0x3F9C] =	sst s6  }
0xf: {  	[smem:$0x3F9D] =	sst s7  }
0x10: {  	[smem:$0x3F9E] =	sst s8  }
0x11: {  	[smem:$0x3F9F] =	sst s9;
	s0 =	simm.s32 @!p0 $0x0  }
0x12: {  	s1 =	sld [smem:$0x3F85];
	s0 =	simm.s32 @p0 $0x1  }
0x13: {  	[smem:$0x3FA0] =	sst s0;
	s0 =	simm.s32 @!p1 $0x0  }
0x14: {  	s2 =	sld [smem:$0x3F84];
	s0 =	simm.s32 @p1 $0x1  }
0x15: {  	[smem:$0x3FA1] =	sst s0;
	s0 =	simm.s32 @!p2 $0x0  }
0x16: {  	s3 =	sld [smem:$0x3FDB];
	s0 =	simm.s32 @p2 $0x1  }
0x17: {  	s4 =	simm.s32 $0x1BF5;
	[smem:$0x3FA3] =	sst s0  }
0x18: {  	s0 =	sld [smem:$0x3F86];
	_ =	swait.ge [sflag:s4], $0x0  }
0x19: {  	s7 =	sld [smem:$0x3F87]  }
0x1a: {  	s8 =	sadd.s32 $0xFFFFE003, lr  }
0x1b: {  	s9 =	sadd.s32 $0xFFFFFEF7, lr;
	s5 =	simm.s32 $0xFFFFFFFF;
	p2 =	slt.u32 s8, $0xFFFFF086  }
0x1c: {  	p1 =	slt.u32 s9, $0xF7A;
	s5 =	simm.s32 @!p2 $0x0  }
0x1d: {  	s5 =	simm.s32 @p1 $0x1;
	p0 =	seq.s32 s7, s2  }
0x1e: {  	s7 =	smul.u32 @!p0 $0xF7A, s2;
	p2 =	seq.s32 @!p0 s5, $0x0  }
0x1f: {  	s9 =	smul.u32 $0xF7A, s1;
	s8 =	simm.s32 @!p0 $0x1BF5;
	p2 =	por !p2, p0  }
0x20: {  	[sflag:s8] =	ssyncset.s32 @!p0 $0xFFFFF086;
	s6 =	sadd.s32 @!p0 s3, s7;
	s7 =	simm.s32 @!p0 $0x108  }
0x21: {  	s3 =	sadd.s32 s3, s9;
	s6 =	sadd.s32 @!p0 $0x88, s6;
	s7 =	simm.s32 @p2 $0x1082  }
0x22: {  	[simem:s7], [sflag:s8] =	dma.local @!p0 [hbm:s6], $0xF7A  }
0x23: {  	s9 =	sor.u32 $0xD0000000, s2;
	s6 =	simm.s32 $0x108;
	_ =	swait.ge @!p0 [sflag:s8], $0x0  }
0x24: {  	s3 =	sadd.s32 $0x88, s3;
	s6 =	simm.s32 @!p1 $0x1082;
	[sflag:s4] =	ssyncset.s32 $0xFFFFF086  }
0x25: {  	[simem:s6], [sflag:s4] =	dma.local [hbm:s3], $0xF7A  }
0x26: {  	[smem:$0x3F87] =	sst s1;
	(tag) =	ssettag s2;
	_ =	strace s9  }
0x27: {  	s1 =	sld [smem:$0x3F97]  }
0x28: {  	s2 =	sld [smem:$0x3F98]  }
0x29: {  	s4 =	sld [smem:$0x3F9A]  }
0x2a: {  	p0 =	seq.s32 s5, $0x0;
	s5 =	sld [smem:$0x3F9B]  }
0x2b: {  	s6 =	sld [smem:$0x3F9C]  }
0x2c: {  	s7 =	sld [smem:$0x3F9D]  }
0x2d: {  	s3 =	simm.s32 $0x108;
	s8 =	sld [smem:$0x3F9E]  }
0x2e: {  	s3 =	simm.s32 @!p0 $0x1082;
	s9 =	sld [smem:$0x3F9F]  }
0x2f: {  	lr =	sadd.s32 s0, s3;
	s0 =	sld [smem:$0x3F96]  }
0x30: {  	s3 =	sld [smem:$0x3F99]  }
0x31: {  	[smem:$0x3FA2] =	sst s10  }
0x32: {  	s10 =	sld [smem:$0x3FA0];
	_ =	sdelay $0x3  }
0x33: {  	p0 =	seq.s32 s10, $0x1;
	s10 =	sld [smem:$0x3FA2];
	_ =	sdelay $0x3  }
0x34: {  	[smem:$0x3FA2] =	sst s10  }
0x35: {  	s10 =	sld [smem:$0x3FA1];
	_ =	sdelay $0x3  }
0x36: {  	p1 =	seq.s32 s10, $0x1;
	s10 =	sld [smem:$0x3FA2];
	_ =	sdelay $0x3  }
0x37: {  	[smem:$0x3FA2] =	sst s10  }
0x38: {  	s10 =	sld [smem:$0x3FA3]  }
0x39: {  	_ = 	snop;
	(pc) =	sbr.ind lr, $3  }
0x3a: {  	_ = 	snop  }
0x3b: {  	_ = 	snop  }
0x3c: {  	p2 =	seq.s32 s10, $0x1;
	s10 =	sld [smem:$0x3FA2]  }
0x3d: {  	_ =	shalt  }
0x3e: {  	_ =	shalt  }
0x3f: {  	_ =	shalt  }
0x40: {  	_ =	shalt  }
0x41: {  	_ =	shalt  }
0x42: {  	_ =	shalt  }
0x43: {  	_ =	shalt  }
0x44: {  	_ =	shalt  }
0x45: {  	_ =	shalt  }
0x46: {  	_ =	shalt  }
0x47: {  	_ =	shalt  }
0x48: {  	_ =	shalt  }
0x49: {  	_ =	shalt  }
0x4a: {  	_ =	shalt  }
0x4b: {  	_ =	shalt  }
0x4c: {  	_ =	shalt  }
0x4d: {  	_ =	shalt  }
0x4e: {  	_ =	shalt  }
0x4f: {  	_ =	shalt  }
0x50: {  	_ =	shalt  }
0x51: {  	_ =	shalt  }
0x52: {  	_ =	shalt  }
0x53: {  	_ =	shalt  }
0x54: {  	_ =	shalt  }
0x55: {  	_ =	shalt  }
0x56: {  	_ =	shalt  }
0x57: {  	_ =	shalt  }
0x58: {  	_ =	shalt  }
0x59: {  	_ =	shalt  }
0x5a: {  	_ =	shalt  }
0x5b: {  	_ =	shalt  }
0x5c: {  	_ =	shalt  }
0x5d: {  	_ =	shalt  }
0x5e: {  	_ =	shalt  }
0x5f: {  	_ =	shalt  }
0x60: {  	_ =	shalt  }
0x61: {  	_ =	shalt  }
0x62: {  	_ =	shalt  }
0x63: {  	_ =	shalt  }
0x64: {  	_ =	shalt  }
0x65: {  	_ =	shalt  }
0x66: {  	_ =	shalt  }
0x67: {  	_ =	shalt  }
0x68: {  	_ =	shalt  }
0x69: {  	_ =	shalt  }
0x6a: {  	_ =	shalt  }
0x6b: {  	_ =	shalt  }
0x6c: {  	_ =	shalt  }
0x6d: {  	_ =	shalt  }
0x6e: {  	_ =	shalt  }
0x6f: {  	_ =	shalt  }
0x70: {  	_ =	shalt  }
0x71: {  	_ =	shalt  }
0x72: {  	_ =	shalt  }
0x73: {  	_ =	shalt  }
0x74: {  	_ =	shalt  }
0x75: {  	_ =	shalt  }
0x76: {  	_ =	shalt  }
0x77: {  	_ =	shalt  }
0x78: {  	_ =	shalt  }
0x79: {  	_ =	shalt  }
0x7a: {  	_ =	shalt  }
0x7b: {  	_ =	shalt  }
0x7c: {  	_ =	shalt  }
0x7d: {  	_ =	shalt  }
0x7e: {  	_ =	shalt  }
0x7f: {  	_ =	shalt  }
0x80: {  	_ =	shalt  }
0x81: {  	_ =	shalt  }
0x82: {  	_ =	shalt  }
0x83: {  	_ =	shalt  }
0x84: {  	_ =	shalt  }
0x85: {  	_ =	shalt  }
0x86: {  	_ =	shalt  }
0x87: {  	_ =	shalt  }
.Lfunc_end0:
.L_simem_size_0:
called_computation.1_lowered:
.L_overlay_start_0:
0x88: {  	s2 =	sld [smem:$0x3FD9]  }
0x89: {  	s3 =	sld [smem:$0x3FFE];
	_ =	sdelay $0x1  }
0x8a: {  	s1 =	srdreg.scid  }
0x8b: {  	s0 =	sand.u32 $0x1, s1  }
0x8c: {  	s16 =	sshll.u32 s0, $0xA;
	s2 =	sadd.s32 s3, s2  }
0x8d: {  	s2 =	sadd.s32 s2, s16  }
0x8e: {  	[smem:$0x3FAE] =	sst s2  }
0x8f: {  	_ = 	snop  }
0x90: {  	(tm) =	ssettm $0x1  }
0x91: {  	s17 =	sld [smem:$0x3FFB];
	_ =	sdelay $0x3  }
0x92: {  	_ =	strace s17  }
0x93: {  	s2 =	sld [smem:$0x3FFC];
	_ =	sdelay $0x3  }
0x94: {  	_ =	strace s2  }
0x95: {  	s2 =	sld [smem:$0x3FFD];
	_ =	sdelay $0x3  }
0x96: {  	_ =	strace s2  }
0x97: {  	_ =	strace $0x8FFFFFFF  }
0x98: {  	s18 =	sld [smem:$0x3FDB];
	_ =	sdelay $0x1  }
0x99: {  	s19 =	simm.s32 $_scs_section_size  }
0x9a: {  	s4 =	simm.s32 $_size__tile_overlayer_lowered;
	s5 =	simm.s32 $_tile_overlayer_lowered  }
0x9b: {  	s22 =	simm.s32 $0x1BFF;
	s21 =	sshll.u32 s5, $0x1;
	s2 =	sadd.s32 s19, s18  }
0x9c: {  	s6 =	simm.s32 $0x0;
	s20 =	sshll.u32 s4, $0x1;
	s4 =	sadd.s32 s21, s2  }
0x9d: {  	[timem:s6], [sflag:s22] =	dma.local [hbm:s4], s20  }
0x9e: {  	_ =	swait.ge [sflag:s22], s20  }
0x9f: {  	s3 =	ssub.s32 $0x0, s20;
	[sflag:s22] =	ssyncset.done $0x0  }
0xa0: {  	[sflag:s22] =	ssyncadd.s32 s3;
	_ =	sdelay $0x1  }
0xa1: {  	s23 =	simm.s32 $0x1B8B  }
0xa2: {  	_ =	swait.ge [sflag:s23], $0x1  }
0xa3: {  	[sflag:s23] =	ssyncset.done $0x0  }
0xa4: {  	s25 =	simm.s32 $0x1B8E;
	s24 =	sld [smem:$0x3FFE];
	[sflag:s23] =	ssyncadd.s32 $0xFFFFFFFF  }
0xa5: {  	s26 =	simm.s32 $execute0_lowered;
	[smem:$0x3FD2] =	sst s25  }
0xa6: {  	s4 =	sshll.u32 s26, $0x1;
	_ =	strace $0x80000049;
	[dreg:$0x1] =	wrdreg $0xFFFFFFFF  }
0xa7: {  	s28 =	simm.s32 $_size_execute0_lowered;
	s2 =	sadd.s32 s2, s4;
	[dreg:$0x0] =	wrdreg $0x0  }
0xa8: {  	s4 =	sshll.u32 s28, $0x1;
	[dreg:$0x2] =	wrdreg s2  }
0xa9: {  	[dreg:$0x3] =	wrdreg s4  }
0xaa: {  	[dreg:$0x4] =	wrdreg $0xC0  }
0xab: {  	_ =	task [dreg:s6], $0x5FFFF  }
0xac: {  	[dreg:$0x1] =	wrdreg $0xFFFFFFFF  }
0xad: {  	[dreg:$0x0] =	wrdreg $0x60  }
0xae: {  	[dreg:$0x2] =	wrdreg s24  }
0xaf: {  	[dreg:$0x3] =	wrdreg $0x21000  }
0xb0: {  	[dreg:$0x4] =	wrdreg $0x9  }
0xb1: {  	_ =	task.clear_ibuf [dreg:s6], $0x5FFFF;
	_ =	strace $0x90000049  }
0xb2: {  	s29 =	simm.s32 $0x9;
	_ =	strace $0x8000004B  }
0xb3: {  	_ =	swait.ge [sflag:s29], $0x1  }
0xb4: {  	[sflag:s29] =	ssyncadd.s32 $0xFFFFFFFF  }
0xb5: {  	_ =	strace $0x9000004B  }
0xb6: {  	_ =	sfence  }
0xb7: {  	s30 =	sld [smem:$0x0];
	_ =	sdelay $0x2  }
0xb8: {  	s31 =	sshll.u32 s1, $0xD;
	s1 =	sshrl.u32 s1, $0x2  }
0xb9: {  	s3 =	sand.u32 $0x4000, s31;
	s1 =	sadd.s32 s1, s30  }
0xba: {  	s0 =	sor.u32 s3, s0;
	s1 =	sshll.u32 s1, $0x11  }
0xbb: {  	s0 =	sor.u32 s1, s0  }
0xbc: {  	s0 =	sadd.s32 $0x8F2B, s0  }
0xbd: {  	[sflag:s0] =	ssyncadd.remote.s32 $0x1  }
0xbe: {  	_ =	sfence.sel $0xFFFF  }
0xbf: {  	[dreg:$0x0] =	wrdreg $0xFFFFFFFF;
	(pc) =	sbr.abs _section_cstart, $3  }
0xc0: {  	[dreg:$0x1] =	wrdreg $0xFFFFFFFF  }
0xc1: {  	_ =	task.clear_ibuf [dreg:s6], $0x2FFFF;
	_ =	strace $0x9FFFFFFF  }
0xc2: {  	(tm) =	ssettm $0x7FFFFFFF  }
0xc3: {  	_ =	shalt  }
tec
execute0_lowered:
.L_overlay_start_1:
0x0: {  	(tag) =	ssettag $0x1  }
0x1: {  	s0 =	rddreg [dreg:$0x0]  }
0x2: {  	s1 =	rddreg [dreg:$0x1]  }
0x3: {  	s2 =	simm.s32 $0x0;
	s3 =	srdreg.scid;
	s8 =	stileid.u32  }
0x4: {  	s28 =	simm.s32 $0x80;
	s29 =	simm.s32 $0x100;
	s30 =	simm.s32 $0x1  }
0x5: {  	s31 =	simm.s32 $0x0;
	[smem:$0x7FF] =	sst s2;
	s3 =	sand.u32 $0x1, s3  }
0x6: {  	s7 =	sshll.u32 s8, $0x10;
	s4 =	sadd.s32 $0xD73C00, s0;
	s26 =	smul.u32 $0x410, s8  }
0x7: {  	s5 =	smul.u32 $0x4100, s3;
	s6 =	sshll.u32 s3, $0x14;
	s3 =	ssub.s32 $0x2, s3  }
0x8: {  	_ =	strace $0x8000004A;
	s6 =	sor.u32 s7, s6;
	s23 =	sshrl.u32 s3, $0x1  }
0x9: {  	s22 =	sadd.s32 s5, s0;
	s21 =	sshrl.u32 s6, $0x3;
	s3 =	ssub.s32 s3, s23  }
0xa: {  	s5 =	sadd.s32 s7, s1;
	s0 =	sadd.s32 s21, s0;
	s24 =	smax.u32 s3, $0x1  }
0xb: {  	s25 =	sadd.s32 $0x1000, s5;
	s9 =	sadd.s32 $0x2000, s5;
	s10 =	sadd.s32 $0x3000, s5  }
0xc: {  	s11 =	sadd.s32 $0x4000, s5;
	s12 =	sadd.s32 $0x5000, s5;
	s13 =	sadd.s32 $0x6000, s5  }
0xd: {  	s14 =	sadd.s32 $0x7000, s5;
	s15 =	sadd.s32 $0x8000, s5;
	s16 =	sadd.s32 $0x9000, s5  }
0xe: {  	s17 =	sadd.s32 $0xA000, s5;
	s18 =	sadd.s32 $0xB000, s5;
	s19 =	sadd.s32 $0xC000, s5  }
0xf: {  	s20 =	sadd.s32 $0xD000, s5;
	s21 =	sadd.s32 $0xE000, s5;
	[dreg:$0x4] =	wrdreg s24  }
0x10: {  	s0 =	sadd.s32 $0x31400, s0;
	[dreg:$0x5] =	wrdreg s25;
	s25 =	simm.s32 $0x1100  }
0x11: {  	[dreg:$0x3] =	wrdreg s0;
	s0 =	sadd.s32 s26, s22;
	s22 =	sadd.s32 $0xF000, s5  }
0x12: {  	v0 =	vimm.f32 $0.0e+00;
	s26 =	simm.s32 $0x2;
	s23 =	sadd.s32 $0x9BA00, s0;
	s24 =	sadd.s32 $0x93800, s0  }
.LBB2_1:
0x13: {  	s0 =	simm.s32 $0x80;
	s3 =	simm.s32 $0x0  }
.LBB2_2:
0x14: {  	p0 =	sne.s32 s0, $0x3F80;
	[tilespmem:s3+$0x1100] =	vst v0;
	s6 =	smov.u32 s0;
	s0 =	sadd.s32 $0x80, s0  }
.Ltmp0:
0x15: {  	[tilespmem:s3+$0x1110] =	vst v0;
	(pc) =	sbr.rel @p0 .LBB2_2-.Ltmp0, $2  }
0x16: {  	_ =	sdelay $0x2  }
0x17: {  	s3 =	sshra.s32 s6, $0x2  }
0x18: {  	[tilespmem:s3+$0x1100] =	vst v0  }
0x19: {  	[tilespmem:s3+$0x1110] =	vst v0  }
0x1a: {  	[spmem:s5] =	stream.linear.scatter [tilespmem:s25], [sflag:$0x2], $0x1000, $0x38;
	[tilespmem:$0x12100] =	vst v63  }
0x1b: {  	_ =	swait.ge [sflag:s26], $0x1000  }
0x1c: {  	[sflag:s26] =	ssyncset.done $0x0  }
0x1d: {  	s0 =	rddreg [dreg:$0x5];
	[sflag:s26] =	ssyncadd.s32 $0xFFFFF000  }
0x1e: {  	[spmem:s0] =	stream.linear.scatter [tilespmem:s25], [sflag:$0x2], $0x1000, $0x38;
	[tilespmem:$0x12100] =	vst v63  }
0x1f: {  	_ =	swait.ge [sflag:s26], $0x1000  }
0x20: {  	[sflag:s26] =	ssyncset.done $0x0  }
0x21: {  	[sflag:s26] =	ssyncadd.s32 $0xFFFFF000  }
0x22: {  	[spmem:s9] =	stream.linear.scatter [tilespmem:s25], [sflag:$0x2], $0x1000, $0x38;
	[tilespmem:$0x12100] =	vst v63  }
0x23: {  	_ =	swait.ge [sflag:s26], $0x1000  }
0x24: {  	[sflag:s26] =	ssyncset.done $0x0  }
0x25: {  	[sflag:s26] =	ssyncadd.s32 $0xFFFFF000  }
0x26: {  	[spmem:s10] =	stream.linear.scatter [tilespmem:s25], [sflag:$0x2], $0x1000, $0x38;
	[tilespmem:$0x12100] =	vst v63  }
0x27: {  	_ =	swait.ge [sflag:s26], $0x1000  }
0x28: {  	[sflag:s26] =	ssyncset.done $0x0  }
0x29: {  	[sflag:s26] =	ssyncadd.s32 $0xFFFFF000  }
0x2a: {  	[spmem:s11] =	stream.linear.scatter [tilespmem:s25], [sflag:$0x2], $0x1000, $0x38;
	[tilespmem:$0x12100] =	vst v63  }
0x2b: {  	_ =	swait.ge [sflag:s26], $0x1000  }
0x2c: {  	[sflag:s26] =	ssyncset.done $0x0  }
0x2d: {  	[sflag:s26] =	ssyncadd.s32 $0xFFFFF000  }
0x2e: {  	[spmem:s12] =	stream.linear.scatter [tilespmem:s25], [sflag:$0x2], $0x1000, $0x38;
	[tilespmem:$0x12100] =	vst v63  }
0x2f: {  	_ =	swait.ge [sflag:s26], $0x1000  }
0x30: {  	[sflag:s26] =	ssyncset.done $0x0  }
0x31: {  	[sflag:s26] =	ssyncadd.s32 $0xFFFFF000  }
0x32: {  	[spmem:s13] =	stream.linear.scatter [tilespmem:s25], [sflag:$0x2], $0x1000, $0x38;
	[tilespmem:$0x12100] =	vst v63  }
0x33: {  	_ =	swait.ge [sflag:s26], $0x1000  }
0x34: {  	[sflag:s26] =	ssyncset.done $0x0  }
0x35: {  	[sflag:s26] =	ssyncadd.s32 $0xFFFFF000  }
0x36: {  	[spmem:s14] =	stream.linear.scatter [tilespmem:s25], [sflag:$0x2], $0x1000, $0x38;
	[tilespmem:$0x12100] =	vst v63  }
0x37: {  	_ =	swait.ge [sflag:s26], $0x1000  }
0x38: {  	[sflag:s26] =	ssyncset.done $0x0  }
0x39: {  	[sflag:s26] =	ssyncadd.s32 $0xFFFFF000  }
0x3a: {  	[spmem:s15] =	stream.linear.scatter [tilespmem:s25], [sflag:$0x2], $0x1000, $0x38;
	[tilespmem:$0x12100] =	vst v63  }
0x3b: {  	_ =	swait.ge [sflag:s26], $0x1000  }
0x3c: {  	[sflag:s26] =	ssyncset.done $0x0  }
0x3d: {  	[sflag:s26] =	ssyncadd.s32 $0xFFFFF000  }
0x3e: {  	[spmem:s16] =	stream.linear.scatter [tilespmem:s25], [sflag:$0x2], $0x1000, $0x38;
	[tilespmem:$0x12100] =	vst v63  }
0x3f: {  	_ =	swait.ge [sflag:s26], $0x1000  }
0x40: {  	[sflag:s26] =	ssyncset.done $0x0  }
0x41: {  	[sflag:s26] =	ssyncadd.s32 $0xFFFFF000  }
0x42: {  	[spmem:s17] =	stream.linear.scatter [tilespmem:s25], [sflag:$0x2], $0x1000, $0x38;
	[tilespmem:$0x12100] =	vst v63  }
0x43: {  	_ =	swait.ge [sflag:s26], $0x1000  }
0x44: {  	[sflag:s26] =	ssyncset.done $0x0  }
0x45: {  	[sflag:s26] =	ssyncadd.s32 $0xFFFFF000  }
0x46: {  	[spmem:s18] =	stream.linear.scatter [tilespmem:s25], [sflag:$0x2], $0x1000, $0x38;
	[tilespmem:$0x12100] =	vst v63  }
0x47: {  	_ =	swait.ge [sflag:s26], $0x1000  }
0x48: {  	[sflag:s26] =	ssyncset.done $0x0  }
0x49: {  	[sflag:s26] =	ssyncadd.s32 $0xFFFFF000  }
0x4a: {  	[spmem:s19] =	stream.linear.scatter [tilespmem:s25], [sflag:$0x2], $0x1000, $0x38;
	[tilespmem:$0x12100] =	vst v63  }
0x4b: {  	_ =	swait.ge [sflag:s26], $0x1000  }
0x4c: {  	[sflag:s26] =	ssyncset.done $0x0  }
0x4d: {  	[sflag:s26] =	ssyncadd.s32 $0xFFFFF000  }
0x4e: {  	[spmem:s20] =	stream.linear.scatter [tilespmem:s25], [sflag:$0x2], $0x1000, $0x38;
	[tilespmem:$0x12100] =	vst v63  }
0x4f: {  	_ =	swait.ge [sflag:s26], $0x1000  }
0x50: {  	[sflag:s26] =	ssyncset.done $0x0  }
0x51: {  	[sflag:s26] =	ssyncadd.s32 $0xFFFFF000  }
0x52: {  	[spmem:s21] =	stream.linear.scatter [tilespmem:s25], [sflag:$0x2], $0x1000, $0x38;
	[tilespmem:$0x12100] =	vst v63  }
0x53: {  	_ =	swait.ge [sflag:s26], $0x1000  }
0x54: {  	[sflag:s26] =	ssyncset.done $0x0  }
0x55: {  	[sflag:s26] =	ssyncadd.s32 $0xFFFFF000  }
0x56: {  	[spmem:s22] =	stream.linear.scatter [tilespmem:s25], [sflag:$0x2], $0x1000, $0x38;
	[tilespmem:$0x12100] =	vst v63  }
0x57: {  	_ =	swait.ge [sflag:s26], $0x1000  }
0x58: {  	[sflag:s26] =	ssyncset.done $0x0  }
0x59: {  	[sflag:s26] =	ssyncadd.s32 $0xFFFFF000  }
0x5a: {  	s7 =	sadd.s32 $0x0, s24;
	[bflag:$0x0] =	sbarrier.arrive $0xFFFF  }
0x5b: {  	[tilespmem:s2], [sflag:$0x2] =	stream.linear.gather [hbm4b:s7+s2], $0x80, $0x38;
	[tilespmem:$0x12100] =	vst v63  }
0x5c: {  	_ =	swait.ge [sflag:s26], $0x80  }
0x5d: {  	[sflag:s26] =	ssyncset.done $0x0  }
0x5e: {  	s8 =	sadd.s32 $0x0, s23;
	[sflag:s26] =	ssyncadd.s32 $0xFFFFFF80  }
0x5f: {  	[tilespmem:s28], [sflag:$0x2] =	stream.linear.gather [hbm4b:s8+s2], $0x80, $0x38;
	[tilespmem:$0x12100] =	vst v63  }
0x60: {  	_ =	swait.ge [sflag:s26], $0x80  }
0x61: {  	[sflag:s26] =	ssyncset.done $0x0  }
0x62: {  	[sflag:s26] =	ssyncadd.s32 $0xFFFFFF80  }
0x63: {  	[tilespmem:s29], [sflag:$0x1] =	stream.indirect.gather [hbm4b:s4+s28], $0x20, s2, s28, $0xb8;
	[tilespmem:$0x12100] =	vst v63  }
0x64: {  	_ =	swait.ge [sflag:s30], $0x1000  }
0x65: {  	[sflag:s30] =	ssyncset.done $0x0  }
0x66: {  	[sflag:s30] =	ssyncadd.s32 $0xFFFFF000  }
0x67: {  	[spmem:s1] =	stream.indirect.scatter.add.f32 [tilespmem:s29], [sflag:$0x2], $0x20, s28, s28, $0xb8;
	[tilespmem:$0x12100] =	vst v63  }
0x68: {  	_ =	swait.ge [sflag:s26], $0x1000  }
0x69: {  	s3 =	simm.s32 $0x20;
	s0 =	simm.s32 $0x10;
	[sflag:s26] =	ssyncset.done $0x0  }
.LBB2_4:
0x6a: {  	s6 =	sadd.s32 s0, s24  }
0x6b: {  	[sflag:s26] =	ssyncadd.s32 $0xFFFFF000;
	s7 =	smov.u32 s3;
	s8 =	sadd.s32 $0x10, s3  }
0x6c: {  	[tilespmem:s2], [sflag:$0x2] =	stream.linear.gather [hbm4b:s6+s2], $0x80, $0x38;
	[tilespmem:$0x12100] =	vst v63  }
0x6d: {  	p0 =	sne.s32 s3, $0x400;
	_ =	swait.ge [sflag:s26], $0x80  }
0x6e: {  	[sflag:s26] =	ssyncset.done $0x0  }
0x6f: {  	s3 =	sadd.s32 s0, s23;
	s0 =	smov.u32 s7;
	[sflag:s26] =	ssyncadd.s32 $0xFFFFFF80  }
0x70: {  	[tilespmem:s28], [sflag:$0x2] =	stream.linear.gather [hbm4b:s3+s2], $0x80, $0x38;
	[tilespmem:$0x12100] =	vst v63  }
0x71: {  	_ =	swait.ge [sflag:s26], $0x80  }
0x72: {  	[sflag:s26] =	ssyncset.done $0x0  }
0x73: {  	[sflag:s26] =	ssyncadd.s32 $0xFFFFFF80  }
0x74: {  	[tilespmem:s29], [sflag:$0x1] =	stream.indirect.gather [hbm4b:s4+s28], $0x20, s2, s28, $0xb8;
	[tilespmem:$0x12100] =	vst v63  }
0x75: {  	_ =	swait.ge [sflag:s30], $0x1000  }
.Ltmp1:
0x76: {  	[sflag:s30] =	ssyncset.done $0x0;
	(pc) =	sbr.rel @p0 .LBB2_4-.Ltmp1, $4  }
0x77: {  	[sflag:s30] =	ssyncadd.s32 $0xFFFFF000  }
0x78: {  	[spmem:s1] =	stream.indirect.scatter.add.f32 [tilespmem:s29], [sflag:$0x2], $0x20, s28, s28, $0xb8;
	[tilespmem:$0x12100] =	vst v63  }
0x79: {  	_ =	swait.ge [sflag:s26], $0x1000  }
0x7a: {  	s3 =	smov.u32 s8;
	[sflag:s26] =	ssyncset.done $0x0  }
0x7b: {  	s3 =	sadd.s32 s0, s24;
	[sflag:s26] =	ssyncadd.s32 $0xFFFFF000  }
0x7c: {  	[tilespmem:s2], [sflag:$0x2] =	stream.linear.gather [hbm4b:s3+s2], $0x80, $0x38;
	[tilespmem:$0x12100] =	vst v63  }
0x7d: {  	_ =	swait.ge [sflag:s26], $0x80  }
0x7e: {  	[sflag:s26] =	ssyncset.done $0x0  }
0x7f: {  	s3 =	sadd.s32 s0, s23;
	[sflag:s26] =	ssyncadd.s32 $0xFFFFFF80  }
0x80: {  	[tilespmem:s28], [sflag:$0x2] =	stream.linear.gather [hbm4b:s3+s2], $0x80, $0x38;
	[tilespmem:$0x12100] =	vst v63  }
0x81: {  	_ =	swait.ge [sflag:s26], $0x80  }
0x82: {  	[sflag:s26] =	ssyncset.done $0x0  }
0x83: {  	[sflag:s26] =	ssyncadd.s32 $0xFFFFFF80  }
0x84: {  	[tilespmem:s29], [sflag:$0x1] =	stream.indirect.gather [hbm4b:s4+s28], $0x20, s2, s28, $0xb8;
	[tilespmem:$0x12100] =	vst v63  }
0x85: {  	_ =	swait.ge [sflag:s30], $0x1000  }
0x86: {  	[sflag:s30] =	ssyncset.done $0x0  }
0x87: {  	[sflag:s30] =	ssyncadd.s32 $0xFFFFF000  }
0x88: {  	[spmem:s1] =	stream.indirect.scatter.add.f32 [tilespmem:s29], [sflag:$0x2], $0x20, s28, s28, $0xb8;
	[tilespmem:$0x12100] =	vst v63  }
0x89: {  	_ =	swait.ge [sflag:s26], $0x1000  }
0x8a: {  	[sflag:s26] =	ssyncset.done $0x0  }
0x8b: {  	s6 =	stileid.u32;
	[sflag:s26] =	ssyncadd.s32 $0xFFFFF000  }
0x8c: {  	s0 =	sshll.u32 s6, $0x6;
	[bflag:$0x0] =	sbarrier.arrive $0xFFFF  }
0x8d: {  	s7 =	sshrl.u32 s5, $0x3;
	s0 =	sor.u32 $0x1C02, s0;
	s6 =	rddreg [dreg:$0x3]  }
0x8e: {  	[hbm:s6], [sflag:s0] =	dma.local [spmem:s7], $0x2000  }
0x8f: {  	_ =	swait.ge [sflag:s26], $0x2000  }
0x90: {  	s31 =	sadd.s32 $0x1, s31;
	s8 =	rddreg [dreg:$0x4]  }
0x91: {  	p0 =	sne.s32 s31, s8  }
.Ltmp2:
0x92: {  	_ = 	snop;
	(pc) =	sbr.rel @p0 .LBB2_1-.Ltmp2, $3  }
0x93: {  	_ =	sdelay $0x1  }
0x94: {  	[sflag:s26] =	ssyncset.done $0x0  }
0x95: {  	[sflag:s26] =	ssyncadd.s32 $0xFFFFE000  }
0x96: {  	_ =	sfence.sel $0x180000  }
0x97: {  	[bflag:$0x0] =	sbarrier.arrive $0xFFFF  }
0x98: {  	_ =	strace $0x9000004A  }
0x99: {  	s0 =	stileid.u32;
	[bflag:$0x2] =	sbarrier.arrive $0xFFFF  }
0x9a: {  	p0 =	sne.s32 s0, $0x0;
	s0 =	rddreg [dreg:$0x2]  }
0x9b: {  	s0 =	sadd.s32 @!p0 $0x100000, s0  }
0x9c: {  	[sflag:s0] =	ssyncadd.tile.s32 @!p0 $0x1;
	_ =	shalt  }
.Lfunc_end2:
_tile_overlayer_lowered:
.L_overlay_start_2:
0x9d: {  	(tag) =	ssettag $0x2  }
0x9e: {  	s0 =	rddreg [dreg:$0x0];
	s2 =	stileid.u32  }
0x9f: {  	s1 =	rddreg [dreg:$0x1];
	p0 =	sne.s32 s2, $0x0  }
0xa0: {  	s3 =	rddreg [dreg:$0x2];
	[bflag:$0x3] =	sbarrier.arrive $0xFFFF;
	s2 =	simm.s32 @!p0 $0x1C02  }
0xa1: {  	[timem:s3], [sflag:s2] =	dma.local @!p0 [hbm:s0], s1  }
0xa2: {  	s0 =	simm.s32 @!p0 $0x2  }
0xa3: {  	_ =	swait.ge @!p0 [sflag:s0], s1  }
0xa4: {  	s1 =	ssub.s32 @!p0 $0x0, s1;
	[sflag:s0] =	ssyncset.done @!p0 $0x0  }
0xa5: {  	[sflag:s0] =	ssyncadd.s32 @!p0 s1  }
0xa6: {  	[bflag:$0x3] =	sbarrier.arrive $0xFFFF  }
0xa7: {  	_ =	shalt  }

// kernel: kernel.27.cloned.1.call-start
scs
__scs_entry_jumppad:
0x0: {  	(pc) =	sbr.rel $0x88, $3  }
0x1: {  	(tag) =	ssettag $0x0;
	lr =	simm.s32 $0x1  }
0x2: {  	[smem:$0x3F87] =	sst lr;
	_ =	strace $0xD0000000  }
0x3: {  	_ = 	snop  }
0x4: {  	_ = 	snop  }
0x5: {  	_ = 	snop  }
0x6: {  	_ = 	snop  }
0x7: {  	_ = 	snop  }
__scs_overlays_trampoline_lowered:
0x8: {  	[smem:$0x3F96] =	sst s0  }
0x9: {  	[smem:$0x3F97] =	sst s1  }
0xa: {  	[smem:$0x3F98] =	sst s2  }
0xb: {  	[smem:$0x3F99] =	sst s3  }
0xc: {  	[smem:$0x3F9A] =	sst s4  }
0xd: {  	[smem:$0x3F9B] =	sst s5  }
0xe: {  	[smem:$0x3F9C] =	sst s6  }
0xf: {  	[smem:$0x3F9D] =	sst s7  }
0x10: {  	[smem:$0x3F9E] =	sst s8  }
0x11: {  	[smem:$0x3F9F] =	sst s9;
	s0 =	simm.s32 @!p0 $0x0  }
0x12: {  	s1 =	sld [smem:$0x3F85];
	s0 =	simm.s32 @p0 $0x1  }
0x13: {  	[smem:$0x3FA0] =	sst s0;
	s0 =	simm.s32 @!p1 $0x0  }
0x14: {  	s2 =	sld [smem:$0x3F84];
	s0 =	simm.s32 @p1 $0x1  }
0x15: {  	[smem:$0x3FA1] =	sst s0;
	s0 =	simm.s32 @!p2 $0x0  }
0x16: {  	s3 =	sld [smem:$0x3FDB];
	s0 =	simm.s32 @p2 $0x1  }
0x17: {  	s4 =	simm.s32 $0x1BF5;
	[smem:$0x3FA3] =	sst s0  }
0x18: {  	s0 =	sld [smem:$0x3F86];
	_ =	swait.ge [sflag:s4], $0x0  }
0x19: {  	s7 =	sld [smem:$0x3F87]  }
0x1a: {  	s8 =	sadd.s32 $0xFFFFE003, lr  }
0x1b: {  	s9 =	sadd.s32 $0xFFFFFEF7, lr;
	s5 =	simm.s32 $0xFFFFFFFF;
	p2 =	slt.u32 s8, $0xFFFFF086  }
0x1c: {  	p1 =	slt.u32 s9, $0xF7A;
	s5 =	simm.s32 @!p2 $0x0  }
0x1d: {  	s5 =	simm.s32 @p1 $0x1;
	p0 =	seq.s32 s7, s2  }
0x1e: {  	s7 =	smul.u32 @!p0 $0xF7A, s2;
	p2 =	seq.s32 @!p0 s5, $0x0  }
0x1f: {  	s9 =	smul.u32 $0xF7A, s1;
	s8 =	simm.s32 @!p0 $0x1BF5;
	p2 =	por !p2, p0  }
0x20: {  	[sflag:s8] =	ssyncset.s32 @!p0 $0xFFFFF086;
	s6 =	sadd.s32 @!p0 s3, s7;
	s7 =	simm.s32 @!p0 $0x108  }
0x21: {  	s3 =	sadd.s32 s3, s9;
	s6 =	sadd.s32 @!p0 $0x88, s6;
	s7 =	simm.s32 @p2 $0x1082  }
0x22: {  	[simem:s7], [sflag:s8] =	dma.local @!p0 [hbm:s6], $0xF7A  }
0x23: {  	s9 =	sor.u32 $0xD0000000, s2;
	s6 =	simm.s32 $0x108;
	_ =	swait.ge @!p0 [sflag:s8], $0x0  }
0x24: {  	s3 =	sadd.s32 $0x88, s3;
	s6 =	simm.s32 @!p1 $0x1082;
	[sflag:s4] =	ssyncset.s32 $0xFFFFF086  }
0x25: {  	[simem:s6], [sflag:s4] =	dma.local [hbm:s3], $0xF7A  }
0x26: {  	[smem:$0x3F87] =	sst s1;
	(tag) =	ssettag s2;
	_ =	strace s9  }
0x27: {  	s1 =	sld [smem:$0x3F97]  }
0x28: {  	s2 =	sld [smem:$0x3F98]  }
0x29: {  	s4 =	sld [smem:$0x3F9A]  }
0x2a: {  	p0 =	seq.s32 s5, $0x0;
	s5 =	sld [smem:$0x3F9B]  }
0x2b: {  	s6 =	sld [smem:$0x3F9C]  }
0x2c: {  	s7 =	sld [smem:$0x3F9D]  }
0x2d: {  	s3 =	simm.s32 $0x108;
	s8 =	sld [smem:$0x3F9E]  }
0x2e: {  	s3 =	simm.s32 @!p0 $0x1082;
	s9 =	sld [smem:$0x3F9F]  }
0x2f: {  	lr =	sadd.s32 s0, s3;
	s0 =	sld [smem:$0x3F96]  }
0x30: {  	s3 =	sld [smem:$0x3F99]  }
0x31: {  	[smem:$0x3FA2] =	sst s10  }
0x32: {  	s10 =	sld [smem:$0x3FA0];
	_ =	sdelay $0x3  }
0x33: {  	p0 =	seq.s32 s10, $0x1;
	s10 =	sld [smem:$0x3FA2];
	_ =	sdelay $0x3  }
0x34: {  	[smem:$0x3FA2] =	sst s10  }
0x35: {  	s10 =	sld [smem:$0x3FA1];
	_ =	sdelay $0x3  }
0x36: {  	p1 =	seq.s32 s10, $0x1;
	s10 =	sld [smem:$0x3FA2];
	_ =	sdelay $0x3  }
0x37: {  	[smem:$0x3FA2] =	sst s10  }
0x38: {  	s10 =	sld [smem:$0x3FA3]  }
0x39: {  	_ = 	snop;
	(pc) =	sbr.ind lr, $3  }
0x3a: {  	_ = 	snop  }
0x3b: {  	_ = 	snop  }
0x3c: {  	p2 =	seq.s32 s10, $0x1;
	s10 =	sld [smem:$0x3FA2]  }
0x3d: {  	_ =	shalt  }
0x3e: {  	_ =	shalt  }
0x3f: {  	_ =	shalt  }
0x40: {  	_ =	shalt  }
0x41: {  	_ =	shalt  }
0x42: {  	_ =	shalt  }
0x43: {  	_ =	shalt  }
0x44: {  	_ =	shalt  }
0x45: {  	_ =	shalt  }
0x46: {  	_ =	shalt  }
0x47: {  	_ =	shalt  }
0x48: {  	_ =	shalt  }
0x49: {  	_ =	shalt  }
0x4a: {  	_ =	shalt  }
0x4b: {  	_ =	shalt  }
0x4c: {  	_ =	shalt  }
0x4d: {  	_ =	shalt  }
0x4e: {  	_ =	shalt  }
0x4f: {  	_ =	shalt  }
0x50: {  	_ =	shalt  }
0x51: {  	_ =	shalt  }
0x52: {  	_ =	shalt  }
0x53: {  	_ =	shalt  }
0x54: {  	_ =	shalt  }
0x55: {  	_ =	shalt  }
0x56: {  	_ =	shalt  }
0x57: {  	_ =	shalt  }
0x58: {  	_ =	shalt  }
0x59: {  	_ =	shalt  }
0x5a: {  	_ =	shalt  }
0x5b: {  	_ =	shalt  }
0x5c: {  	_ =	shalt  }
0x5d: {  	_ =	shalt  }
0x5e: {  	_ =	shalt  }
0x5f: {  	_ =	shalt  }
0x60: {  	_ =	shalt  }
0x61: {  	_ =	shalt  }
0x62: {  	_ =	shalt  }
0x63: {  	_ =	shalt  }
0x64: {  	_ =	shalt  }
0x65: {  	_ =	shalt  }
0x66: {  	_ =	shalt  }
0x67: {  	_ =	shalt  }
0x68: {  	_ =	shalt  }
0x69: {  	_ =	shalt  }
0x6a: {  	_ =	shalt  }
0x6b: {  	_ =	shalt  }
0x6c: {  	_ =	shalt  }
0x6d: {  	_ =	shalt  }
0x6e: {  	_ =	shalt  }
0x6f: {  	_ =	shalt  }
0x70: {  	_ =	shalt  }
0x71: {  	_ =	shalt  }
0x72: {  	_ =	shalt  }
0x73: {  	_ =	shalt  }
0x74: {  	_ =	shalt  }
0x75: {  	_ =	shalt  }
0x76: {  	_ =	shalt  }
0x77: {  	_ =	shalt  }
0x78: {  	_ =	shalt  }
0x79: {  	_ =	shalt  }
0x7a: {  	_ =	shalt  }
0x7b: {  	_ =	shalt  }
0x7c: {  	_ =	shalt  }
0x7d: {  	_ =	shalt  }
0x7e: {  	_ =	shalt  }
0x7f: {  	_ =	shalt  }
0x80: {  	_ =	shalt  }
0x81: {  	_ =	shalt  }
0x82: {  	_ =	shalt  }
0x83: {  	_ =	shalt  }
0x84: {  	_ =	shalt  }
0x85: {  	_ =	shalt  }
0x86: {  	_ =	shalt  }
0x87: {  	_ =	shalt  }
.Lfunc_end0:
.L_simem_size_0:
called_computation.2_lowered:
.L_overlay_start_0:
0x88: {  	s2 =	sld [smem:$0x3FD9]  }
0x89: {  	s3 =	sld [smem:$0x3FFE];
	_ =	sdelay $0x1  }
0x8a: {  	s1 =	srdreg.scid  }
0x8b: {  	s0 =	sand.u32 $0x1, s1  }
0x8c: {  	s17 =	sshll.u32 s0, $0xA;
	s2 =	sadd.s32 s3, s2  }
0x8d: {  	s2 =	sadd.s32 s2, s17  }
0x8e: {  	[smem:$0x3FAE] =	sst s2  }
0x8f: {  	_ = 	snop  }
0x90: {  	s2 =	sld [smem:$0x3FD0];
	(tm) =	ssettm $0x1  }
0x91: {  	s18 =	sld [smem:$0x3FFB];
	_ =	sdelay $0x3  }
0x92: {  	_ =	strace s18  }
0x93: {  	s3 =	sld [smem:$0x3FFC];
	_ =	sdelay $0x3  }
0x94: {  	_ =	strace s3  }
0x95: {  	s3 =	sld [smem:$0x3FFD];
	_ =	sdelay $0x3  }
0x96: {  	_ =	strace s3  }
0x97: {  	_ =	strace $0x8FFFFFFF  }
0x98: {  	s19 =	sld [smem:$0x3FDB];
	_ =	sdelay $0x1  }
0x99: {  	s4 =	simm.s32 $_scs_section_size  }
0x9a: {  	s5 =	simm.s32 $_size__tile_overlayer_lowered;
	s6 =	simm.s32 $_tile_overlayer_lowered  }
0x9b: {  	s22 =	simm.s32 $0x1BFF;
	s21 =	sshll.u32 s6, $0x1;
	s3 =	sadd.s32 s4, s19  }
0x9c: {  	s7 =	simm.s32 $0x0;
	s20 =	sshll.u32 s5, $0x1;
	s5 =	sadd.s32 s21, s3  }
0x9d: {  	[timem:s7], [sflag:s22] =	dma.local [hbm:s5], s20  }
0x9e: {  	_ =	swait.ge [sflag:s22], s20  }
0x9f: {  	s4 =	ssub.s32 $0x0, s20;
	[sflag:s22] =	ssyncset.done $0x0  }
0xa0: {  	[sflag:s22] =	ssyncadd.s32 s4;
	_ =	sdelay $0x1  }
0xa1: {  	s23 =	simm.s32 $0x1B8B  }
0xa2: {  	_ =	swait.ge [sflag:s23], $0x1  }
0xa3: {  	[sflag:s23] =	ssyncset.done $0x0  }
0xa4: {  	s25 =	simm.s32 $0x1B8E;
	s24 =	sld [smem:$0x3FFE];
	[sflag:s23] =	ssyncadd.s32 $0xFFFFFFFF  }
0xa5: {  	s26 =	simm.s32 $execute0_lowered;
	[smem:$0x3FD2] =	sst s25  }
0xa6: {  	s5 =	sshll.u32 s26, $0x1;
	_ =	strace $0x8000004C;
	[dreg:$0x1] =	wrdreg $0xFFFFFFFF  }
0xa7: {  	s28 =	simm.s32 $_size_execute0_lowered;
	s3 =	sadd.s32 s3, s5;
	[dreg:$0x0] =	wrdreg $0x0  }
0xa8: {  	s5 =	sshll.u32 s28, $0x1;
	[dreg:$0x2] =	wrdreg s3  }
0xa9: {  	[dreg:$0x3] =	wrdreg s5  }
0xaa: {  	[dreg:$0x4] =	wrdreg $0xC0  }
0xab: {  	_ =	task [dreg:s7], $0x5FFFF  }
0xac: {  	[dreg:$0x1] =	wrdreg $0xFFFFFFFF  }
0xad: {  	[dreg:$0x0] =	wrdreg $0x60  }
0xae: {  	[dreg:$0x2] =	wrdreg s24  }
0xaf: {  	[dreg:$0x3] =	wrdreg s2  }
0xb0: {  	[dreg:$0x4] =	wrdreg $0x41000  }
0xb1: {  	[dreg:$0x5] =	wrdreg $0x9  }
0xb2: {  	_ =	task.clear_ibuf [dreg:s7], $0x6FFFF;
	_ =	strace $0x9000004C  }
0xb3: {  	s29 =	simm.s32 $0x9;
	_ =	strace $0x8000004E  }
0xb4: {  	_ =	swait.ge [sflag:s29], $0x1  }
0xb5: {  	[sflag:s29] =	ssyncadd.s32 $0xFFFFFFFF  }
0xb6: {  	_ =	strace $0x9000004E  }
0xb7: {  	_ =	sfence  }
0xb8: {  	s30 =	sld [smem:$0x0];
	_ =	sdelay $0x2  }
0xb9: {  	s31 =	sshll.u32 s1, $0xD;
	s1 =	sshrl.u32 s1, $0x2  }
0xba: {  	s3 =	sand.u32 $0x4000, s31;
	s1 =	sadd.s32 s1, s30  }
0xbb: {  	s0 =	sor.u32 s3, s0;
	s1 =	sshll.u32 s1, $0x11  }
0xbc: {  	s0 =	sor.u32 s1, s0  }
0xbd: {  	s0 =	sadd.s32 $0x8F2B, s0  }
0xbe: {  	[sflag:s0] =	ssyncadd.remote.s32 $0x1  }
0xbf: {  	_ =	sfence.sel $0xFFFF  }
0xc0: {  	[dreg:$0x0] =	wrdreg $0xFFFFFFFF;
	(pc) =	sbr.abs _section_cstart, $3  }
0xc1: {  	[dreg:$0x1] =	wrdreg $0xFFFFFFFF  }
0xc2: {  	_ =	task.clear_ibuf [dreg:s7], $0x2FFFF;
	_ =	strace $0x9FFFFFFF  }
0xc3: {  	(tm) =	ssettm $0x7FFFFFFF  }
tec
execute0_lowered:
.L_overlay_start_1:
0x0: {  	(tag) =	ssettag $0x1  }
0x1: {  	s9 =	rddreg [dreg:$0x0]  }
0x2: {  	s10 =	rddreg [dreg:$0x1]  }
0x3: {  	s1 =	rddreg [dreg:$0x2];
	s2 =	srdreg.scid  }
0x4: {  	s0 =	rddreg [dreg:$0x3];
	s7 =	sand.u32 $0x1, s2  }
0x5: {  	s3 =	simm.s32 $0x0;
	s2 =	stileid.u32;
	s4 =	smul.u32 $0x60000, s7  }
0x6: {  	s14 =	simm.s32 $0x80;
	s15 =	simm.s32 $0x100;
	s8 =	smul.u32 $0x6000, s2  }
0x7: {  	s16 =	simm.s32 $0x1;
	[smem:$0x7FF] =	sst s3;
	s11 =	smul.u32 $0x18000, s2  }
0x8: {  	s19 =	simm.s32 $0x0;
	_ =	strace $0x8000004D;
	s29 =	smul.u32 $0x1900, s7  }
0x9: {  	s6 =	ssub.s32 $0x2, s7;
	s30 =	smul.u32 $0x190, s2;
	s17 =	sshll.u32 s2, $0x6  }
0xa: {  	s12 =	sshrl.u32 s6, $0x1;
	s17 =	sor.u32 $0x1C02, s17;
	s5 =	sadd.s32 s8, s4  }
0xb: {  	s4 =	sadd.s32 $0xD73C00, s9;
	s12 =	ssub.s32 s6, s12;
	s28 =	sshrl.u32 s11, $0x2  }
0xc: {  	s18 =	sadd.s32 s8, s1;
	s31 =	sadd.s32 s29, s9;
	s11 =	sadd.s32 s29, s10  }
0xd: {  	s5 =	sshrl.u32 s5, $0x3;
	s7 =	smax.u32 s12, $0x1;
	s10 =	sadd.s32 s30, s31  }
0xe: {  	s11 =	sadd.s32 s30, s11;
	s12 =	simm.s32 $0x2100;
	s13 =	sadd.s32 s5, s9  }
0xf: {  	s18 =	sshrl.u32 s18, $0x3;
	s5 =	sadd.s32 s28, s1;
	s6 =	sadd.s32 $0x31400, s13  }
0x10: {  	v0 =	vimm.f32 $0.0e+00;
	s8 =	sadd.s32 $0x2000, s5;
	s9 =	sadd.s32 $0x4000, s5;
	s13 =	simm.s32 $0x2  }
.LBB2_1:
0x11: {  	s21 =	simm.s32 $0x100;
	s20 =	simm.s32 $0x0  }
.LBB2_2:
0x12: {  	p0 =	sne.s32 s21, $0x7F00;
	[tilespmem:s20+$0x2130] =	vst v0;
	s22 =	smov.u32 s21;
	s21 =	sadd.s32 $0x100, s21  }
.Ltmp0:
0x13: {  	[tilespmem:s20+$0x2120] =	vst v0;
	(pc) =	sbr.rel @p0 .LBB2_2-.Ltmp0, $3  }
0x14: {  	[tilespmem:s20+$0x2100] =	vst v0  }
0x15: {  	[tilespmem:s20+$0x2110] =	vst v0;
	_ =	sdelay $0x1  }
0x16: {  	s20 =	sshra.s32 s22, $0x2  }
0x17: {  	[tilespmem:s20+$0x2130] =	vst v0  }
0x18: {  	[tilespmem:s20+$0x2120] =	vst v0  }
0x19: {  	[tilespmem:s20+$0x2100] =	vst v0  }
0x1a: {  	[tilespmem:s20+$0x2110] =	vst v0  }
0x1b: {  	[spmem:s5] =	stream.linear.scatter [tilespmem:s12], [sflag:$0x2], $0x2000, $0x38;
	[tilespmem:$0xA100] =	vst v63  }
0x1c: {  	_ =	swait.ge [sflag:s13], $0x2000  }
0x1d: {  	[sflag:s13] =	ssyncset.done $0x0  }
0x1e: {  	[sflag:s13] =	ssyncadd.s32 $0xFFFFE000  }
0x1f: {  	[spmem:s8] =	stream.linear.scatter [tilespmem:s12], [sflag:$0x2], $0x2000, $0x38;
	[tilespmem:$0xA100] =	vst v63  }
0x20: {  	_ =	swait.ge [sflag:s13], $0x2000  }
0x21: {  	[sflag:s13] =	ssyncset.done $0x0  }
0x22: {  	[sflag:s13] =	ssyncadd.s32 $0xFFFFE000  }
0x23: {  	[spmem:s9] =	stream.linear.scatter [tilespmem:s12], [sflag:$0x2], $0x2000, $0x38;
	[tilespmem:$0xA100] =	vst v63  }
0x24: {  	_ =	swait.ge [sflag:s13], $0x2000  }
0x25: {  	[sflag:s13] =	ssyncset.done $0x0  }
0x26: {  	[sflag:s13] =	ssyncadd.s32 $0xFFFFE000  }
0x27: {  	s30 =	sadd.s32 $0x0, s11;
	[bflag:$0x0] =	sbarrier.arrive $0xFFFF  }
0x28: {  	[tilespmem:s3], [sflag:$0x2] =	stream.linear.gather [hbm4b:s30+s3], $0x80, $0x38;
	[tilespmem:$0xA100] =	vst v63  }
0x29: {  	_ =	swait.ge [sflag:s13], $0x80  }
0x2a: {  	[sflag:s13] =	ssyncset.done $0x0  }
0x2b: {  	s31 =	sadd.s32 $0x0, s10;
	[sflag:s13] =	ssyncadd.s32 $0xFFFFFF80  }
0x2c: {  	[tilespmem:s14], [sflag:$0x2] =	stream.linear.gather [hbm4b:s31+s3], $0x80, $0x38;
	[tilespmem:$0xA100] =	vst v63  }
0x2d: {  	_ =	swait.ge [sflag:s13], $0x80  }
0x2e: {  	[sflag:s13] =	ssyncset.done $0x0  }
0x2f: {  	[sflag:s13] =	ssyncadd.s32 $0xFFFFFF80  }
0x30: {  	[tilespmem:s15], [sflag:$0x1] =	stream.indirect.gather [hbm4b:s4+s14], $0x40, s3, s14, $0xb8;
	[tilespmem:$0xA100] =	vst v63  }
0x31: {  	_ =	swait.ge [sflag:s16], $0x2000  }
0x32: {  	[sflag:s16] =	ssyncset.done $0x0  }
0x33: {  	[sflag:s16] =	ssyncadd.s32 $0xFFFFE000  }
0x34: {  	[spmem:s1] =	stream.indirect.scatter.add.f32 [tilespmem:s15], [sflag:$0x2], $0x40, s14, s14, $0xb8;
	[tilespmem:$0xA100] =	vst v63  }
0x35: {  	_ =	swait.ge [sflag:s13], $0x2000  }
0x36: {  	s20 =	simm.s32 $0x10;
	s21 =	simm.s32 $0x20;
	[sflag:s13] =	ssyncset.done $0x0  }
.LBB2_4:
0x37: {  	s22 =	sadd.s32 s20, s11  }
0x38: {  	[sflag:s13] =	ssyncadd.s32 $0xFFFFE000;
	s23 =	smov.u32 s21;
	s24 =	sadd.s32 $0x10, s21  }
0x39: {  	[tilespmem:s3], [sflag:$0x2] =	stream.linear.gather [hbm4b:s22+s3], $0x80, $0x38;
	[tilespmem:$0xA100] =	vst v63  }
0x3a: {  	p0 =	sne.s32 s21, $0x180;
	_ =	swait.ge [sflag:s13], $0x80  }
0x3b: {  	[sflag:s13] =	ssyncset.done $0x0  }
0x3c: {  	s21 =	sadd.s32 s20, s10;
	s20 =	smov.u32 s23;
	[sflag:s13] =	ssyncadd.s32 $0xFFFFFF80  }
0x3d: {  	[tilespmem:s14], [sflag:$0x2] =	stream.linear.gather [hbm4b:s21+s3], $0x80, $0x38;
	[tilespmem:$0xA100] =	vst v63  }
0x3e: {  	_ =	swait.ge [sflag:s13], $0x80  }
0x3f: {  	[sflag:s13] =	ssyncset.done $0x0  }
0x40: {  	[sflag:s13] =	ssyncadd.s32 $0xFFFFFF80  }
0x41: {  	[tilespmem:s15], [sflag:$0x1] =	stream.indirect.gather [hbm4b:s4+s14], $0x40, s3, s14, $0xb8;
	[tilespmem:$0xA100] =	vst v63  }
0x42: {  	_ =	swait.ge [sflag:s16], $0x2000  }
.Ltmp1:
0x43: {  	[sflag:s16] =	ssyncset.done $0x0;
	(pc) =	sbr.rel @p0 .LBB2_4-.Ltmp1, $4  }
0x44: {  	[sflag:s16] =	ssyncadd.s32 $0xFFFFE000  }
0x45: {  	[spmem:s1] =	stream.indirect.scatter.add.f32 [tilespmem:s15], [sflag:$0x2], $0x40, s14, s14, $0xb8;
	[tilespmem:$0xA100] =	vst v63  }
0x46: {  	_ =	swait.ge [sflag:s13], $0x2000  }
0x47: {  	s21 =	smov.u32 s24;
	[sflag:s13] =	ssyncset.done $0x0  }
0x48: {  	s21 =	sadd.s32 s20, s11;
	[sflag:s13] =	ssyncadd.s32 $0xFFFFE000  }
0x49: {  	[tilespmem:s3], [sflag:$0x2] =	stream.linear.gather [hbm4b:s21+s3], $0x80, $0x38;
	[tilespmem:$0xA100] =	vst v63  }
0x4a: {  	_ =	swait.ge [sflag:s13], $0x80  }
0x4b: {  	[sflag:s13] =	ssyncset.done $0x0  }
0x4c: {  	s31 =	sadd.s32 s20, s10;
	[sflag:s13] =	ssyncadd.s32 $0xFFFFFF80  }
0x4d: {  	[tilespmem:s14], [sflag:$0x2] =	stream.linear.gather [hbm4b:s31+s3], $0x80, $0x38;
	[tilespmem:$0xA100] =	vst v63  }
0x4e: {  	_ =	swait.ge [sflag:s13], $0x80  }
0x4f: {  	[sflag:s13] =	ssyncset.done $0x0  }
0x50: {  	[sflag:s13] =	ssyncadd.s32 $0xFFFFFF80  }
0x51: {  	[tilespmem:s15], [sflag:$0x1] =	stream.indirect.gather [hbm4b:s4+s14], $0x40, s3, s14, $0xb8;
	[tilespmem:$0xA100] =	vst v63  }
0x52: {  	_ =	swait.ge [sflag:s16], $0x2000  }
0x53: {  	[sflag:s16] =	ssyncset.done $0x0  }
0x54: {  	[sflag:s16] =	ssyncadd.s32 $0xFFFFE000  }
0x55: {  	[spmem:s1] =	stream.indirect.scatter.add.f32 [tilespmem:s15], [sflag:$0x2], $0x40, s14, s14, $0xb8;
	[tilespmem:$0xA100] =	vst v63  }
0x56: {  	_ =	swait.ge [sflag:s13], $0x2000  }
0x57: {  	s19 =	sadd.s32 $0x1, s19;
	[sflag:s13] =	ssyncset.done $0x0  }
0x58: {  	p0 =	sne.s32 s19, s7;
	[sflag:s13] =	ssyncadd.s32 $0xFFFFE000  }
.Ltmp2:
0x59: {  	[bflag:$0x0] =	sbarrier.arrive $0xFFFF;
	(pc) =	sbr.rel @p0 .LBB2_1-.Ltmp2, $4  }
0x5a: {  	[hbm:s6], [sflag:s17] =	dma.local [spmem:s18], $0xC00  }
0x5b: {  	_ =	swait.ge [sflag:s13], $0xC00  }
0x5c: {  	[sflag:s13] =	ssyncset.done $0x0  }
0x5d: {  	[sflag:s13] =	ssyncadd.s32 $0xFFFFF400  }
0x5e: {  	_ =	sfence.sel $0x180000  }
0x5f: {  	[bflag:$0x0] =	sbarrier.arrive $0xFFFF  }
0x60: {  	p0 =	sne.s32 s2, $0x0;
	_ =	strace $0x9000004D  }
0x61: {  	s0 =	sadd.s32 @!p0 $0x100000, s0;
	[bflag:$0x2] =	sbarrier.arrive $0xFFFF  }
0x62: {  	[sflag:s0] =	ssyncadd.tile.s32 @!p0 $0x1;
	_ =	shalt  }
.Lfunc_end2:
_tile_overlayer_lowered:
.L_overlay_start_2:
0x63: {  	(tag) =	ssettag $0x2  }
0x64: {  	s0 =	rddreg [dreg:$0x0];
	s2 =	stileid.u32  }
0x65: {  	s1 =	rddreg [dreg:$0x1];
	p0 =	sne.s32 s2, $0x0  }
0x66: {  	s3 =	rddreg [dreg:$0x2];
	[bflag:$0x3] =	sbarrier.arrive $0xFFFF;
	s2 =	simm.s32 @!p0 $0x1C02  }
0x67: {  	[timem:s3], [sflag:s2] =	dma.local @!p0 [hbm:s0], s1  }
0x68: {  	s0 =	simm.s32 @!p0 $0x2  }
0x69: {  	_ =	swait.ge @!p0 [sflag:s0], s1  }
0x6a: {  	s1 =	ssub.s32 @!p0 $0x0, s1;
	[sflag:s0] =	ssyncset.done @!p0 $0x0  }
0x6b: {  	[sflag:s0] =	ssyncadd.s32 @!p0 s1  }
0x6c: {  	[bflag:$0x3] =	sbarrier.arrive $0xFFFF  }
0x6d: {  	_ =	shalt  }

// kernel: kernel.30.cloned.1.call-start
scs
__scs_entry_jumppad:
0x0: {  	(pc) =	sbr.rel $0x88, $3  }
0x1: {  	(tag) =	ssettag $0x0;
	lr =	simm.s32 $0x1  }
0x2: {  	[smem:$0x3F87] =	sst lr;
	_ =	strace $0xD0000000  }
0x3: {  	_ = 	snop  }
0x4: {  	_ = 	snop  }
0x5: {  	_ = 	snop  }
0x6: {  	_ = 	snop  }
0x7: {  	_ = 	snop  }
__scs_overlays_trampoline_lowered:
0x8: {  	[smem:$0x3F96] =	sst s0  }
0x9: {  	[smem:$0x3F97] =	sst s1  }
0xa: {  	[smem:$0x3F98] =	sst s2  }
0xb: {  	[smem:$0x3F99] =	sst s3  }
0xc: {  	[smem:$0x3F9A] =	sst s4  }
0xd: {  	[smem:$0x3F9B] =	sst s5  }
0xe: {  	[smem:$0x3F9C] =	sst s6  }
0xf: {  	[smem:$0x3F9D] =	sst s7  }
0x10: {  	[smem:$0x3F9E] =	sst s8  }
0x11: {  	[smem:$0x3F9F] =	sst s9;
	s0 =	simm.s32 @!p0 $0x0  }
0x12: {  	s1 =	sld [smem:$0x3F85];
	s0 =	simm.s32 @p0 $0x1  }
0x13: {  	[smem:$0x3FA0] =	sst s0;
	s0 =	simm.s32 @!p1 $0x0  }
0x14: {  	s2 =	sld [smem:$0x3F84];
	s0 =	simm.s32 @p1 $0x1  }
0x15: {  	[smem:$0x3FA1] =	sst s0;
	s0 =	simm.s32 @!p2 $0x0  }
0x16: {  	s3 =	sld [smem:$0x3FDB];
	s0 =	simm.s32 @p2 $0x1  }
0x17: {  	s4 =	simm.s32 $0x1BF5;
	[smem:$0x3FA3] =	sst s0  }
0x18: {  	s0 =	sld [smem:$0x3F86];
	_ =	swait.ge [sflag:s4], $0x0  }
0x19: {  	s7 =	sld [smem:$0x3F87]  }
0x1a: {  	s8 =	sadd.s32 $0xFFFFE003, lr  }
0x1b: {  	s9 =	sadd.s32 $0xFFFFFEF7, lr;
	s5 =	simm.s32 $0xFFFFFFFF;
	p2 =	slt.u32 s8, $0xFFFFF086  }
0x1c: {  	p1 =	slt.u32 s9, $0xF7A;
	s5 =	simm.s32 @!p2 $0x0  }
0x1d: {  	s5 =	simm.s32 @p1 $0x1;
	p0 =	seq.s32 s7, s2  }
0x1e: {  	s7 =	smul.u32 @!p0 $0xF7A, s2;
	p2 =	seq.s32 @!p0 s5, $0x0  }
0x1f: {  	s9 =	smul.u32 $0xF7A, s1;
	s8 =	simm.s32 @!p0 $0x1BF5;
	p2 =	por !p2, p0  }
0x20: {  	[sflag:s8] =	ssyncset.s32 @!p0 $0xFFFFF086;
	s6 =	sadd.s32 @!p0 s3, s7;
	s7 =	simm.s32 @!p0 $0x108  }
0x21: {  	s3 =	sadd.s32 s3, s9;
	s6 =	sadd.s32 @!p0 $0x88, s6;
	s7 =	simm.s32 @p2 $0x1082  }
0x22: {  	[simem:s7], [sflag:s8] =	dma.local @!p0 [hbm:s6], $0xF7A  }
0x23: {  	s9 =	sor.u32 $0xD0000000, s2;
	s6 =	simm.s32 $0x108;
	_ =	swait.ge @!p0 [sflag:s8], $0x0  }
0x24: {  	s3 =	sadd.s32 $0x88, s3;
	s6 =	simm.s32 @!p1 $0x1082;
	[sflag:s4] =	ssyncset.s32 $0xFFFFF086  }
0x25: {  	[simem:s6], [sflag:s4] =	dma.local [hbm:s3], $0xF7A  }
0x26: {  	[smem:$0x3F87] =	sst s1;
	(tag) =	ssettag s2;
	_ =	strace s9  }
0x27: {  	s1 =	sld [smem:$0x3F97]  }
0x28: {  	s2 =	sld [smem:$0x3F98]  }
0x29: {  	s4 =	sld [smem:$0x3F9A]  }
0x2a: {  	p0 =	seq.s32 s5, $0x0;
	s5 =	sld [smem:$0x3F9B]  }
0x2b: {  	s6 =	sld [smem:$0x3F9C]  }
0x2c: {  	s7 =	sld [smem:$0x3F9D]  }
0x2d: {  	s3 =	simm.s32 $0x108;
	s8 =	sld [smem:$0x3F9E]  }
0x2e: {  	s3 =	simm.s32 @!p0 $0x1082;
	s9 =	sld [smem:$0x3F9F]  }
0x2f: {  	lr =	sadd.s32 s0, s3;
	s0 =	sld [smem:$0x3F96]  }
0x30: {  	s3 =	sld [smem:$0x3F99]  }
0x31: {  	[smem:$0x3FA2] =	sst s10  }
0x32: {  	s10 =	sld [smem:$0x3FA0];
	_ =	sdelay $0x3  }
0x33: {  	p0 =	seq.s32 s10, $0x1;
	s10 =	sld [smem:$0x3FA2];
	_ =	sdelay $0x3  }
0x34: {  	[smem:$0x3FA2] =	sst s10  }
0x35: {  	s10 =	sld [smem:$0x3FA1];
	_ =	sdelay $0x3  }
0x36: {  	p1 =	seq.s32 s10, $0x1;
	s10 =	sld [smem:$0x3FA2];
	_ =	sdelay $0x3  }
0x37: {  	[smem:$0x3FA2] =	sst s10  }
0x38: {  	s10 =	sld [smem:$0x3FA3]  }
0x39: {  	_ = 	snop;
	(pc) =	sbr.ind lr, $3  }
0x3a: {  	_ = 	snop  }
0x3b: {  	_ = 	snop  }
0x3c: {  	p2 =	seq.s32 s10, $0x1;
	s10 =	sld [smem:$0x3FA2]  }
0x3d: {  	_ =	shalt  }
0x3e: {  	_ =	shalt  }
0x3f: {  	_ =	shalt  }
0x40: {  	_ =	shalt  }
0x41: {  	_ =	shalt  }
0x42: {  	_ =	shalt  }
0x43: {  	_ =	shalt  }
0x44: {  	_ =	shalt  }
0x45: {  	_ =	shalt  }
0x46: {  	_ =	shalt  }
0x47: {  	_ =	shalt  }
0x48: {  	_ =	shalt  }
0x49: {  	_ =	shalt  }
0x4a: {  	_ =	shalt  }
0x4b: {  	_ =	shalt  }
0x4c: {  	_ =	shalt  }
0x4d: {  	_ =	shalt  }
0x4e: {  	_ =	shalt  }
0x4f: {  	_ =	shalt  }
0x50: {  	_ =	shalt  }
0x51: {  	_ =	shalt  }
0x52: {  	_ =	shalt  }
0x53: {  	_ =	shalt  }
0x54: {  	_ =	shalt  }
0x55: {  	_ =	shalt  }
0x56: {  	_ =	shalt  }
0x57: {  	_ =	shalt  }
0x58: {  	_ =	shalt  }
0x59: {  	_ =	shalt  }
0x5a: {  	_ =	shalt  }
0x5b: {  	_ =	shalt  }
0x5c: {  	_ =	shalt  }
0x5d: {  	_ =	shalt  }
0x5e: {  	_ =	shalt  }
0x5f: {  	_ =	shalt  }
0x60: {  	_ =	shalt  }
0x61: {  	_ =	shalt  }
0x62: {  	_ =	shalt  }
0x63: {  	_ =	shalt  }
0x64: {  	_ =	shalt  }
0x65: {  	_ =	shalt  }
0x66: {  	_ =	shalt  }
0x67: {  	_ =	shalt  }
0x68: {  	_ =	shalt  }
0x69: {  	_ =	shalt  }
0x6a: {  	_ =	shalt  }
0x6b: {  	_ =	shalt  }
0x6c: {  	_ =	shalt  }
0x6d: {  	_ =	shalt  }
0x6e: {  	_ =	shalt  }
0x6f: {  	_ =	shalt  }
0x70: {  	_ =	shalt  }
0x71: {  	_ =	shalt  }
0x72: {  	_ =	shalt  }
0x73: {  	_ =	shalt  }
0x74: {  	_ =	shalt  }
0x75: {  	_ =	shalt  }
0x76: {  	_ =	shalt  }
0x77: {  	_ =	shalt  }
0x78: {  	_ =	shalt  }
0x79: {  	_ =	shalt  }
0x7a: {  	_ =	shalt  }
0x7b: {  	_ =	shalt  }
0x7c: {  	_ =	shalt  }
0x7d: {  	_ =	shalt  }
0x7e: {  	_ =	shalt  }
0x7f: {  	_ =	shalt  }
0x80: {  	_ =	shalt  }
0x81: {  	_ =	shalt  }
0x82: {  	_ =	shalt  }
0x83: {  	_ =	shalt  }
0x84: {  	_ =	shalt  }
0x85: {  	_ =	shalt  }
0x86: {  	_ =	shalt  }
0x87: {  	_ =	shalt  }
.Lfunc_end0:
.L_simem_size_0:
called_computation.3_lowered:
.L_overlay_start_0:
0x88: {  	s2 =	sld [smem:$0x3FD9]  }
0x89: {  	s3 =	sld [smem:$0x3FFE];
	_ =	sdelay $0x1  }
0x8a: {  	s1 =	srdreg.scid  }
0x8b: {  	s0 =	sand.u32 $0x1, s1  }
0x8c: {  	s16 =	sshll.u32 s0, $0xA;
	s2 =	sadd.s32 s3, s2  }
0x8d: {  	s2 =	sadd.s32 s2, s16  }
0x8e: {  	[smem:$0x3FAE] =	sst s2  }
0x8f: {  	_ = 	snop  }
0x90: {  	(tm) =	ssettm $0x1  }
0x91: {  	s17 =	sld [smem:$0x3FFB];
	_ =	sdelay $0x3  }
0x92: {  	_ =	strace s17  }
0x93: {  	s2 =	sld [smem:$0x3FFC];
	_ =	sdelay $0x3  }
0x94: {  	_ =	strace s2  }
0x95: {  	s2 =	sld [smem:$0x3FFD];
	_ =	sdelay $0x3  }
0x96: {  	_ =	strace s2  }
0x97: {  	_ =	strace $0x8FFFFFFF  }
0x98: {  	s18 =	sld [smem:$0x3FDB];
	_ =	sdelay $0x1  }
0x99: {  	s19 =	simm.s32 $_scs_section_size  }
0x9a: {  	s4 =	simm.s32 $_size__tile_overlayer_lowered;
	s5 =	simm.s32 $_tile_overlayer_lowered  }
0x9b: {  	s22 =	simm.s32 $0x1BFF;
	s21 =	sshll.u32 s5, $0x1;
	s2 =	sadd.s32 s19, s18  }
0x9c: {  	s6 =	simm.s32 $0x0;
	s20 =	sshll.u32 s4, $0x1;
	s4 =	sadd.s32 s21, s2  }
0x9d: {  	[timem:s6], [sflag:s22] =	dma.local [hbm:s4], s20  }
0x9e: {  	_ =	swait.ge [sflag:s22], s20  }
0x9f: {  	s3 =	ssub.s32 $0x0, s20;
	[sflag:s22] =	ssyncset.done $0x0  }
0xa0: {  	[sflag:s22] =	ssyncadd.s32 s3;
	_ =	sdelay $0x1  }
0xa1: {  	s23 =	simm.s32 $0x1B8B  }
0xa2: {  	_ =	swait.ge [sflag:s23], $0x1  }
0xa3: {  	[sflag:s23] =	ssyncset.done $0x0  }
0xa4: {  	s25 =	simm.s32 $0x1B8E;
	s24 =	sld [smem:$0x3FFE];
	[sflag:s23] =	ssyncadd.s32 $0xFFFFFFFF  }
0xa5: {  	s26 =	simm.s32 $execute0_lowered;
	[smem:$0x3FD2] =	sst s25  }
0xa6: {  	s4 =	sshll.u32 s26, $0x1;
	_ =	strace $0x8000004F;
	[dreg:$0x1] =	wrdreg $0xFFFFFFFF  }
0xa7: {  	s28 =	simm.s32 $_size_execute0_lowered;
	s2 =	sadd.s32 s2, s4;
	[dreg:$0x0] =	wrdreg $0x0  }
0xa8: {  	s4 =	sshll.u32 s28, $0x1;
	[dreg:$0x2] =	wrdreg s2  }
0xa9: {  	[dreg:$0x3] =	wrdreg s4  }
0xaa: {  	[dreg:$0x4] =	wrdreg $0xC0  }
0xab: {  	_ =	task [dreg:s6], $0x5FFFF  }
0xac: {  	[dreg:$0x1] =	wrdreg $0xFFFFFFFF  }
0xad: {  	[dreg:$0x0] =	wrdreg $0x60  }
0xae: {  	[dreg:$0x2] =	wrdreg s24  }
0xaf: {  	[dreg:$0x3] =	wrdreg $0x21000  }
0xb0: {  	[dreg:$0x4] =	wrdreg $0x9  }
0xb1: {  	_ =	task.clear_ibuf [dreg:s6], $0x5FFFF;
	_ =	strace $0x9000004F  }
0xb2: {  	s29 =	simm.s32 $0x9;
	_ =	strace $0x80000051  }
0xb3: {  	_ =	swait.ge [sflag:s29], $0x1  }
0xb4: {  	[sflag:s29] =	ssyncadd.s32 $0xFFFFFFFF  }
0xb5: {  	_ =	strace $0x90000051  }
0xb6: {  	_ =	sfence  }
0xb7: {  	s30 =	sld [smem:$0x0];
	_ =	sdelay $0x2  }
0xb8: {  	s31 =	sshll.u32 s1, $0xD;
	s1 =	sshrl.u32 s1, $0x2  }
0xb9: {  	s3 =	sand.u32 $0x4000, s31;
	s1 =	sadd.s32 s1, s30  }
0xba: {  	s0 =	sor.u32 s3, s0;
	s1 =	sshll.u32 s1, $0x11  }
0xbb: {  	s0 =	sor.u32 s1, s0  }
0xbc: {  	s0 =	sadd.s32 $0x8F2B, s0  }
0xbd: {  	[sflag:s0] =	ssyncadd.remote.s32 $0x1  }
0xbe: {  	_ =	sfence.sel $0xFFFF  }
0xbf: {  	[dreg:$0x0] =	wrdreg $0xFFFFFFFF;
	(pc) =	sbr.abs _section_cstart, $3  }
0xc0: {  	[dreg:$0x1] =	wrdreg $0xFFFFFFFF  }
0xc1: {  	_ =	task.clear_ibuf [dreg:s6], $0x2FFFF;
	_ =	strace $0x9FFFFFFF  }
0xc2: {  	(tm) =	ssettm $0x7FFFFFFF  }
0xc3: {  	_ =	shalt  }
tec
execute0_lowered:
.L_overlay_start_1:
0x0: {  	(tag) =	ssettag $0x1  }
0x1: {  	s0 =	rddreg [dreg:$0x0]  }
0x2: {  	s1 =	rddreg [dreg:$0x1]  }
0x3: {  	s2 =	simm.s32 $0x0;
	s3 =	srdreg.scid;
	s8 =	stileid.u32  }
0x4: {  	s28 =	simm.s32 $0x80;
	s29 =	simm.s32 $0x100;
	s30 =	simm.s32 $0x1  }
0x5: {  	s31 =	simm.s32 $0x0;
	[smem:$0x7FF] =	sst s2;
	s3 =	sand.u32 $0x1, s3  }
0x6: {  	s7 =	sshll.u32 s8, $0x10;
	s4 =	sadd.s32 $0x1BB800, s0;
	s26 =	smul.u32 $0x190, s8  }
0x7: {  	s5 =	smul.u32 $0x1900, s3;
	s6 =	sshll.u32 s3, $0x14;
	s3 =	ssub.s32 $0x2, s3  }
0x8: {  	_ =	strace $0x80000050;
	s6 =	sor.u32 s7, s6;
	s23 =	sshrl.u32 s3, $0x1  }
0x9: {  	s22 =	sadd.s32 s5, s0;
	s21 =	sshrl.u32 s6, $0x3;
	s3 =	ssub.s32 s3, s23  }
0xa: {  	s5 =	sadd.s32 s7, s1;
	s0 =	sadd.s32 s21, s0;
	s24 =	smax.u32 s3, $0x1  }
0xb: {  	s25 =	sadd.s32 $0x1000, s5;
	s9 =	sadd.s32 $0x2000, s5;
	s10 =	sadd.s32 $0x3000, s5  }
0xc: {  	s11 =	sadd.s32 $0x4000, s5;
	s12 =	sadd.s32 $0x5000, s5;
	s13 =	sadd.s32 $0x6000, s5  }
0xd: {  	s14 =	sadd.s32 $0x7000, s5;
	s15 =	sadd.s32 $0x8000, s5;
	s16 =	sadd.s32 $0x9000, s5  }
0xe: {  	s17 =	sadd.s32 $0xA000, s5;
	s18 =	sadd.s32 $0xB000, s5;
	s19 =	sadd.s32 $0xC000, s5  }
0xf: {  	s20 =	sadd.s32 $0xD000, s5;
	s21 =	sadd.s32 $0xE000, s5;
	[dreg:$0x4] =	wrdreg s24  }
0x10: {  	s0 =	sadd.s32 $0x31400, s0;
	[dreg:$0x5] =	wrdreg s25;
	s25 =	simm.s32 $0x1100  }
0x11: {  	[dreg:$0x3] =	wrdreg s0;
	s0 =	sadd.s32 s26, s22;
	s22 =	sadd.s32 $0xF000, s5  }
0x12: {  	v0 =	vimm.f32 $0.0e+00;
	s26 =	simm.s32 $0x2;
	s23 =	sadd.s32 $0x74600, s0;
	s24 =	sadd.s32 $0x77800, s0  }
.LBB2_1:
0x13: {  	s0 =	simm.s32 $0x80;
	s3 =	simm.s32 $0x0  }
.LBB2_2:
0x14: {  	p0 =	sne.s32 s0, $0x3F80;
	[tilespmem:s3+$0x1100] =	vst v0;
	s6 =	smov.u32 s0;
	s0 =	sadd.s32 $0x80, s0  }
.Ltmp0:
0x15: {  	[tilespmem:s3+$0x1110] =	vst v0;
	(pc) =	sbr.rel @p0 .LBB2_2-.Ltmp0, $2  }
0x16: {  	_ =	sdelay $0x2  }
0x17: {  	s3 =	sshra.s32 s6, $0x2  }
0x18: {  	[tilespmem:s3+$0x1100] =	vst v0  }
0x19: {  	[tilespmem:s3+$0x1110] =	vst v0  }
0x1a: {  	[spmem:s5] =	stream.linear.scatter [tilespmem:s25], [sflag:$0x2], $0x1000, $0x38;
	[tilespmem:$0x12100] =	vst v63  }
0x1b: {  	_ =	swait.ge [sflag:s26], $0x1000  }
0x1c: {  	[sflag:s26] =	ssyncset.done $0x0  }
0x1d: {  	s0 =	rddreg [dreg:$0x5];
	[sflag:s26] =	ssyncadd.s32 $0xFFFFF000  }
0x1e: {  	[spmem:s0] =	stream.linear.scatter [tilespmem:s25], [sflag:$0x2], $0x1000, $0x38;
	[tilespmem:$0x12100] =	vst v63  }
0x1f: {  	_ =	swait.ge [sflag:s26], $0x1000  }
0x20: {  	[sflag:s26] =	ssyncset.done $0x0  }
0x21: {  	[sflag:s26] =	ssyncadd.s32 $0xFFFFF000  }
0x22: {  	[spmem:s9] =	stream.linear.scatter [tilespmem:s25], [sflag:$0x2], $0x1000, $0x38;
	[tilespmem:$0x12100] =	vst v63  }
0x23: {  	_ =	swait.ge [sflag:s26], $0x1000  }
0x24: {  	[sflag:s26] =	ssyncset.done $0x0  }
0x25: {  	[sflag:s26] =	ssyncadd.s32 $0xFFFFF000  }
0x26: {  	[spmem:s10] =	stream.linear.scatter [tilespmem:s25], [sflag:$0x2], $0x1000, $0x38;
	[tilespmem:$0x12100] =	vst v63  }
0x27: {  	_ =	swait.ge [sflag:s26], $0x1000  }
0x28: {  	[sflag:s26] =	ssyncset.done $0x0  }
0x29: {  	[sflag:s26] =	ssyncadd.s32 $0xFFFFF000  }
0x2a: {  	[spmem:s11] =	stream.linear.scatter [tilespmem:s25], [sflag:$0x2], $0x1000, $0x38;
	[tilespmem:$0x12100] =	vst v63  }
0x2b: {  	_ =	swait.ge [sflag:s26], $0x1000  }
0x2c: {  	[sflag:s26] =	ssyncset.done $0x0  }
0x2d: {  	[sflag:s26] =	ssyncadd.s32 $0xFFFFF000  }
0x2e: {  	[spmem:s12] =	stream.linear.scatter [tilespmem:s25], [sflag:$0x2], $0x1000, $0x38;
	[tilespmem:$0x12100] =	vst v63  }
0x2f: {  	_ =	swait.ge [sflag:s26], $0x1000  }
0x30: {  	[sflag:s26] =	ssyncset.done $0x0  }
0x31: {  	[sflag:s26] =	ssyncadd.s32 $0xFFFFF000  }
0x32: {  	[spmem:s13] =	stream.linear.scatter [tilespmem:s25], [sflag:$0x2], $0x1000, $0x38;
	[tilespmem:$0x12100] =	vst v63  }
0x33: {  	_ =	swait.ge [sflag:s26], $0x1000  }
0x34: {  	[sflag:s26] =	ssyncset.done $0x0  }
0x35: {  	[sflag:s26] =	ssyncadd.s32 $0xFFFFF000  }
0x36: {  	[spmem:s14] =	stream.linear.scatter [tilespmem:s25], [sflag:$0x2], $0x1000, $0x38;
	[tilespmem:$0x12100] =	vst v63  }
0x37: {  	_ =	swait.ge [sflag:s26], $0x1000  }
0x38: {  	[sflag:s26] =	ssyncset.done $0x0  }
0x39: {  	[sflag:s26] =	ssyncadd.s32 $0xFFFFF000  }
0x3a: {  	[spmem:s15] =	stream.linear.scatter [tilespmem:s25], [sflag:$0x2], $0x1000, $0x38;
	[tilespmem:$0x12100] =	vst v63  }
0x3b: {  	_ =	swait.ge [sflag:s26], $0x1000  }
0x3c: {  	[sflag:s26] =	ssyncset.done $0x0  }
0x3d: {  	[sflag:s26] =	ssyncadd.s32 $0xFFFFF000  }
0x3e: {  	[spmem:s16] =	stream.linear.scatter [tilespmem:s25], [sflag:$0x2], $0x1000, $0x38;
	[tilespmem:$0x12100] =	vst v63  }
0x3f: {  	_ =	swait.ge [sflag:s26], $0x1000  }
0x40: {  	[sflag:s26] =	ssyncset.done $0x0  }
0x41: {  	[sflag:s26] =	ssyncadd.s32 $0xFFFFF000  }
0x42: {  	[spmem:s17] =	stream.linear.scatter [tilespmem:s25], [sflag:$0x2], $0x1000, $0x38;
	[tilespmem:$0x12100] =	vst v63  }
0x43: {  	_ =	swait.ge [sflag:s26], $0x1000  }
0x44: {  	[sflag:s26] =	ssyncset.done $0x0  }
0x45: {  	[sflag:s26] =	ssyncadd.s32 $0xFFFFF000  }
0x46: {  	[spmem:s18] =	stream.linear.scatter [tilespmem:s25], [sflag:$0x2], $0x1000, $0x38;
	[tilespmem:$0x12100] =	vst v63  }
0x47: {  	_ =	swait.ge [sflag:s26], $0x1000  }
0x48: {  	[sflag:s26] =	ssyncset.done $0x0  }
0x49: {  	[sflag:s26] =	ssyncadd.s32 $0xFFFFF000  }
0x4a: {  	[spmem:s19] =	stream.linear.scatter [tilespmem:s25], [sflag:$0x2], $0x1000, $0x38;
	[tilespmem:$0x12100] =	vst v63  }
0x4b: {  	_ =	swait.ge [sflag:s26], $0x1000  }
0x4c: {  	[sflag:s26] =	ssyncset.done $0x0  }
0x4d: {  	[sflag:s26] =	ssyncadd.s32 $0xFFFFF000  }
0x4e: {  	[spmem:s20] =	stream.linear.scatter [tilespmem:s25], [sflag:$0x2], $0x1000, $0x38;
	[tilespmem:$0x12100] =	vst v63  }
0x4f: {  	_ =	swait.ge [sflag:s26], $0x1000  }
0x50: {  	[sflag:s26] =	ssyncset.done $0x0  }
0x51: {  	[sflag:s26] =	ssyncadd.s32 $0xFFFFF000  }
0x52: {  	[spmem:s21] =	stream.linear.scatter [tilespmem:s25], [sflag:$0x2], $0x1000, $0x38;
	[tilespmem:$0x12100] =	vst v63  }
0x53: {  	_ =	swait.ge [sflag:s26], $0x1000  }
0x54: {  	[sflag:s26] =	ssyncset.done $0x0  }
0x55: {  	[sflag:s26] =	ssyncadd.s32 $0xFFFFF000  }
0x56: {  	[spmem:s22] =	stream.linear.scatter [tilespmem:s25], [sflag:$0x2], $0x1000, $0x38;
	[tilespmem:$0x12100] =	vst v63  }
0x57: {  	_ =	swait.ge [sflag:s26], $0x1000  }
0x58: {  	[sflag:s26] =	ssyncset.done $0x0  }
0x59: {  	[sflag:s26] =	ssyncadd.s32 $0xFFFFF000  }
0x5a: {  	s7 =	sadd.s32 $0x0, s24;
	[bflag:$0x0] =	sbarrier.arrive $0xFFFF  }
0x5b: {  	[tilespmem:s2], [sflag:$0x2] =	stream.linear.gather [hbm4b:s7+s2], $0x80, $0x38;
	[tilespmem:$0x12100] =	vst v63  }
0x5c: {  	_ =	swait.ge [sflag:s26], $0x80  }
0x5d: {  	[sflag:s26] =	ssyncset.done $0x0  }
0x5e: {  	s8 =	sadd.s32 $0x0, s23;
	[sflag:s26] =	ssyncadd.s32 $0xFFFFFF80  }
0x5f: {  	[tilespmem:s28], [sflag:$0x2] =	stream.linear.gather [hbm4b:s8+s2], $0x80, $0x38;
	[tilespmem:$0x12100] =	vst v63  }
0x60: {  	_ =	swait.ge [sflag:s26], $0x80  }
0x61: {  	[sflag:s26] =	ssyncset.done $0x0  }
0x62: {  	[sflag:s26] =	ssyncadd.s32 $0xFFFFFF80  }
0x63: {  	[tilespmem:s29], [sflag:$0x1] =	stream.indirect.gather [hbm4b:s4+s28], $0x20, s2, s28, $0xb8;
	[tilespmem:$0x12100] =	vst v63  }
0x64: {  	_ =	swait.ge [sflag:s30], $0x1000  }
0x65: {  	[sflag:s30] =	ssyncset.done $0x0  }
0x66: {  	[sflag:s30] =	ssyncadd.s32 $0xFFFFF000  }
0x67: {  	[spmem:s1] =	stream.indirect.scatter.add.f32 [tilespmem:s29], [sflag:$0x2], $0x20, s28, s28, $0xb8;
	[tilespmem:$0x12100] =	vst v63  }
0x68: {  	_ =	swait.ge [sflag:s26], $0x1000  }
0x69: {  	s3 =	simm.s32 $0x20;
	s0 =	simm.s32 $0x10;
	[sflag:s26] =	ssyncset.done $0x0  }
.LBB2_4:
0x6a: {  	s6 =	sadd.s32 s0, s24  }
0x6b: {  	[sflag:s26] =	ssyncadd.s32 $0xFFFFF000;
	s7 =	smov.u32 s3;
	s8 =	sadd.s32 $0x10, s3  }
0x6c: {  	[tilespmem:s2], [sflag:$0x2] =	stream.linear.gather [hbm4b:s6+s2], $0x80, $0x38;
	[tilespmem:$0x12100] =	vst v63  }
0x6d: {  	p0 =	sne.s32 s3, $0x180;
	_ =	swait.ge [sflag:s26], $0x80  }
0x6e: {  	[sflag:s26] =	ssyncset.done $0x0  }
0x6f: {  	s3 =	sadd.s32 s0, s23;
	s0 =	smov.u32 s7;
	[sflag:s26] =	ssyncadd.s32 $0xFFFFFF80  }
0x70: {  	[tilespmem:s28], [sflag:$0x2] =	stream.linear.gather [hbm4b:s3+s2], $0x80, $0x38;
	[tilespmem:$0x12100] =	vst v63  }
0x71: {  	_ =	swait.ge [sflag:s26], $0x80  }
0x72: {  	[sflag:s26] =	ssyncset.done $0x0  }
0x73: {  	[sflag:s26] =	ssyncadd.s32 $0xFFFFFF80  }
0x74: {  	[tilespmem:s29], [sflag:$0x1] =	stream.indirect.gather [hbm4b:s4+s28], $0x20, s2, s28, $0xb8;
	[tilespmem:$0x12100] =	vst v63  }
0x75: {  	_ =	swait.ge [sflag:s30], $0x1000  }
.Ltmp1:
0x76: {  	[sflag:s30] =	ssyncset.done $0x0;
	(pc) =	sbr.rel @p0 .LBB2_4-.Ltmp1, $4  }
0x77: {  	[sflag:s30] =	ssyncadd.s32 $0xFFFFF000  }
0x78: {  	[spmem:s1] =	stream.indirect.scatter.add.f32 [tilespmem:s29], [sflag:$0x2], $0x20, s28, s28, $0xb8;
	[tilespmem:$0x12100] =	vst v63  }
0x79: {  	_ =	swait.ge [sflag:s26], $0x1000  }
0x7a: {  	s3 =	smov.u32 s8;
	[sflag:s26] =	ssyncset.done $0x0  }
0x7b: {  	s3 =	sadd.s32 s0, s24;
	[sflag:s26] =	ssyncadd.s32 $0xFFFFF000  }
0x7c: {  	[tilespmem:s2], [sflag:$0x2] =	stream.linear.gather [hbm4b:s3+s2], $0x80, $0x38;
	[tilespmem:$0x12100] =	vst v63  }
0x7d: {  	_ =	swait.ge [sflag:s26], $0x80  }
0x7e: {  	[sflag:s26] =	ssyncset.done $0x0  }
0x7f: {  	s3 =	sadd.s32 s0, s23;
	[sflag:s26] =	ssyncadd.s32 $0xFFFFFF80  }
0x80: {  	[tilespmem:s28], [sflag:$0x2] =	stream.linear.gather [hbm4b:s3+s2], $0x80, $0x38;
	[tilespmem:$0x12100] =	vst v63  }
0x81: {  	_ =	swait.ge [sflag:s26], $0x80  }
0x82: {  	[sflag:s26] =	ssyncset.done $0x0  }
0x83: {  	[sflag:s26] =	ssyncadd.s32 $0xFFFFFF80  }
0x84: {  	[tilespmem:s29], [sflag:$0x1] =	stream.indirect.gather [hbm4b:s4+s28], $0x20, s2, s28, $0xb8;
	[tilespmem:$0x12100] =	vst v63  }
0x85: {  	_ =	swait.ge [sflag:s30], $0x1000  }
0x86: {  	[sflag:s30] =	ssyncset.done $0x0  }
0x87: {  	[sflag:s30] =	ssyncadd.s32 $0xFFFFF000  }
0x88: {  	[spmem:s1] =	stream.indirect.scatter.add.f32 [tilespmem:s29], [sflag:$0x2], $0x20, s28, s28, $0xb8;
	[tilespmem:$0x12100] =	vst v63  }
0x89: {  	_ =	swait.ge [sflag:s26], $0x1000  }
0x8a: {  	[sflag:s26] =	ssyncset.done $0x0  }
0x8b: {  	s6 =	stileid.u32;
	[sflag:s26] =	ssyncadd.s32 $0xFFFFF000  }
0x8c: {  	s0 =	sshll.u32 s6, $0x6;
	[bflag:$0x0] =	sbarrier.arrive $0xFFFF  }
0x8d: {  	s7 =	sshrl.u32 s5, $0x3;
	s0 =	sor.u32 $0x1C02, s0;
	s6 =	rddreg [dreg:$0x3]  }
0x8e: {  	[hbm:s6], [sflag:s0] =	dma.local [spmem:s7], $0x2000  }
0x8f: {  	_ =	swait.ge [sflag:s26], $0x2000  }
0x90: {  	s31 =	sadd.s32 $0x1, s31;
	s8 =	rddreg [dreg:$0x4]  }
0x91: {  	p0 =	sne.s32 s31, s8  }
.Ltmp2:
0x92: {  	_ = 	snop;
	(pc) =	sbr.rel @p0 .LBB2_1-.Ltmp2, $3  }
0x93: {  	_ =	sdelay $0x1  }
0x94: {  	[sflag:s26] =	ssyncset.done $0x0  }
0x95: {  	[sflag:s26] =	ssyncadd.s32 $0xFFFFE000  }
0x96: {  	_ =	sfence.sel $0x180000  }
0x97: {  	[bflag:$0x0] =	sbarrier.arrive $0xFFFF  }
0x98: {  	_ =	strace $0x90000050  }
0x99: {  	s0 =	stileid.u32;
	[bflag:$0x2] =	sbarrier.arrive $0xFFFF  }
0x9a: {  	p0 =	sne.s32 s0, $0x0;
	s0 =	rddreg [dreg:$0x2]  }
0x9b: {  	s0 =	sadd.s32 @!p0 $0x100000, s0  }
0x9c: {  	[sflag:s0] =	ssyncadd.tile.s32 @!p0 $0x1;
	_ =	shalt  }
.Lfunc_end2:
_tile_overlayer_lowered:
.L_overlay_start_2:
0x9d: {  	(tag) =	ssettag $0x2  }
0x9e: {  	s0 =	rddreg [dreg:$0x0];
	s2 =	stileid.u32  }
0x9f: {  	s1 =	rddreg [dreg:$0x1];
	p0 =	sne.s32 s2, $0x0  }
0xa0: {  	s3 =	rddreg [dreg:$0x2];
	[bflag:$0x3] =	sbarrier.arrive $0xFFFF;
	s2 =	simm.s32 @!p0 $0x1C02  }
0xa1: {  	[timem:s3], [sflag:s2] =	dma.local @!p0 [hbm:s0], s1  }
0xa2: {  	s0 =	simm.s32 @!p0 $0x2  }
0xa3: {  	_ =	swait.ge @!p0 [sflag:s0], s1  }
0xa4: {  	s1 =	ssub.s32 @!p0 $0x0, s1;
	[sflag:s0] =	ssyncset.done @!p0 $0x0  }
0xa5: {  	[sflag:s0] =	ssyncadd.s32 @!p0 s1  }
0xa6: {  	[bflag:$0x3] =	sbarrier.arrive $0xFFFF  }
0xa7: {  	_ =	shalt  }

// kernel: kernel.33.cloned.1.call-start
scs
__scs_entry_jumppad:
0x0: {  	(pc) =	sbr.rel $0x88, $3  }
0x1: {  	(tag) =	ssettag $0x0;
	lr =	simm.s32 $0x1  }
0x2: {  	[smem:$0x3F87] =	sst lr;
	_ =	strace $0xD0000000  }
0x3: {  	_ = 	snop  }
0x4: {  	_ = 	snop  }
0x5: {  	_ = 	snop  }
0x6: {  	_ = 	snop  }
0x7: {  	_ = 	snop  }
__scs_overlays_trampoline_lowered:
0x8: {  	[smem:$0x3F96] =	sst s0  }
0x9: {  	[smem:$0x3F97] =	sst s1  }
0xa: {  	[smem:$0x3F98] =	sst s2  }
0xb: {  	[smem:$0x3F99] =	sst s3  }
0xc: {  	[smem:$0x3F9A] =	sst s4  }
0xd: {  	[smem:$0x3F9B] =	sst s5  }
0xe: {  	[smem:$0x3F9C] =	sst s6  }
0xf: {  	[smem:$0x3F9D] =	sst s7  }
0x10: {  	[smem:$0x3F9E] =	sst s8  }
0x11: {  	[smem:$0x3F9F] =	sst s9;
	s0 =	simm.s32 @!p0 $0x0  }
0x12: {  	s1 =	sld [smem:$0x3F85];
	s0 =	simm.s32 @p0 $0x1  }
0x13: {  	[smem:$0x3FA0] =	sst s0;
	s0 =	simm.s32 @!p1 $0x0  }
0x14: {  	s2 =	sld [smem:$0x3F84];
	s0 =	simm.s32 @p1 $0x1  }
0x15: {  	[smem:$0x3FA1] =	sst s0;
	s0 =	simm.s32 @!p2 $0x0  }
0x16: {  	s3 =	sld [smem:$0x3FDB];
	s0 =	simm.s32 @p2 $0x1  }
0x17: {  	s4 =	simm.s32 $0x1BF5;
	[smem:$0x3FA3] =	sst s0  }
0x18: {  	s0 =	sld [smem:$0x3F86];
	_ =	swait.ge [sflag:s4], $0x0  }
0x19: {  	s7 =	sld [smem:$0x3F87]  }
0x1a: {  	s8 =	sadd.s32 $0xFFFFE003, lr  }
0x1b: {  	s9 =	sadd.s32 $0xFFFFFEF7, lr;
	s5 =	simm.s32 $0xFFFFFFFF;
	p2 =	slt.u32 s8, $0xFFFFF086  }
0x1c: {  	p1 =	slt.u32 s9, $0xF7A;
	s5 =	simm.s32 @!p2 $0x0  }
0x1d: {  	s5 =	simm.s32 @p1 $0x1;
	p0 =	seq.s32 s7, s2  }
0x1e: {  	s7 =	smul.u32 @!p0 $0xF7A, s2;
	p2 =	seq.s32 @!p0 s5, $0x0  }
0x1f: {  	s9 =	smul.u32 $0xF7A, s1;
	s8 =	simm.s32 @!p0 $0x1BF5;
	p2 =	por !p2, p0  }
0x20: {  	[sflag:s8] =	ssyncset.s32 @!p0 $0xFFFFF086;
	s6 =	sadd.s32 @!p0 s3, s7;
	s7 =	simm.s32 @!p0 $0x108  }
0x21: {  	s3 =	sadd.s32 s3, s9;
	s6 =	sadd.s32 @!p0 $0x88, s6;
	s7 =	simm.s32 @p2 $0x1082  }
0x22: {  	[simem:s7], [sflag:s8] =	dma.local @!p0 [hbm:s6], $0xF7A  }
0x23: {  	s9 =	sor.u32 $0xD0000000, s2;
	s6 =	simm.s32 $0x108;
	_ =	swait.ge @!p0 [sflag:s8], $0x0  }
0x24: {  	s3 =	sadd.s32 $0x88, s3;
	s6 =	simm.s32 @!p1 $0x1082;
	[sflag:s4] =	ssyncset.s32 $0xFFFFF086  }
0x25: {  	[simem:s6], [sflag:s4] =	dma.local [hbm:s3], $0xF7A  }
0x26: {  	[smem:$0x3F87] =	sst s1;
	(tag) =	ssettag s2;
	_ =	strace s9  }
0x27: {  	s1 =	sld [smem:$0x3F97]  }
0x28: {  	s2 =	sld [smem:$0x3F98]  }
0x29: {  	s4 =	sld [smem:$0x3F9A]  }
0x2a: {  	p0 =	seq.s32 s5, $0x0;
	s5 =	sld [smem:$0x3F9B]  }
0x2b: {  	s6 =	sld [smem:$0x3F9C]  }
0x2c: {  	s7 =	sld [smem:$0x3F9D]  }
0x2d: {  	s3 =	simm.s32 $0x108;
	s8 =	sld [smem:$0x3F9E]  }
0x2e: {  	s3 =	simm.s32 @!p0 $0x1082;
	s9 =	sld [smem:$0x3F9F]  }
0x2f: {  	lr =	sadd.s32 s0, s3;
	s0 =	sld [smem:$0x3F96]  }
0x30: {  	s3 =	sld [smem:$0x3F99]  }
0x31: {  	[smem:$0x3FA2] =	sst s10  }
0x32: {  	s10 =	sld [smem:$0x3FA0];
	_ =	sdelay $0x3  }
0x33: {  	p0 =	seq.s32 s10, $0x1;
	s10 =	sld [smem:$0x3FA2];
	_ =	sdelay $0x3  }
0x34: {  	[smem:$0x3FA2] =	sst s10  }
0x35: {  	s10 =	sld [smem:$0x3FA1];
	_ =	sdelay $0x3  }
0x36: {  	p1 =	seq.s32 s10, $0x1;
	s10 =	sld [smem:$0x3FA2];
	_ =	sdelay $0x3  }
0x37: {  	[smem:$0x3FA2] =	sst s10  }
0x38: {  	s10 =	sld [smem:$0x3FA3]  }
0x39: {  	_ = 	snop;
	(pc) =	sbr.ind lr, $3  }
0x3a: {  	_ = 	snop  }
0x3b: {  	_ = 	snop  }
0x3c: {  	p2 =	seq.s32 s10, $0x1;
	s10 =	sld [smem:$0x3FA2]  }
0x3d: {  	_ =	shalt  }
0x3e: {  	_ =	shalt  }
0x3f: {  	_ =	shalt  }
0x40: {  	_ =	shalt  }
0x41: {  	_ =	shalt  }
0x42: {  	_ =	shalt  }
0x43: {  	_ =	shalt  }
0x44: {  	_ =	shalt  }
0x45: {  	_ =	shalt  }
0x46: {  	_ =	shalt  }
0x47: {  	_ =	shalt  }
0x48: {  	_ =	shalt  }
0x49: {  	_ =	shalt  }
0x4a: {  	_ =	shalt  }
0x4b: {  	_ =	shalt  }
0x4c: {  	_ =	shalt  }
0x4d: {  	_ =	shalt  }
0x4e: {  	_ =	shalt  }
0x4f: {  	_ =	shalt  }
0x50: {  	_ =	shalt  }
0x51: {  	_ =	shalt  }
0x52: {  	_ =	shalt  }
0x53: {  	_ =	shalt  }
0x54: {  	_ =	shalt  }
0x55: {  	_ =	shalt  }
0x56: {  	_ =	shalt  }
0x57: {  	_ =	shalt  }
0x58: {  	_ =	shalt  }
0x59: {  	_ =	shalt  }
0x5a: {  	_ =	shalt  }
0x5b: {  	_ =	shalt  }
0x5c: {  	_ =	shalt  }
0x5d: {  	_ =	shalt  }
0x5e: {  	_ =	shalt  }
0x5f: {  	_ =	shalt  }
0x60: {  	_ =	shalt  }
0x61: {  	_ =	shalt  }
0x62: {  	_ =	shalt  }
0x63: {  	_ =	shalt  }
0x64: {  	_ =	shalt  }
0x65: {  	_ =	shalt  }
0x66: {  	_ =	shalt  }
0x67: {  	_ =	shalt  }
0x68: {  	_ =	shalt  }
0x69: {  	_ =	shalt  }
0x6a: {  	_ =	shalt  }
0x6b: {  	_ =	shalt  }
0x6c: {  	_ =	shalt  }
0x6d: {  	_ =	shalt  }
0x6e: {  	_ =	shalt  }
0x6f: {  	_ =	shalt  }
0x70: {  	_ =	shalt  }
0x71: {  	_ =	shalt  }
0x72: {  	_ =	shalt  }
0x73: {  	_ =	shalt  }
0x74: {  	_ =	shalt  }
0x75: {  	_ =	shalt  }
0x76: {  	_ =	shalt  }
0x77: {  	_ =	shalt  }
0x78: {  	_ =	shalt  }
0x79: {  	_ =	shalt  }
0x7a: {  	_ =	shalt  }
0x7b: {  	_ =	shalt  }
0x7c: {  	_ =	shalt  }
0x7d: {  	_ =	shalt  }
0x7e: {  	_ =	shalt  }
0x7f: {  	_ =	shalt  }
0x80: {  	_ =	shalt  }
0x81: {  	_ =	shalt  }
0x82: {  	_ =	shalt  }
0x83: {  	_ =	shalt  }
0x84: {  	_ =	shalt  }
0x85: {  	_ =	shalt  }
0x86: {  	_ =	shalt  }
0x87: {  	_ =	shalt  }
.Lfunc_end0:
.L_simem_size_0:
called_computation.4_lowered:
.L_overlay_start_0:
0x88: {  	s2 =	sld [smem:$0x3FD9]  }
0x89: {  	s3 =	sld [smem:$0x3FFE];
	_ =	sdelay $0x1  }
0x8a: {  	s1 =	srdreg.scid  }
0x8b: {  	s0 =	sand.u32 $0x1, s1  }
0x8c: {  	s17 =	sshll.u32 s0, $0xA;
	s2 =	sadd.s32 s3, s2  }
0x8d: {  	s2 =	sadd.s32 s2, s17  }
0x8e: {  	[smem:$0x3FAE] =	sst s2  }
0x8f: {  	_ = 	snop  }
0x90: {  	(tm) =	ssettm $0x1  }
0x91: {  	s18 =	sld [smem:$0x3FFB];
	_ =	sdelay $0x3  }
0x92: {  	_ =	strace s18  }
0x93: {  	s2 =	sld [smem:$0x3FFC];
	_ =	sdelay $0x3  }
0x94: {  	_ =	strace s2  }
0x95: {  	s2 =	sld [smem:$0x3FFD];
	_ =	sdelay $0x3  }
0x96: {  	_ =	strace s2  }
0x97: {  	_ =	strace $0x8FFFFFFF  }
0x98: {  	s19 =	sld [smem:$0x3FDB];
	_ =	sdelay $0x1  }
0x99: {  	s20 =	simm.s32 $_scs_section_size  }
0x9a: {  	s4 =	simm.s32 $_size__tile_overlayer_lowered;
	s5 =	simm.s32 $_tile_overlayer_lowered  }
0x9b: {  	s6 =	simm.s32 $0x1BFF;
	s21 =	sshll.u32 s5, $0x1;
	s3 =	sadd.s32 s20, s19  }
0x9c: {  	s22 =	simm.s32 $0x0;
	s4 =	sshll.u32 s4, $0x1;
	s5 =	sadd.s32 s21, s3  }
0x9d: {  	[timem:s22], [sflag:s6] =	dma.local [hbm:s5], s4  }
0x9e: {  	_ =	swait.ge [sflag:s6], s4  }
0x9f: {  	s4 =	ssub.s32 $0x0, s4;
	[sflag:s6] =	ssyncset.done $0x0  }
0xa0: {  	[sflag:s6] =	ssyncadd.s32 s4;
	_ =	sdelay $0x1  }
0xa1: {  	s23 =	simm.s32 $0x1B8B  }
0xa2: {  	_ =	swait.ge [sflag:s23], $0x1  }
0xa3: {  	[sflag:s23] =	ssyncset.done $0x0  }
0xa4: {  	[sflag:s23] =	ssyncadd.s32 $0xFFFFFFFF  }
0xa5: {  	s4 =	sld [smem:$0x0]  }
0xa6: {  	s5 =	sand.u32 $0xFFFFFFFE, s1  }
0xa7: {  	p0 =	sne.s32 s1, s5  }
0xa8: {  	s5 =	sshll.u32 @p0 s5, $0xE  }
0xa9: {  	s5 =	sadd.s32 @p0 $0x11B8D, s5;
	s6 =	sshll.u32 @p0 s4, $0x11  }
0xaa: {  	s5 =	sor.u32 @p0 s6, s5  }
0xab: {  	[sflag:s5] =	ssyncadd.remote.s32 @p0 $0x1;
	_ =	sdelay $0x1  }
0xac: {  	s5 =	simm.s32 @p0 $0x1B8D  }
0xad: {  	_ =	swait.eq @p0 [sflag:s5], $0x1  }
0xae: {  	[sflag:s5] =	ssyncadd.s32 @p0 $0xFFFFFFFF  }
0xaf: {  	s6 =	sshll.u32 @!p0 s1, $0xE  }
0xb0: {  	s6 =	sor.u32 @!p0 $0x4000, s6;
	s5 =	simm.s32 @!p0 $0x1B8D  }
0xb1: {  	s4 =	sshll.u32 @!p0 s4, $0x11;
	s6 =	sadd.s32 @!p0 $0x11B8D, s6;
	_ =	swait.eq @!p0 [sflag:s5], $0x1  }
0xb2: {  	s4 =	sor.u32 @!p0 s4, s6;
	[sflag:s5] =	ssyncadd.s32 @!p0 $0xFFFFFFFF  }
0xb3: {  	s25 =	simm.s32 $0x1B8E;
	s24 =	sld [smem:$0x3FFE];
	[sflag:s4] =	ssyncadd.remote.s32 @!p0 $0x1  }
0xb4: {  	s26 =	simm.s32 $execute0_lowered;
	[smem:$0x3FD2] =	sst s25  }
0xb5: {  	s5 =	sshll.u32 s26, $0x1;
	_ =	strace $0x80000055;
	[dreg:$0x1] =	wrdreg $0xFFFFFFFF  }
0xb6: {  	s28 =	simm.s32 $_size_execute0_lowered;
	s3 =	sadd.s32 s3, s5;
	[dreg:$0x0] =	wrdreg $0x0  }
0xb7: {  	s5 =	sshll.u32 s28, $0x1;
	[dreg:$0x2] =	wrdreg s3  }
0xb8: {  	[dreg:$0x3] =	wrdreg s5  }
0xb9: {  	[dreg:$0x4] =	wrdreg $0xC0  }
0xba: {  	_ =	task [dreg:s22], $0x5FFFF  }
0xbb: {  	[dreg:$0x1] =	wrdreg $0xFFFFFFFF  }
0xbc: {  	[dreg:$0x0] =	wrdreg $0x60  }
0xbd: {  	[dreg:$0x2] =	wrdreg s24  }
0xbe: {  	[dreg:$0x3] =	wrdreg $0x11000  }
0xbf: {  	[dreg:$0x4] =	wrdreg $0x9  }
0xc0: {  	_ =	task.clear_ibuf [dreg:s22], $0x5FFFF;
	_ =	strace $0x90000055  }
0xc1: {  	s29 =	simm.s32 $0x9;
	_ =	strace $0x80000057  }
0xc2: {  	_ =	swait.ge [sflag:s29], $0x1  }
0xc3: {  	[sflag:s29] =	ssyncadd.s32 $0xFFFFFFFF  }
0xc4: {  	_ =	strace $0x90000057  }
0xc5: {  	_ =	sfence  }
0xc6: {  	s30 =	sld [smem:$0x0];
	_ =	sdelay $0x2  }
0xc7: {  	s31 =	sshll.u32 s1, $0xD;
	s1 =	sshrl.u32 s1, $0x2  }
0xc8: {  	s4 =	sand.u32 $0x4000, s31;
	s1 =	sadd.s32 s1, s30  }
0xc9: {  	s0 =	sor.u32 s4, s0;
	s1 =	sshll.u32 s1, $0x11  }
0xca: {  	s0 =	sor.u32 s1, s0  }
0xcb: {  	s0 =	sadd.s32 $0x8F2B, s0  }
0xcc: {  	[sflag:s0] =	ssyncadd.remote.s32 $0x1  }
0xcd: {  	_ =	sfence.sel $0xFFFF  }
0xce: {  	[dreg:$0x0] =	wrdreg $0xFFFFFFFF;
	(pc) =	sbr.abs _section_cstart, $3  }
0xcf: {  	[dreg:$0x1] =	wrdreg $0xFFFFFFFF  }
0xd0: {  	_ =	task.clear_ibuf [dreg:s22], $0x2FFFF;
	_ =	strace $0x9FFFFFFF  }
0xd1: {  	(tm) =	ssettm $0x7FFFFFFF  }
tec
execute0_lowered:
.L_overlay_start_1:
0x0: {  	(tag) =	ssettag $0x1  }
0x1: {  	s5 =	rddreg [dreg:$0x0]  }
0x2: {  	s1 =	rddreg [dreg:$0x1];
	s2 =	srdreg.scid  }
0x3: {  	s0 =	rddreg [dreg:$0x2];
	s3 =	simm.s32 $0x0;
	s6 =	sand.u32 $0x1, s2  }
0x4: {  	s13 =	simm.s32 $0x100;
	s2 =	stileid.u32;
	s7 =	smul.u32 $0x148000, s6  }
0x5: {  	s14 =	simm.s32 $0x1;
	s17 =	simm.s32 $0x0;
	s8 =	smul.u32 $0x14800, s2  }
0x6: {  	[smem:$0x7FF] =	sst s3;
	s4 =	sadd.s32 $0x593800, s5;
	s9 =	smul.u32 $0x4100, s6  }
0x7: {  	_ =	strace $0x80000056;
	s10 =	smul.u32 $0x52000, s2;
	s6 =	ssub.s32 $0x2, s6  }
0x8: {  	s12 =	smul.u32 $0x410, s2;
	s15 =	sshll.u32 s2, $0x6;
	s11 =	sshrl.u32 s6, $0x1  }
0x9: {  	s15 =	sor.u32 $0x1C02, s15;
	s7 =	sadd.s32 s8, s7;
	s9 =	sadd.s32 s9, s5  }
0xa: {  	s10 =	sshrl.u32 s10, $0x2;
	s11 =	ssub.s32 s6, s11;
	s16 =	sadd.s32 s8, s1  }
0xb: {  	s7 =	sshrl.u32 s7, $0x3;
	s9 =	sadd.s32 s12, s9;
	s12 =	simm.s32 $0x80  }
0xc: {  	s16 =	sshrl.u32 s16, $0x3;
	s7 =	sadd.s32 s7, s5;
	s5 =	sadd.s32 s10, s1  }
0xd: {  	s8 =	sadd.s32 $0x7AA00, s9;
	s9 =	sadd.s32 $0x31400, s9;
	s10 =	simm.s32 $0x900  }
0xe: {  	v0 =	vimm.f32 $0.0e+00;
	s6 =	sadd.s32 $0x945800, s7;
	s7 =	smax.u32 s11, $0x1;
	s11 =	simm.s32 $0x2  }
.LBB2_1:
0xf: {  	s18 =	simm.s32 $0x0  }
.LBB2_2:
0x10: {  	p0 =	sne.s32 s18, $0x1FC0  }
.Ltmp0:
0x11: {  	_ = 	snop;
	(pc) =	sbr.rel @p0 .LBB2_2-.Ltmp0, $3  }
0x12: {  	_ =	sdelay $0x1  }
0x13: {  	s19 =	sshra.s32 s18, $0x2  }
0x14: {  	s18 =	sadd.s32 $0x40, s18;
	[tilespmem:s19+$0x900] =	vst v0  }
0x15: {  	s18 =	sadd.s32 $0x0, s5  }
0x16: {  	[spmem:s18] =	stream.linear.scatter [tilespmem:s10], [sflag:$0x2], $0x800, $0x38;
	[tilespmem:$0x15900] =	vst v63  }
0x17: {  	s18 =	simm.s32 $0x2000;
	_ =	swait.ge [sflag:s11], $0x800  }
.LBB2_4:
0x18: {  	s19 =	sshra.s32 s18, $0x2;
	[sflag:s11] =	ssyncset.done $0x0;
	p0 =	sne.s32 s18, $0x50000  }
.Ltmp1:
0x19: {  	s19 =	sadd.s32 s19, s5;
	[sflag:s11] =	ssyncadd.s32 $0xFFFFF800;
	(pc) =	sbr.rel @p0 .LBB2_4-.Ltmp1, $3  }
0x1a: {  	[spmem:s19] =	stream.linear.scatter [tilespmem:s10], [sflag:$0x2], $0x800, $0x38;
	[tilespmem:$0x15900] =	vst v63  }
0x1b: {  	s18 =	sadd.s32 $0x2000, s18;
	_ =	sdelay $0x1  }
0x1c: {  	_ =	swait.ge [sflag:s11], $0x800  }
0x1d: {  	[sflag:s11] =	ssyncset.done $0x0  }
0x1e: {  	[sflag:s11] =	ssyncadd.s32 $0xFFFFF800  }
0x1f: {  	s18 =	sadd.s32 $0x0, s9;
	[bflag:$0x0] =	sbarrier.arrive $0xFFFF  }
0x20: {  	[tilespmem:s3], [sflag:$0x2] =	stream.linear.gather [hbm4b:s18+s3], $0x80, $0x38;
	[tilespmem:$0x15900] =	vst v63  }
0x21: {  	_ =	swait.ge [sflag:s11], $0x80  }
0x22: {  	[sflag:s11] =	ssyncset.done $0x0  }
0x23: {  	s31 =	sadd.s32 $0x0, s8;
	[sflag:s11] =	ssyncadd.s32 $0xFFFFFF80  }
0x24: {  	[tilespmem:s12], [sflag:$0x2] =	stream.linear.gather [hbm4b:s31+s3], $0x80, $0x38;
	[tilespmem:$0x15900] =	vst v63  }
0x25: {  	_ =	swait.ge [sflag:s11], $0x80  }
0x26: {  	[sflag:s11] =	ssyncset.done $0x0  }
0x27: {  	[sflag:s11] =	ssyncadd.s32 $0xFFFFFF80  }
0x28: {  	[tilespmem:s13], [sflag:$0x1] =	stream.indirect.gather [hbm4b:s4+s12], $0x10, s3, s12, $0xb8;
	[tilespmem:$0x15900] =	vst v63  }
0x29: {  	_ =	swait.ge [sflag:s14], $0x800  }
0x2a: {  	[sflag:s14] =	ssyncset.done $0x0  }
0x2b: {  	[sflag:s14] =	ssyncadd.s32 $0xFFFFF800  }
0x2c: {  	[spmem:s1] =	stream.indirect.scatter.add.f32 [tilespmem:s13], [sflag:$0x2], $0x10, s12, s12, $0xb8;
	[tilespmem:$0x15900] =	vst v63  }
0x2d: {  	_ =	swait.ge [sflag:s11], $0x800  }
0x2e: {  	s19 =	simm.s32 $0x20;
	s18 =	simm.s32 $0x10;
	[sflag:s11] =	ssyncset.done $0x0  }
.LBB2_6:
0x2f: {  	s20 =	sadd.s32 s18, s9  }
0x30: {  	[sflag:s11] =	ssyncadd.s32 $0xFFFFF800;
	s21 =	smov.u32 s19;
	s22 =	sadd.s32 $0x10, s19  }
0x31: {  	[tilespmem:s3], [sflag:$0x2] =	stream.linear.gather [hbm4b:s20+s3], $0x80, $0x38;
	[tilespmem:$0x15900] =	vst v63  }
0x32: {  	p0 =	sne.s32 s19, $0x400;
	_ =	swait.ge [sflag:s11], $0x80  }
0x33: {  	[sflag:s11] =	ssyncset.done $0x0  }
0x34: {  	s19 =	sadd.s32 s18, s8;
	s18 =	smov.u32 s21;
	[sflag:s11] =	ssyncadd.s32 $0xFFFFFF80  }
0x35: {  	[tilespmem:s12], [sflag:$0x2] =	stream.linear.gather [hbm4b:s19+s3], $0x80, $0x38;
	[tilespmem:$0x15900] =	vst v63  }
0x36: {  	_ =	swait.ge [sflag:s11], $0x80  }
0x37: {  	[sflag:s11] =	ssyncset.done $0x0  }
0x38: {  	[sflag:s11] =	ssyncadd.s32 $0xFFFFFF80  }
0x39: {  	[tilespmem:s13], [sflag:$0x1] =	stream.indirect.gather [hbm4b:s4+s12], $0x10, s3, s12, $0xb8;
	[tilespmem:$0x15900] =	vst v63  }
0x3a: {  	_ =	swait.ge [sflag:s14], $0x800  }
.Ltmp2:
0x3b: {  	[sflag:s14] =	ssyncset.done $0x0;
	(pc) =	sbr.rel @p0 .LBB2_6-.Ltmp2, $4  }
0x3c: {  	[sflag:s14] =	ssyncadd.s32 $0xFFFFF800  }
0x3d: {  	[spmem:s1] =	stream.indirect.scatter.add.f32 [tilespmem:s13], [sflag:$0x2], $0x10, s12, s12, $0xb8;
	[tilespmem:$0x15900] =	vst v63  }
0x3e: {  	_ =	swait.ge [sflag:s11], $0x800  }
0x3f: {  	s19 =	smov.u32 s22;
	[sflag:s11] =	ssyncset.done $0x0  }
0x40: {  	s19 =	sadd.s32 s18, s9;
	[sflag:s11] =	ssyncadd.s32 $0xFFFFF800  }
0x41: {  	[tilespmem:s3], [sflag:$0x2] =	stream.linear.gather [hbm4b:s19+s3], $0x80, $0x38;
	[tilespmem:$0x15900] =	vst v63  }
0x42: {  	_ =	swait.ge [sflag:s11], $0x80  }
0x43: {  	[sflag:s11] =	ssyncset.done $0x0  }
0x44: {  	s31 =	sadd.s32 s18, s8;
	[sflag:s11] =	ssyncadd.s32 $0xFFFFFF80  }
0x45: {  	[tilespmem:s12], [sflag:$0x2] =	stream.linear.gather [hbm4b:s31+s3], $0x80, $0x38;
	[tilespmem:$0x15900] =	vst v63  }
0x46: {  	_ =	swait.ge [sflag:s11], $0x80  }
0x47: {  	[sflag:s11] =	ssyncset.done $0x0  }
0x48: {  	[sflag:s11] =	ssyncadd.s32 $0xFFFFFF80  }
0x49: {  	[tilespmem:s13], [sflag:$0x1] =	stream.indirect.gather [hbm4b:s4+s12], $0x10, s3, s12, $0xb8;
	[tilespmem:$0x15900] =	vst v63  }
0x4a: {  	_ =	swait.ge [sflag:s14], $0x800  }
0x4b: {  	[sflag:s14] =	ssyncset.done $0x0  }
0x4c: {  	[sflag:s14] =	ssyncadd.s32 $0xFFFFF800  }
0x4d: {  	[spmem:s1] =	stream.indirect.scatter.add.f32 [tilespmem:s13], [sflag:$0x2], $0x10, s12, s12, $0xb8;
	[tilespmem:$0x15900] =	vst v63  }
0x4e: {  	_ =	swait.ge [sflag:s11], $0x800  }
0x4f: {  	s17 =	sadd.s32 $0x1, s17;
	[sflag:s11] =	ssyncset.done $0x0  }
0x50: {  	p0 =	sne.s32 s17, s7;
	[sflag:s11] =	ssyncadd.s32 $0xFFFFF800  }
.Ltmp3:
0x51: {  	[bflag:$0x0] =	sbarrier.arrive $0xFFFF;
	(pc) =	sbr.rel @p0 .LBB2_1-.Ltmp3, $4  }
0x52: {  	[hbm:s6], [sflag:s15] =	dma.local [spmem:s16], $0x2900  }
0x53: {  	_ =	swait.ge [sflag:s11], $0x2900  }
0x54: {  	[sflag:s11] =	ssyncset.done $0x0  }
0x55: {  	[sflag:s11] =	ssyncadd.s32 $0xFFFFD700  }
0x56: {  	_ =	sfence.sel $0x180000  }
0x57: {  	[bflag:$0x0] =	sbarrier.arrive $0xFFFF  }
0x58: {  	p0 =	sne.s32 s2, $0x0;
	_ =	strace $0x90000056  }
0x59: {  	s0 =	sadd.s32 @!p0 $0x100000, s0;
	[bflag:$0x2] =	sbarrier.arrive $0xFFFF  }
0x5a: {  	[sflag:s0] =	ssyncadd.tile.s32 @!p0 $0x1;
	_ =	shalt  }
.Lfunc_end2:
_tile_overlayer_lowered:
.L_overlay_start_2:
0x5b: {  	(tag) =	ssettag $0x2  }
0x5c: {  	s0 =	rddreg [dreg:$0x0];
	s2 =	stileid.u32  }
0x5d: {  	s1 =	rddreg [dreg:$0x1];
	p0 =	sne.s32 s2, $0x0  }
0x5e: {  	s3 =	rddreg [dreg:$0x2];
	[bflag:$0x3] =	sbarrier.arrive $0xFFFF;
	s2 =	simm.s32 @!p0 $0x1C02  }
0x5f: {  	[timem:s3], [sflag:s2] =	dma.local @!p0 [hbm:s0], s1  }
0x60: {  	s0 =	simm.s32 @!p0 $0x2  }
0x61: {  	_ =	swait.ge @!p0 [sflag:s0], s1  }
0x62: {  	s1 =	ssub.s32 @!p0 $0x0, s1;
	[sflag:s0] =	ssyncset.done @!p0 $0x0  }
0x63: {  	[sflag:s0] =	ssyncadd.s32 @!p0 s1  }
0x64: {  	[bflag:$0x3] =	sbarrier.arrive $0xFFFF  }
0x65: {  	_ =	shalt  }

// kernel: kernel.36.cloned.1.call-start
scs
__scs_entry_jumppad:
0x0: {  	(pc) =	sbr.rel $0x88, $3  }
0x1: {  	(tag) =	ssettag $0x0;
	lr =	simm.s32 $0x1  }
0x2: {  	[smem:$0x3F87] =	sst lr;
	_ =	strace $0xD0000000  }
0x3: {  	_ = 	snop  }
0x4: {  	_ = 	snop  }
0x5: {  	_ = 	snop  }
0x6: {  	_ = 	snop  }
0x7: {  	_ = 	snop  }
__scs_overlays_trampoline_lowered:
0x8: {  	[smem:$0x3F96] =	sst s0  }
0x9: {  	[smem:$0x3F97] =	sst s1  }
0xa: {  	[smem:$0x3F98] =	sst s2  }
0xb: {  	[smem:$0x3F99] =	sst s3  }
0xc: {  	[smem:$0x3F9A] =	sst s4  }
0xd: {  	[smem:$0x3F9B] =	sst s5  }
0xe: {  	[smem:$0x3F9C] =	sst s6  }
0xf: {  	[smem:$0x3F9D] =	sst s7  }
0x10: {  	[smem:$0x3F9E] =	sst s8  }
0x11: {  	[smem:$0x3F9F] =	sst s9;
	s0 =	simm.s32 @!p0 $0x0  }
0x12: {  	s1 =	sld [smem:$0x3F85];
	s0 =	simm.s32 @p0 $0x1  }
0x13: {  	[smem:$0x3FA0] =	sst s0;
	s0 =	simm.s32 @!p1 $0x0  }
0x14: {  	s2 =	sld [smem:$0x3F84];
	s0 =	simm.s32 @p1 $0x1  }
0x15: {  	[smem:$0x3FA1] =	sst s0;
	s0 =	simm.s32 @!p2 $0x0  }
0x16: {  	s3 =	sld [smem:$0x3FDB];
	s0 =	simm.s32 @p2 $0x1  }
0x17: {  	s4 =	simm.s32 $0x1BF5;
	[smem:$0x3FA3] =	sst s0  }
0x18: {  	s0 =	sld [smem:$0x3F86];
	_ =	swait.ge [sflag:s4], $0x0  }
0x19: {  	s7 =	sld [smem:$0x3F87]  }
0x1a: {  	s8 =	sadd.s32 $0xFFFFE003, lr  }
0x1b: {  	s9 =	sadd.s32 $0xFFFFFEF7, lr;
	s5 =	simm.s32 $0xFFFFFFFF;
	p2 =	slt.u32 s8, $0xFFFFF086  }
0x1c: {  	p1 =	slt.u32 s9, $0xF7A;
	s5 =	simm.s32 @!p2 $0x0  }
0x1d: {  	s5 =	simm.s32 @p1 $0x1;
	p0 =	seq.s32 s7, s2  }
0x1e: {  	s7 =	smul.u32 @!p0 $0xF7A, s2;
	p2 =	seq.s32 @!p0 s5, $0x0  }
0x1f: {  	s9 =	smul.u32 $0xF7A, s1;
	s8 =	simm.s32 @!p0 $0x1BF5;
	p2 =	por !p2, p0  }
0x20: {  	[sflag:s8] =	ssyncset.s32 @!p0 $0xFFFFF086;
	s6 =	sadd.s32 @!p0 s3, s7;
	s7 =	simm.s32 @!p0 $0x108  }
0x21: {  	s3 =	sadd.s32 s3, s9;
	s6 =	sadd.s32 @!p0 $0x88, s6;
	s7 =	simm.s32 @p2 $0x1082  }
0x22: {  	[simem:s7], [sflag:s8] =	dma.local @!p0 [hbm:s6], $0xF7A  }
0x23: {  	s9 =	sor.u32 $0xD0000000, s2;
	s6 =	simm.s32 $0x108;
	_ =	swait.ge @!p0 [sflag:s8], $0x0  }
0x24: {  	s3 =	sadd.s32 $0x88, s3;
	s6 =	simm.s32 @!p1 $0x1082;
	[sflag:s4] =	ssyncset.s32 $0xFFFFF086  }
0x25: {  	[simem:s6], [sflag:s4] =	dma.local [hbm:s3], $0xF7A  }
0x26: {  	[smem:$0x3F87] =	sst s1;
	(tag) =	ssettag s2;
	_ =	strace s9  }
0x27: {  	s1 =	sld [smem:$0x3F97]  }
0x28: {  	s2 =	sld [smem:$0x3F98]  }
0x29: {  	s4 =	sld [smem:$0x3F9A]  }
0x2a: {  	p0 =	seq.s32 s5, $0x0;
	s5 =	sld [smem:$0x3F9B]  }
0x2b: {  	s6 =	sld [smem:$0x3F9C]  }
0x2c: {  	s7 =	sld [smem:$0x3F9D]  }
0x2d: {  	s3 =	simm.s32 $0x108;
	s8 =	sld [smem:$0x3F9E]  }
0x2e: {  	s3 =	simm.s32 @!p0 $0x1082;
	s9 =	sld [smem:$0x3F9F]  }
0x2f: {  	lr =	sadd.s32 s0, s3;
	s0 =	sld [smem:$0x3F96]  }
0x30: {  	s3 =	sld [smem:$0x3F99]  }
0x31: {  	[smem:$0x3FA2] =	sst s10  }
0x32: {  	s10 =	sld [smem:$0x3FA0];
	_ =	sdelay $0x3  }
0x33: {  	p0 =	seq.s32 s10, $0x1;
	s10 =	sld [smem:$0x3FA2];
	_ =	sdelay $0x3  }
0x34: {  	[smem:$0x3FA2] =	sst s10  }
0x35: {  	s10 =	sld [smem:$0x3FA1];
	_ =	sdelay $0x3  }
0x36: {  	p1 =	seq.s32 s10, $0x1;
	s10 =	sld [smem:$0x3FA2];
	_ =	sdelay $0x3  }
0x37: {  	[smem:$0x3FA2] =	sst s10  }
0x38: {  	s10 =	sld [smem:$0x3FA3]  }
0x39: {  	_ = 	snop;
	(pc) =	sbr.ind lr, $3  }
0x3a: {  	_ = 	snop  }
0x3b: {  	_ = 	snop  }
0x3c: {  	p2 =	seq.s32 s10, $0x1;
	s10 =	sld [smem:$0x3FA2]  }
0x3d: {  	_ =	shalt  }
0x3e: {  	_ =	shalt  }
0x3f: {  	_ =	shalt  }
0x40: {  	_ =	shalt  }
0x41: {  	_ =	shalt  }
0x42: {  	_ =	shalt  }
0x43: {  	_ =	shalt  }
0x44: {  	_ =	shalt  }
0x45: {  	_ =	shalt  }
0x46: {  	_ =	shalt  }
0x47: {  	_ =	shalt  }
0x48: {  	_ =	shalt  }
0x49: {  	_ =	shalt  }
0x4a: {  	_ =	shalt  }
0x4b: {  	_ =	shalt  }
0x4c: {  	_ =	shalt  }
0x4d: {  	_ =	shalt  }
0x4e: {  	_ =	shalt  }
0x4f: {  	_ =	shalt  }
0x50: {  	_ =	shalt  }
0x51: {  	_ =	shalt  }
0x52: {  	_ =	shalt  }
0x53: {  	_ =	shalt  }
0x54: {  	_ =	shalt  }
0x55: {  	_ =	shalt  }
0x56: {  	_ =	shalt  }
0x57: {  	_ =	shalt  }
0x58: {  	_ =	shalt  }
0x59: {  	_ =	shalt  }
0x5a: {  	_ =	shalt  }
0x5b: {  	_ =	shalt  }
0x5c: {  	_ =	shalt  }
0x5d: {  	_ =	shalt  }
0x5e: {  	_ =	shalt  }
0x5f: {  	_ =	shalt  }
0x60: {  	_ =	shalt  }
0x61: {  	_ =	shalt  }
0x62: {  	_ =	shalt  }
0x63: {  	_ =	shalt  }
0x64: {  	_ =	shalt  }
0x65: {  	_ =	shalt  }
0x66: {  	_ =	shalt  }
0x67: {  	_ =	shalt  }
0x68: {  	_ =	shalt  }
0x69: {  	_ =	shalt  }
0x6a: {  	_ =	shalt  }
0x6b: {  	_ =	shalt  }
0x6c: {  	_ =	shalt  }
0x6d: {  	_ =	shalt  }
0x6e: {  	_ =	shalt  }
0x6f: {  	_ =	shalt  }
0x70: {  	_ =	shalt  }
0x71: {  	_ =	shalt  }
0x72: {  	_ =	shalt  }
0x73: {  	_ =	shalt  }
0x74: {  	_ =	shalt  }
0x75: {  	_ =	shalt  }
0x76: {  	_ =	shalt  }
0x77: {  	_ =	shalt  }
0x78: {  	_ =	shalt  }
0x79: {  	_ =	shalt  }
0x7a: {  	_ =	shalt  }
0x7b: {  	_ =	shalt  }
0x7c: {  	_ =	shalt  }
0x7d: {  	_ =	shalt  }
0x7e: {  	_ =	shalt  }
0x7f: {  	_ =	shalt  }
0x80: {  	_ =	shalt  }
0x81: {  	_ =	shalt  }
0x82: {  	_ =	shalt  }
0x83: {  	_ =	shalt  }
0x84: {  	_ =	shalt  }
0x85: {  	_ =	shalt  }
0x86: {  	_ =	shalt  }
0x87: {  	_ =	shalt  }
.Lfunc_end0:
.L_simem_size_0:
called_computation.5_lowered:
.L_overlay_start_0:
0x88: {  	s2 =	sld [smem:$0x3FD9]  }
0x89: {  	s3 =	sld [smem:$0x3FFE];
	_ =	sdelay $0x1  }
0x8a: {  	s1 =	srdreg.scid  }
0x8b: {  	s0 =	sand.u32 $0x1, s1  }
0x8c: {  	s16 =	sshll.u32 s0, $0xA;
	s2 =	sadd.s32 s3, s2  }
0x8d: {  	s2 =	sadd.s32 s2, s16  }
0x8e: {  	[smem:$0x3FAE] =	sst s2  }
0x8f: {  	_ = 	snop  }
0x90: {  	(tm) =	ssettm $0x1  }
0x91: {  	s17 =	sld [smem:$0x3FFB];
	_ =	sdelay $0x3  }
0x92: {  	_ =	strace s17  }
0x93: {  	s2 =	sld [smem:$0x3FFC];
	_ =	sdelay $0x3  }
0x94: {  	_ =	strace s2  }
0x95: {  	s2 =	sld [smem:$0x3FFD];
	_ =	sdelay $0x3  }
0x96: {  	_ =	strace s2  }
0x97: {  	_ =	strace $0x8FFFFFFF  }
0x98: {  	s18 =	sld [smem:$0x3FDB];
	_ =	sdelay $0x1  }
0x99: {  	s19 =	simm.s32 $_scs_section_size  }
0x9a: {  	s4 =	simm.s32 $_size__tile_overlayer_lowered;
	s5 =	simm.s32 $_tile_overlayer_lowered  }
0x9b: {  	s22 =	simm.s32 $0x1BFF;
	s21 =	sshll.u32 s5, $0x1;
	s2 =	sadd.s32 s19, s18  }
0x9c: {  	s6 =	simm.s32 $0x0;
	s20 =	sshll.u32 s4, $0x1;
	s4 =	sadd.s32 s21, s2  }
0x9d: {  	[timem:s6], [sflag:s22] =	dma.local [hbm:s4], s20  }
0x9e: {  	_ =	swait.ge [sflag:s22], s20  }
0x9f: {  	s3 =	ssub.s32 $0x0, s20;
	[sflag:s22] =	ssyncset.done $0x0  }
0xa0: {  	[sflag:s22] =	ssyncadd.s32 s3;
	_ =	sdelay $0x1  }
0xa1: {  	s23 =	simm.s32 $0x1B8B  }
0xa2: {  	_ =	swait.ge [sflag:s23], $0x1  }
0xa3: {  	[sflag:s23] =	ssyncset.done $0x0  }
0xa4: {  	s25 =	simm.s32 $0x1B8E;
	s24 =	sld [smem:$0x3FFE];
	[sflag:s23] =	ssyncadd.s32 $0xFFFFFFFF  }
0xa5: {  	s26 =	simm.s32 $execute0_lowered;
	[smem:$0x3FD2] =	sst s25  }
0xa6: {  	s4 =	sshll.u32 s26, $0x1;
	_ =	strace $0x80000052;
	[dreg:$0x1] =	wrdreg $0xFFFFFFFF  }
0xa7: {  	s28 =	simm.s32 $_size_execute0_lowered;
	s2 =	sadd.s32 s2, s4;
	[dreg:$0x0] =	wrdreg $0x0  }
0xa8: {  	s4 =	sshll.u32 s28, $0x1;
	[dreg:$0x2] =	wrdreg s2  }
0xa9: {  	[dreg:$0x3] =	wrdreg s4  }
0xaa: {  	[dreg:$0x4] =	wrdreg $0xC0  }
0xab: {  	_ =	task [dreg:s6], $0x5FFFF  }
0xac: {  	[dreg:$0x1] =	wrdreg $0xFFFFFFFF  }
0xad: {  	[dreg:$0x0] =	wrdreg $0x60  }
0xae: {  	[dreg:$0x2] =	wrdreg s24  }
0xaf: {  	[dreg:$0x3] =	wrdreg $0x11000  }
0xb0: {  	[dreg:$0x4] =	wrdreg $0xA  }
0xb1: {  	_ =	task.clear_ibuf [dreg:s6], $0x5FFFF;
	_ =	strace $0x90000052  }
0xb2: {  	s29 =	simm.s32 $0xA;
	_ =	strace $0x80000054  }
0xb3: {  	_ =	swait.ge [sflag:s29], $0x1  }
0xb4: {  	[sflag:s29] =	ssyncadd.s32 $0xFFFFFFFF  }
0xb5: {  	_ =	strace $0x90000054  }
0xb6: {  	_ =	sfence  }
0xb7: {  	s30 =	sld [smem:$0x0];
	_ =	sdelay $0x2  }
0xb8: {  	s31 =	sshll.u32 s1, $0xD;
	s1 =	sshrl.u32 s1, $0x2  }
0xb9: {  	s3 =	sand.u32 $0x4000, s31;
	s1 =	sadd.s32 s1, s30  }
0xba: {  	s0 =	sor.u32 s3, s0;
	s1 =	sshll.u32 s1, $0x11  }
0xbb: {  	s0 =	sor.u32 s1, s0  }
0xbc: {  	s0 =	sadd.s32 $0x8F2B, s0  }
0xbd: {  	[sflag:s0] =	ssyncadd.remote.s32 $0x1  }
0xbe: {  	_ =	sfence.sel $0xFFFF  }
0xbf: {  	[dreg:$0x0] =	wrdreg $0xFFFFFFFF;
	(pc) =	sbr.abs _section_cstart, $3  }
0xc0: {  	[dreg:$0x1] =	wrdreg $0xFFFFFFFF  }
0xc1: {  	_ =	task.clear_ibuf [dreg:s6], $0x2FFFF;
	_ =	strace $0x9FFFFFFF  }
0xc2: {  	(tm) =	ssettm $0x7FFFFFFF  }
0xc3: {  	_ =	shalt  }
tec
execute0_lowered:
.L_overlay_start_1:
0x0: {  	(tag) =	ssettag $0x1  }
0x1: {  	s5 =	rddreg [dreg:$0x0]  }
0x2: {  	s1 =	rddreg [dreg:$0x1];
	s2 =	srdreg.scid  }
0x3: {  	s0 =	rddreg [dreg:$0x2];
	s3 =	simm.s32 $0x0;
	s6 =	sand.u32 $0x1, s2  }
0x4: {  	s13 =	simm.s32 $0x100;
	s2 =	stileid.u32;
	s7 =	smul.u32 $0x148000, s6  }
0x5: {  	s14 =	simm.s32 $0x1;
	s17 =	simm.s32 $0x0;
	s8 =	smul.u32 $0x14800, s2  }
0x6: {  	[smem:$0x7FF] =	sst s3;
	s4 =	sadd.s32 $0x593800, s5;
	s9 =	smul.u32 $0x4100, s6  }
0x7: {  	_ =	strace $0x80000053;
	s10 =	smul.u32 $0x52000, s2;
	s6 =	ssub.s32 $0x2, s6  }
0x8: {  	s12 =	smul.u32 $0x410, s2;
	s15 =	sshll.u32 s2, $0x6;
	s11 =	sshrl.u32 s6, $0x1  }
0x9: {  	s15 =	sor.u32 $0x1C02, s15;
	s7 =	sadd.s32 s8, s7;
	s9 =	sadd.s32 s9, s5  }
0xa: {  	s10 =	sshrl.u32 s10, $0x2;
	s11 =	ssub.s32 s6, s11;
	s16 =	sadd.s32 s8, s1  }
0xb: {  	s7 =	sshrl.u32 s7, $0x3;
	s9 =	sadd.s32 s12, s9;
	s12 =	simm.s32 $0x80  }
0xc: {  	s16 =	sshrl.u32 s16, $0x3;
	s7 =	sadd.s32 s7, s5;
	s5 =	sadd.s32 s10, s1  }
0xd: {  	s8 =	sadd.s32 $0x7AA00, s9;
	s9 =	sadd.s32 $0x82C00, s9;
	s10 =	simm.s32 $0x900  }
0xe: {  	v0 =	vimm.f32 $0.0e+00;
	s6 =	sadd.s32 $0x8F3800, s7;
	s7 =	smax.u32 s11, $0x1;
	s11 =	simm.s32 $0x2  }
.LBB2_1:
0xf: {  	s18 =	simm.s32 $0x0  }
.LBB2_2:
0x10: {  	p0 =	sne.s32 s18, $0x1FC0  }
.Ltmp0:
0x11: {  	_ = 	snop;
	(pc) =	sbr.rel @p0 .LBB2_2-.Ltmp0, $3  }
0x12: {  	_ =	sdelay $0x1  }
0x13: {  	s19 =	sshra.s32 s18, $0x2  }
0x14: {  	s18 =	sadd.s32 $0x40, s18;
	[tilespmem:s19+$0x900] =	vst v0  }
0x15: {  	s18 =	sadd.s32 $0x0, s5  }
0x16: {  	[spmem:s18] =	stream.linear.scatter [tilespmem:s10], [sflag:$0x2], $0x800, $0x38;
	[tilespmem:$0x15900] =	vst v63  }
0x17: {  	s18 =	simm.s32 $0x2000;
	_ =	swait.ge [sflag:s11], $0x800  }
.LBB2_4:
0x18: {  	s19 =	sshra.s32 s18, $0x2;
	[sflag:s11] =	ssyncset.done $0x0;
	p0 =	sne.s32 s18, $0x50000  }
.Ltmp1:
0x19: {  	s19 =	sadd.s32 s19, s5;
	[sflag:s11] =	ssyncadd.s32 $0xFFFFF800;
	(pc) =	sbr.rel @p0 .LBB2_4-.Ltmp1, $3  }
0x1a: {  	[spmem:s19] =	stream.linear.scatter [tilespmem:s10], [sflag:$0x2], $0x800, $0x38;
	[tilespmem:$0x15900] =	vst v63  }
0x1b: {  	s18 =	sadd.s32 $0x2000, s18;
	_ =	sdelay $0x1  }
0x1c: {  	_ =	swait.ge [sflag:s11], $0x800  }
0x1d: {  	[sflag:s11] =	ssyncset.done $0x0  }
0x1e: {  	[sflag:s11] =	ssyncadd.s32 $0xFFFFF800  }
0x1f: {  	s18 =	sadd.s32 $0x0, s9;
	[bflag:$0x0] =	sbarrier.arrive $0xFFFF  }
0x20: {  	[tilespmem:s3], [sflag:$0x2] =	stream.linear.gather [hbm4b:s18+s3], $0x80, $0x38;
	[tilespmem:$0x15900] =	vst v63  }
0x21: {  	_ =	swait.ge [sflag:s11], $0x80  }
0x22: {  	[sflag:s11] =	ssyncset.done $0x0  }
0x23: {  	s31 =	sadd.s32 $0x0, s8;
	[sflag:s11] =	ssyncadd.s32 $0xFFFFFF80  }
0x24: {  	[tilespmem:s12], [sflag:$0x2] =	stream.linear.gather [hbm4b:s31+s3], $0x80, $0x38;
	[tilespmem:$0x15900] =	vst v63  }
0x25: {  	_ =	swait.ge [sflag:s11], $0x80  }
0x26: {  	[sflag:s11] =	ssyncset.done $0x0  }
0x27: {  	[sflag:s11] =	ssyncadd.s32 $0xFFFFFF80  }
0x28: {  	[tilespmem:s13], [sflag:$0x1] =	stream.indirect.gather [hbm4b:s4+s12], $0x10, s3, s12, $0xb8;
	[tilespmem:$0x15900] =	vst v63  }
0x29: {  	_ =	swait.ge [sflag:s14], $0x800  }
0x2a: {  	[sflag:s14] =	ssyncset.done $0x0  }
0x2b: {  	[sflag:s14] =	ssyncadd.s32 $0xFFFFF800  }
0x2c: {  	[spmem:s1] =	stream.indirect.scatter.add.f32 [tilespmem:s13], [sflag:$0x2], $0x10, s12, s12, $0xb8;
	[tilespmem:$0x15900] =	vst v63  }
0x2d: {  	_ =	swait.ge [sflag:s11], $0x800  }
0x2e: {  	s19 =	simm.s32 $0x20;
	s18 =	simm.s32 $0x10;
	[sflag:s11] =	ssyncset.done $0x0  }
.LBB2_6:
0x2f: {  	s20 =	sadd.s32 s18, s9  }
0x30: {  	[sflag:s11] =	ssyncadd.s32 $0xFFFFF800;
	s21 =	smov.u32 s19;
	s22 =	sadd.s32 $0x10, s19  }
0x31: {  	[tilespmem:s3], [sflag:$0x2] =	stream.linear.gather [hbm4b:s20+s3], $0x80, $0x38;
	[tilespmem:$0x15900] =	vst v63  }
0x32: {  	p0 =	sne.s32 s19, $0x400;
	_ =	swait.ge [sflag:s11], $0x80  }
0x33: {  	[sflag:s11] =	ssyncset.done $0x0  }
0x34: {  	s19 =	sadd.s32 s18, s8;
	s18 =	smov.u32 s21;
	[sflag:s11] =	ssyncadd.s32 $0xFFFFFF80  }
0x35: {  	[tilespmem:s12], [sflag:$0x2] =	stream.linear.gather [hbm4b:s19+s3], $0x80, $0x38;
	[tilespmem:$0x15900] =	vst v63  }
0x36: {  	_ =	swait.ge [sflag:s11], $0x80  }
0x37: {  	[sflag:s11] =	ssyncset.done $0x0  }
0x38: {  	[sflag:s11] =	ssyncadd.s32 $0xFFFFFF80  }
0x39: {  	[tilespmem:s13], [sflag:$0x1] =	stream.indirect.gather [hbm4b:s4+s12], $0x10, s3, s12, $0xb8;
	[tilespmem:$0x15900] =	vst v63  }
0x3a: {  	_ =	swait.ge [sflag:s14], $0x800  }
.Ltmp2:
0x3b: {  	[sflag:s14] =	ssyncset.done $0x0;
	(pc) =	sbr.rel @p0 .LBB2_6-.Ltmp2, $4  }
0x3c: {  	[sflag:s14] =	ssyncadd.s32 $0xFFFFF800  }
0x3d: {  	[spmem:s1] =	stream.indirect.scatter.add.f32 [tilespmem:s13], [sflag:$0x2], $0x10, s12, s12, $0xb8;
	[tilespmem:$0x15900] =	vst v63  }
0x3e: {  	_ =	swait.ge [sflag:s11], $0x800  }
0x3f: {  	s19 =	smov.u32 s22;
	[sflag:s11] =	ssyncset.done $0x0  }
0x40: {  	s19 =	sadd.s32 s18, s9;
	[sflag:s11] =	ssyncadd.s32 $0xFFFFF800  }
0x41: {  	[tilespmem:s3], [sflag:$0x2] =	stream.linear.gather [hbm4b:s19+s3], $0x80, $0x38;
	[tilespmem:$0x15900] =	vst v63  }
0x42: {  	_ =	swait.ge [sflag:s11], $0x80  }
0x43: {  	[sflag:s11] =	ssyncset.done $0x0  }
0x44: {  	s31 =	sadd.s32 s18, s8;
	[sflag:s11] =	ssyncadd.s32 $0xFFFFFF80  }
0x45: {  	[tilespmem:s12], [sflag:$0x2] =	stream.linear.gather [hbm4b:s31+s3], $0x80, $0x38;
	[tilespmem:$0x15900] =	vst v63  }
0x46: {  	_ =	swait.ge [sflag:s11], $0x80  }
0x47: {  	[sflag:s11] =	ssyncset.done $0x0  }
0x48: {  	[sflag:s11] =	ssyncadd.s32 $0xFFFFFF80  }
0x49: {  	[tilespmem:s13], [sflag:$0x1] =	stream.indirect.gather [hbm4b:s4+s12], $0x10, s3, s12, $0xb8;
	[tilespmem:$0x15900] =	vst v63  }
0x4a: {  	_ =	swait.ge [sflag:s14], $0x800  }
0x4b: {  	[sflag:s14] =	ssyncset.done $0x0  }
0x4c: {  	[sflag:s14] =	ssyncadd.s32 $0xFFFFF800  }
0x4d: {  	[spmem:s1] =	stream.indirect.scatter.add.f32 [tilespmem:s13], [sflag:$0x2], $0x10, s12, s12, $0xb8;
	[tilespmem:$0x15900] =	vst v63  }
0x4e: {  	_ =	swait.ge [sflag:s11], $0x800  }
0x4f: {  	s17 =	sadd.s32 $0x1, s17;
	[sflag:s11] =	ssyncset.done $0x0  }
0x50: {  	p0 =	sne.s32 s17, s7;
	[sflag:s11] =	ssyncadd.s32 $0xFFFFF800  }
.Ltmp3:
0x51: {  	[bflag:$0x0] =	sbarrier.arrive $0xFFFF;
	(pc) =	sbr.rel @p0 .LBB2_1-.Ltmp3, $4  }
0x52: {  	[hbm:s6], [sflag:s15] =	dma.local [spmem:s16], $0x2900  }
0x53: {  	_ =	swait.ge [sflag:s11], $0x2900  }
0x54: {  	[sflag:s11] =	ssyncset.done $0x0  }
0x55: {  	[sflag:s11] =	ssyncadd.s32 $0xFFFFD700  }
0x56: {  	_ =	sfence.sel $0x180000  }
0x57: {  	[bflag:$0x0] =	sbarrier.arrive $0xFFFF  }
0x58: {  	p0 =	sne.s32 s2, $0x0;
	_ =	strace $0x90000053  }
0x59: {  	s0 =	sadd.s32 @!p0 $0x100000, s0;
	[bflag:$0x2] =	sbarrier.arrive $0xFFFF  }
0x5a: {  	[sflag:s0] =	ssyncadd.tile.s32 @!p0 $0x1;
	_ =	shalt  }
.Lfunc_end2:
_tile_overlayer_lowered:
.L_overlay_start_2:
0x5b: {  	(tag) =	ssettag $0x2  }
0x5c: {  	s0 =	rddreg [dreg:$0x0];
	s2 =	stileid.u32  }
0x5d: {  	s1 =	rddreg [dreg:$0x1];
	p0 =	sne.s32 s2, $0x0  }
0x5e: {  	s3 =	rddreg [dreg:$0x2];
	[bflag:$0x3] =	sbarrier.arrive $0xFFFF;
	s2 =	simm.s32 @!p0 $0x1C02  }
0x5f: {  	[timem:s3], [sflag:s2] =	dma.local @!p0 [hbm:s0], s1  }
0x60: {  	s0 =	simm.s32 @!p0 $0x2  }
0x61: {  	_ =	swait.ge @!p0 [sflag:s0], s1  }
0x62: {  	s1 =	ssub.s32 @!p0 $0x0, s1;
	[sflag:s0] =	ssyncset.done @!p0 $0x0  }
0x63: {  	[sflag:s0] =	ssyncadd.s32 @!p0 s1  }
0x64: {  	[bflag:$0x3] =	sbarrier.arrive $0xFFFF  }
0x65: {  	_ =	shalt  }

// kernel: kernel.39.cloned.1.call-start
scs
__scs_entry_jumppad:
0x0: {  	(pc) =	sbr.rel $0x88, $3  }
0x1: {  	(tag) =	ssettag $0x0;
	lr =	simm.s32 $0x1  }
0x2: {  	[smem:$0x3F87] =	sst lr;
	_ =	strace $0xD0000000  }
0x3: {  	_ = 	snop  }
0x4: {  	_ = 	snop  }
0x5: {  	_ = 	snop  }
0x6: {  	_ = 	snop  }
0x7: {  	_ = 	snop  }
__scs_overlays_trampoline_lowered:
0x8: {  	[smem:$0x3F96] =	sst s0  }
0x9: {  	[smem:$0x3F97] =	sst s1  }
0xa: {  	[smem:$0x3F98] =	sst s2  }
0xb: {  	[smem:$0x3F99] =	sst s3  }
0xc: {  	[smem:$0x3F9A] =	sst s4  }
0xd: {  	[smem:$0x3F9B] =	sst s5  }
0xe: {  	[smem:$0x3F9C] =	sst s6  }
0xf: {  	[smem:$0x3F9D] =	sst s7  }
0x10: {  	[smem:$0x3F9E] =	sst s8  }
0x11: {  	[smem:$0x3F9F] =	sst s9;
	s0 =	simm.s32 @!p0 $0x0  }
0x12: {  	s1 =	sld [smem:$0x3F85];
	s0 =	simm.s32 @p0 $0x1  }
0x13: {  	[smem:$0x3FA0] =	sst s0;
	s0 =	simm.s32 @!p1 $0x0  }
0x14: {  	s2 =	sld [smem:$0x3F84];
	s0 =	simm.s32 @p1 $0x1  }
0x15: {  	[smem:$0x3FA1] =	sst s0;
	s0 =	simm.s32 @!p2 $0x0  }
0x16: {  	s3 =	sld [smem:$0x3FDB];
	s0 =	simm.s32 @p2 $0x1  }
0x17: {  	s4 =	simm.s32 $0x1BF5;
	[smem:$0x3FA3] =	sst s0  }
0x18: {  	s0 =	sld [smem:$0x3F86];
	_ =	swait.ge [sflag:s4], $0x0  }
0x19: {  	s7 =	sld [smem:$0x3F87]  }
0x1a: {  	s8 =	sadd.s32 $0xFFFFE003, lr  }
0x1b: {  	s9 =	sadd.s32 $0xFFFFFEF7, lr;
	s5 =	simm.s32 $0xFFFFFFFF;
	p2 =	slt.u32 s8, $0xFFFFF086  }
0x1c: {  	p1 =	slt.u32 s9, $0xF7A;
	s5 =	simm.s32 @!p2 $0x0  }
0x1d: {  	s5 =	simm.s32 @p1 $0x1;
	p0 =	seq.s32 s7, s2  }
0x1e: {  	s7 =	smul.u32 @!p0 $0xF7A, s2;
	p2 =	seq.s32 @!p0 s5, $0x0  }
0x1f: {  	s9 =	smul.u32 $0xF7A, s1;
	s8 =	simm.s32 @!p0 $0x1BF5;
	p2 =	por !p2, p0  }
0x20: {  	[sflag:s8] =	ssyncset.s32 @!p0 $0xFFFFF086;
	s6 =	sadd.s32 @!p0 s3, s7;
	s7 =	simm.s32 @!p0 $0x108  }
0x21: {  	s3 =	sadd.s32 s3, s9;
	s6 =	sadd.s32 @!p0 $0x88, s6;
	s7 =	simm.s32 @p2 $0x1082  }
0x22: {  	[simem:s7], [sflag:s8] =	dma.local @!p0 [hbm:s6], $0xF7A  }
0x23: {  	s9 =	sor.u32 $0xD0000000, s2;
	s6 =	simm.s32 $0x108;
	_ =	swait.ge @!p0 [sflag:s8], $0x0  }
0x24: {  	s3 =	sadd.s32 $0x88, s3;
	s6 =	simm.s32 @!p1 $0x1082;
	[sflag:s4] =	ssyncset.s32 $0xFFFFF086  }
0x25: {  	[simem:s6], [sflag:s4] =	dma.local [hbm:s3], $0xF7A  }
0x26: {  	[smem:$0x3F87] =	sst s1;
	(tag) =	ssettag s2;
	_ =	strace s9  }
0x27: {  	s1 =	sld [smem:$0x3F97]  }
0x28: {  	s2 =	sld [smem:$0x3F98]  }
0x29: {  	s4 =	sld [smem:$0x3F9A]  }
0x2a: {  	p0 =	seq.s32 s5, $0x0;
	s5 =	sld [smem:$0x3F9B]  }
0x2b: {  	s6 =	sld [smem:$0x3F9C]  }
0x2c: {  	s7 =	sld [smem:$0x3F9D]  }
0x2d: {  	s3 =	simm.s32 $0x108;
	s8 =	sld [smem:$0x3F9E]  }
0x2e: {  	s3 =	simm.s32 @!p0 $0x1082;
	s9 =	sld [smem:$0x3F9F]  }
0x2f: {  	lr =	sadd.s32 s0, s3;
	s0 =	sld [smem:$0x3F96]  }
0x30: {  	s3 =	sld [smem:$0x3F99]  }
0x31: {  	[smem:$0x3FA2] =	sst s10  }
0x32: {  	s10 =	sld [smem:$0x3FA0];
	_ =	sdelay $0x3  }
0x33: {  	p0 =	seq.s32 s10, $0x1;
	s10 =	sld [smem:$0x3FA2];
	_ =	sdelay $0x3  }
0x34: {  	[smem:$0x3FA2] =	sst s10  }
0x35: {  	s10 =	sld [smem:$0x3FA1];
	_ =	sdelay $0x3  }
0x36: {  	p1 =	seq.s32 s10, $0x1;
	s10 =	sld [smem:$0x3FA2];
	_ =	sdelay $0x3  }
0x37: {  	[smem:$0x3FA2] =	sst s10  }
0x38: {  	s10 =	sld [smem:$0x3FA3]  }
0x39: {  	_ = 	snop;
	(pc) =	sbr.ind lr, $3  }
0x3a: {  	_ = 	snop  }
0x3b: {  	_ = 	snop  }
0x3c: {  	p2 =	seq.s32 s10, $0x1;
	s10 =	sld [smem:$0x3FA2]  }
0x3d: {  	_ =	shalt  }
0x3e: {  	_ =	shalt  }
0x3f: {  	_ =	shalt  }
0x40: {  	_ =	shalt  }
0x41: {  	_ =	shalt  }
0x42: {  	_ =	shalt  }
0x43: {  	_ =	shalt  }
0x44: {  	_ =	shalt  }
0x45: {  	_ =	shalt  }
0x46: {  	_ =	shalt  }
0x47: {  	_ =	shalt  }
0x48: {  	_ =	shalt  }
0x49: {  	_ =	shalt  }
0x4a: {  	_ =	shalt  }
0x4b: {  	_ =	shalt  }
0x4c: {  	_ =	shalt  }
0x4d: {  	_ =	shalt  }
0x4e: {  	_ =	shalt  }
0x4f: {  	_ =	shalt  }
0x50: {  	_ =	shalt  }
0x51: {  	_ =	shalt  }
0x52: {  	_ =	shalt  }
0x53: {  	_ =	shalt  }
0x54: {  	_ =	shalt  }
0x55: {  	_ =	shalt  }
0x56: {  	_ =	shalt  }
0x57: {  	_ =	shalt  }
0x58: {  	_ =	shalt  }
0x59: {  	_ =	shalt  }
0x5a: {  	_ =	shalt  }
0x5b: {  	_ =	shalt  }
0x5c: {  	_ =	shalt  }
0x5d: {  	_ =	shalt  }
0x5e: {  	_ =	shalt  }
0x5f: {  	_ =	shalt  }
0x60: {  	_ =	shalt  }
0x61: {  	_ =	shalt  }
0x62: {  	_ =	shalt  }
0x63: {  	_ =	shalt  }
0x64: {  	_ =	shalt  }
0x65: {  	_ =	shalt  }
0x66: {  	_ =	shalt  }
0x67: {  	_ =	shalt  }
0x68: {  	_ =	shalt  }
0x69: {  	_ =	shalt  }
0x6a: {  	_ =	shalt  }
0x6b: {  	_ =	shalt  }
0x6c: {  	_ =	shalt  }
0x6d: {  	_ =	shalt  }
0x6e: {  	_ =	shalt  }
0x6f: {  	_ =	shalt  }
0x70: {  	_ =	shalt  }
0x71: {  	_ =	shalt  }
0x72: {  	_ =	shalt  }
0x73: {  	_ =	shalt  }
0x74: {  	_ =	shalt  }
0x75: {  	_ =	shalt  }
0x76: {  	_ =	shalt  }
0x77: {  	_ =	shalt  }
0x78: {  	_ =	shalt  }
0x79: {  	_ =	shalt  }
0x7a: {  	_ =	shalt  }
0x7b: {  	_ =	shalt  }
0x7c: {  	_ =	shalt  }
0x7d: {  	_ =	shalt  }
0x7e: {  	_ =	shalt  }
0x7f: {  	_ =	shalt  }
0x80: {  	_ =	shalt  }
0x81: {  	_ =	shalt  }
0x82: {  	_ =	shalt  }
0x83: {  	_ =	shalt  }
0x84: {  	_ =	shalt  }
0x85: {  	_ =	shalt  }
0x86: {  	_ =	shalt  }
0x87: {  	_ =	shalt  }
.Lfunc_end0:
.L_simem_size_0:
called_computation.6_lowered:
.L_overlay_start_0:
0x88: {  	s2 =	sld [smem:$0x3FD9]  }
0x89: {  	s3 =	sld [smem:$0x3FFE];
	_ =	sdelay $0x1  }
0x8a: {  	s1 =	srdreg.scid  }
0x8b: {  	s0 =	sand.u32 $0x1, s1  }
0x8c: {  	s16 =	sshll.u32 s0, $0xA;
	s2 =	sadd.s32 s3, s2  }
0x8d: {  	s2 =	sadd.s32 s2, s16  }
0x8e: {  	[smem:$0x3FAE] =	sst s2  }
0x8f: {  	_ = 	snop  }
0x90: {  	(tm) =	ssettm $0x1  }
0x91: {  	s17 =	sld [smem:$0x3FFB];
	_ =	sdelay $0x3  }
0x92: {  	_ =	strace s17  }
0x93: {  	s2 =	sld [smem:$0x3FFC];
	_ =	sdelay $0x3  }
0x94: {  	_ =	strace s2  }
0x95: {  	s2 =	sld [smem:$0x3FFD];
	_ =	sdelay $0x3  }
0x96: {  	_ =	strace s2  }
0x97: {  	_ =	strace $0x8FFFFFFF  }
0x98: {  	s18 =	sld [smem:$0x3FDB];
	_ =	sdelay $0x1  }
0x99: {  	s19 =	simm.s32 $_scs_section_size  }
0x9a: {  	s4 =	simm.s32 $_size__tile_overlayer_lowered;
	s5 =	simm.s32 $_tile_overlayer_lowered  }
0x9b: {  	s22 =	simm.s32 $0x1BFF;
	s21 =	sshll.u32 s5, $0x1;
	s2 =	sadd.s32 s19, s18  }
0x9c: {  	s6 =	simm.s32 $0x0;
	s20 =	sshll.u32 s4, $0x1;
	s4 =	sadd.s32 s21, s2  }
0x9d: {  	[timem:s6], [sflag:s22] =	dma.local [hbm:s4], s20  }
0x9e: {  	_ =	swait.ge [sflag:s22], s20  }
0x9f: {  	s3 =	ssub.s32 $0x0, s20;
	[sflag:s22] =	ssyncset.done $0x0  }
0xa0: {  	[sflag:s22] =	ssyncadd.s32 s3;
	_ =	sdelay $0x1  }
0xa1: {  	s23 =	simm.s32 $0x1B8B  }
0xa2: {  	_ =	swait.ge [sflag:s23], $0x1  }
0xa3: {  	[sflag:s23] =	ssyncset.done $0x0  }
0xa4: {  	s25 =	simm.s32 $0x1B8E;
	s24 =	sld [smem:$0x3FFE];
	[sflag:s23] =	ssyncadd.s32 $0xFFFFFFFF  }
0xa5: {  	s26 =	simm.s32 $execute0_lowered;
	[smem:$0x3FD2] =	sst s25  }
0xa6: {  	s4 =	sshll.u32 s26, $0x1;
	_ =	strace $0x80000058;
	[dreg:$0x1] =	wrdreg $0xFFFFFFFF  }
0xa7: {  	s28 =	simm.s32 $_size_execute0_lowered;
	s2 =	sadd.s32 s2, s4;
	[dreg:$0x0] =	wrdreg $0x0  }
0xa8: {  	s4 =	sshll.u32 s28, $0x1;
	[dreg:$0x2] =	wrdreg s2  }
0xa9: {  	[dreg:$0x3] =	wrdreg s4  }
0xaa: {  	[dreg:$0x4] =	wrdreg $0xC0  }
0xab: {  	_ =	task [dreg:s6], $0x5FFFF  }
0xac: {  	[dreg:$0x1] =	wrdreg $0xFFFFFFFF  }
0xad: {  	[dreg:$0x0] =	wrdreg $0x60  }
0xae: {  	[dreg:$0x2] =	wrdreg s24  }
0xaf: {  	[dreg:$0x3] =	wrdreg $0x11000  }
0xb0: {  	[dreg:$0x4] =	wrdreg $0x9  }
0xb1: {  	_ =	task.clear_ibuf [dreg:s6], $0x5FFFF;
	_ =	strace $0x90000058  }
0xb2: {  	s29 =	simm.s32 $0x9;
	_ =	strace $0x8000005A  }
0xb3: {  	_ =	swait.ge [sflag:s29], $0x1  }
0xb4: {  	[sflag:s29] =	ssyncadd.s32 $0xFFFFFFFF  }
0xb5: {  	_ =	strace $0x9000005A  }
0xb6: {  	_ =	sfence  }
0xb7: {  	s30 =	sld [smem:$0x0];
	_ =	sdelay $0x2  }
0xb8: {  	s31 =	sshll.u32 s1, $0xD;
	s1 =	sshrl.u32 s1, $0x2  }
0xb9: {  	s3 =	sand.u32 $0x4000, s31;
	s1 =	sadd.s32 s1, s30  }
0xba: {  	s0 =	sor.u32 s3, s0;
	s1 =	sshll.u32 s1, $0x11  }
0xbb: {  	s0 =	sor.u32 s1, s0  }
0xbc: {  	s0 =	sadd.s32 $0x8F2B, s0  }
0xbd: {  	[sflag:s0] =	ssyncadd.remote.s32 $0x1  }
0xbe: {  	_ =	sfence.sel $0xFFFF  }
0xbf: {  	[dreg:$0x0] =	wrdreg $0xFFFFFFFF;
	(pc) =	sbr.abs _section_cstart, $3  }
0xc0: {  	[dreg:$0x1] =	wrdreg $0xFFFFFFFF  }
0xc1: {  	_ =	task.clear_ibuf [dreg:s6], $0x2FFFF;
	_ =	strace $0x9FFFFFFF  }
0xc2: {  	(tm) =	ssettm $0x7FFFFFFF  }
0xc3: {  	_ =	shalt  }
tec
execute0_lowered:
.L_overlay_start_1:
0x0: {  	(tag) =	ssettag $0x1  }
0x1: {  	s5 =	rddreg [dreg:$0x0]  }
0x2: {  	s1 =	rddreg [dreg:$0x1];
	s2 =	srdreg.scid  }
0x3: {  	s0 =	rddreg [dreg:$0x2];
	s3 =	simm.s32 $0x0;
	s6 =	sand.u32 $0x1, s2  }
0x4: {  	s13 =	simm.s32 $0x100;
	s2 =	stileid.u32;
	s7 =	smul.u32 $0x148000, s6  }
0x5: {  	s14 =	simm.s32 $0x1;
	s17 =	simm.s32 $0x0;
	s8 =	smul.u32 $0x14800, s2  }
0x6: {  	[smem:$0x7FF] =	sst s3;
	s4 =	sadd.s32 $0x7E1400, s5;
	s9 =	smul.u32 $0xB700, s6  }
0x7: {  	_ =	strace $0x80000059;
	s10 =	smul.u32 $0x52000, s2;
	s6 =	ssub.s32 $0x2, s6  }
0x8: {  	s12 =	smul.u32 $0xB70, s2;
	s15 =	sshll.u32 s2, $0x6;
	s11 =	sshrl.u32 s6, $0x1  }
0x9: {  	s15 =	sor.u32 $0x1C02, s15;
	s7 =	sadd.s32 s8, s7;
	s9 =	sadd.s32 s9, s5  }
0xa: {  	s10 =	sshrl.u32 s10, $0x2;
	s11 =	ssub.s32 s6, s11;
	s16 =	sadd.s32 s8, s1  }
0xb: {  	s7 =	sshrl.u32 s7, $0x3;
	s9 =	sadd.s32 s12, s9;
	s12 =	simm.s32 $0x80  }
0xc: {  	s16 =	sshrl.u32 s16, $0x3;
	s7 =	sadd.s32 s7, s5;
	s5 =	sadd.s32 s10, s1  }
0xd: {  	s8 =	sadd.s32 $0x1A600, s9;
	s9 =	sadd.s32 $0x3800, s9;
	s10 =	simm.s32 $0x900  }
0xe: {  	v0 =	vimm.f32 $0.0e+00;
	s6 =	sadd.s32 $0x31400, s7;
	s7 =	smax.u32 s11, $0x1;
	s11 =	simm.s32 $0x2  }
.LBB2_1:
0xf: {  	s18 =	simm.s32 $0x0  }
.LBB2_2:
0x10: {  	p0 =	sne.s32 s18, $0x1FC0  }
.Ltmp0:
0x11: {  	_ = 	snop;
	(pc) =	sbr.rel @p0 .LBB2_2-.Ltmp0, $3  }
0x12: {  	_ =	sdelay $0x1  }
0x13: {  	s19 =	sshra.s32 s18, $0x2  }
0x14: {  	s18 =	sadd.s32 $0x40, s18;
	[tilespmem:s19+$0x900] =	vst v0  }
0x15: {  	s18 =	sadd.s32 $0x0, s5  }
0x16: {  	[spmem:s18] =	stream.linear.scatter [tilespmem:s10], [sflag:$0x2], $0x800, $0x38;
	[tilespmem:$0x15900] =	vst v63  }
0x17: {  	s18 =	simm.s32 $0x2000;
	_ =	swait.ge [sflag:s11], $0x800  }
.LBB2_4:
0x18: {  	s19 =	sshra.s32 s18, $0x2;
	[sflag:s11] =	ssyncset.done $0x0;
	p0 =	sne.s32 s18, $0x50000  }
.Ltmp1:
0x19: {  	s19 =	sadd.s32 s19, s5;
	[sflag:s11] =	ssyncadd.s32 $0xFFFFF800;
	(pc) =	sbr.rel @p0 .LBB2_4-.Ltmp1, $3  }
0x1a: {  	[spmem:s19] =	stream.linear.scatter [tilespmem:s10], [sflag:$0x2], $0x800, $0x38;
	[tilespmem:$0x15900] =	vst v63  }
0x1b: {  	s18 =	sadd.s32 $0x2000, s18;
	_ =	sdelay $0x1  }
0x1c: {  	_ =	swait.ge [sflag:s11], $0x800  }
0x1d: {  	[sflag:s11] =	ssyncset.done $0x0  }
0x1e: {  	[sflag:s11] =	ssyncadd.s32 $0xFFFFF800  }
0x1f: {  	s18 =	sadd.s32 $0x0, s9;
	[bflag:$0x0] =	sbarrier.arrive $0xFFFF  }
0x20: {  	[tilespmem:s3], [sflag:$0x2] =	stream.linear.gather [hbm4b:s18+s3], $0x80, $0x38;
	[tilespmem:$0x15900] =	vst v63  }
0x21: {  	_ =	swait.ge [sflag:s11], $0x80  }
0x22: {  	[sflag:s11] =	ssyncset.done $0x0  }
0x23: {  	s31 =	sadd.s32 $0x0, s8;
	[sflag:s11] =	ssyncadd.s32 $0xFFFFFF80  }
0x24: {  	[tilespmem:s12], [sflag:$0x2] =	stream.linear.gather [hbm4b:s31+s3], $0x80, $0x38;
	[tilespmem:$0x15900] =	vst v63  }
0x25: {  	_ =	swait.ge [sflag:s11], $0x80  }
0x26: {  	[sflag:s11] =	ssyncset.done $0x0  }
0x27: {  	[sflag:s11] =	ssyncadd.s32 $0xFFFFFF80  }
0x28: {  	[tilespmem:s13], [sflag:$0x1] =	stream.indirect.gather [hbm4b:s4+s12], $0x10, s3, s12, $0xb8;
	[tilespmem:$0x15900] =	vst v63  }
0x29: {  	_ =	swait.ge [sflag:s14], $0x800  }
0x2a: {  	[sflag:s14] =	ssyncset.done $0x0  }
0x2b: {  	[sflag:s14] =	ssyncadd.s32 $0xFFFFF800  }
0x2c: {  	[spmem:s1] =	stream.indirect.scatter.add.f32 [tilespmem:s13], [sflag:$0x2], $0x10, s12, s12, $0xb8;
	[tilespmem:$0x15900] =	vst v63  }
0x2d: {  	_ =	swait.ge [sflag:s11], $0x800  }
0x2e: {  	s19 =	simm.s32 $0x20;
	s18 =	simm.s32 $0x10;
	[sflag:s11] =	ssyncset.done $0x0  }
.LBB2_6:
0x2f: {  	s20 =	sadd.s32 s18, s9  }
0x30: {  	[sflag:s11] =	ssyncadd.s32 $0xFFFFF800;
	s21 =	smov.u32 s19;
	s22 =	sadd.s32 $0x10, s19  }
0x31: {  	[tilespmem:s3], [sflag:$0x2] =	stream.linear.gather [hbm4b:s20+s3], $0x80, $0x38;
	[tilespmem:$0x15900] =	vst v63  }
0x32: {  	p0 =	sne.s32 s19, $0xB60;
	_ =	swait.ge [sflag:s11], $0x80  }
0x33: {  	[sflag:s11] =	ssyncset.done $0x0  }
0x34: {  	s19 =	sadd.s32 s18, s8;
	s18 =	smov.u32 s21;
	[sflag:s11] =	ssyncadd.s32 $0xFFFFFF80  }
0x35: {  	[tilespmem:s12], [sflag:$0x2] =	stream.linear.gather [hbm4b:s19+s3], $0x80, $0x38;
	[tilespmem:$0x15900] =	vst v63  }
0x36: {  	_ =	swait.ge [sflag:s11], $0x80  }
0x37: {  	[sflag:s11] =	ssyncset.done $0x0  }
0x38: {  	[sflag:s11] =	ssyncadd.s32 $0xFFFFFF80  }
0x39: {  	[tilespmem:s13], [sflag:$0x1] =	stream.indirect.gather [hbm4b:s4+s12], $0x10, s3, s12, $0xb8;
	[tilespmem:$0x15900] =	vst v63  }
0x3a: {  	_ =	swait.ge [sflag:s14], $0x800  }
.Ltmp2:
0x3b: {  	[sflag:s14] =	ssyncset.done $0x0;
	(pc) =	sbr.rel @p0 .LBB2_6-.Ltmp2, $4  }
0x3c: {  	[sflag:s14] =	ssyncadd.s32 $0xFFFFF800  }
0x3d: {  	[spmem:s1] =	stream.indirect.scatter.add.f32 [tilespmem:s13], [sflag:$0x2], $0x10, s12, s12, $0xb8;
	[tilespmem:$0x15900] =	vst v63  }
0x3e: {  	_ =	swait.ge [sflag:s11], $0x800  }
0x3f: {  	s19 =	smov.u32 s22;
	[sflag:s11] =	ssyncset.done $0x0  }
0x40: {  	s19 =	sadd.s32 s18, s9;
	[sflag:s11] =	ssyncadd.s32 $0xFFFFF800  }
0x41: {  	[tilespmem:s3], [sflag:$0x2] =	stream.linear.gather [hbm4b:s19+s3], $0x80, $0x38;
	[tilespmem:$0x15900] =	vst v63  }
0x42: {  	_ =	swait.ge [sflag:s11], $0x80  }
0x43: {  	[sflag:s11] =	ssyncset.done $0x0  }
0x44: {  	s31 =	sadd.s32 s18, s8;
	[sflag:s11] =	ssyncadd.s32 $0xFFFFFF80  }
0x45: {  	[tilespmem:s12], [sflag:$0x2] =	stream.linear.gather [hbm4b:s31+s3], $0x80, $0x38;
	[tilespmem:$0x15900] =	vst v63  }
0x46: {  	_ =	swait.ge [sflag:s11], $0x80  }
0x47: {  	[sflag:s11] =	ssyncset.done $0x0  }
0x48: {  	[sflag:s11] =	ssyncadd.s32 $0xFFFFFF80  }
0x49: {  	[tilespmem:s13], [sflag:$0x1] =	stream.indirect.gather [hbm4b:s4+s12], $0x10, s3, s12, $0xb8;
	[tilespmem:$0x15900] =	vst v63  }
0x4a: {  	_ =	swait.ge [sflag:s14], $0x800  }
0x4b: {  	[sflag:s14] =	ssyncset.done $0x0  }
0x4c: {  	[sflag:s14] =	ssyncadd.s32 $0xFFFFF800  }
0x4d: {  	[spmem:s1] =	stream.indirect.scatter.add.f32 [tilespmem:s13], [sflag:$0x2], $0x10, s12, s12, $0xb8;
	[tilespmem:$0x15900] =	vst v63  }
0x4e: {  	_ =	swait.ge [sflag:s11], $0x800  }
0x4f: {  	s17 =	sadd.s32 $0x1, s17;
	[sflag:s11] =	ssyncset.done $0x0  }
0x50: {  	p0 =	sne.s32 s17, s7;
	[sflag:s11] =	ssyncadd.s32 $0xFFFFF800  }
.Ltmp3:
0x51: {  	[bflag:$0x0] =	sbarrier.arrive $0xFFFF;
	(pc) =	sbr.rel @p0 .LBB2_1-.Ltmp3, $4  }
0x52: {  	[hbm:s6], [sflag:s15] =	dma.local [spmem:s16], $0x2900  }
0x53: {  	_ =	swait.ge [sflag:s11], $0x2900  }
0x54: {  	[sflag:s11] =	ssyncset.done $0x0  }
0x55: {  	[sflag:s11] =	ssyncadd.s32 $0xFFFFD700  }
0x56: {  	_ =	sfence.sel $0x180000  }
0x57: {  	[bflag:$0x0] =	sbarrier.arrive $0xFFFF  }
0x58: {  	p0 =	sne.s32 s2, $0x0;
	_ =	strace $0x90000059  }
0x59: {  	s0 =	sadd.s32 @!p0 $0x100000, s0;
	[bflag:$0x2] =	sbarrier.arrive $0xFFFF  }
0x5a: {  	[sflag:s0] =	ssyncadd.tile.s32 @!p0 $0x1;
	_ =	shalt  }
.Lfunc_end2:
_tile_overlayer_lowered:
.L_overlay_start_2:
0x5b: {  	(tag) =	ssettag $0x2  }
0x5c: {  	s0 =	rddreg [dreg:$0x0];
	s2 =	stileid.u32  }
0x5d: {  	s1 =	rddreg [dreg:$0x1];
	p0 =	sne.s32 s2, $0x0  }
0x5e: {  	s3 =	rddreg [dreg:$0x2];
	[bflag:$0x3] =	sbarrier.arrive $0xFFFF;
	s2 =	simm.s32 @!p0 $0x1C02  }
0x5f: {  	[timem:s3], [sflag:s2] =	dma.local @!p0 [hbm:s0], s1  }
0x60: {  	s0 =	simm.s32 @!p0 $0x2  }
0x61: {  	_ =	swait.ge @!p0 [sflag:s0], s1  }
0x62: {  	s1 =	ssub.s32 @!p0 $0x0, s1;
	[sflag:s0] =	ssyncset.done @!p0 $0x0  }
0x63: {  	[sflag:s0] =	ssyncadd.s32 @!p0 s1  }
0x64: {  	[bflag:$0x3] =	sbarrier.arrive $0xFFFF  }
0x65: {  	_ =	shalt  }

</sc_bundles>
